<compile_context>
chip_gen: v7x
topology: tpu7x:2x2x1
jax: 0.10.2.dev20260603
libtpu: 0.0.44.dev20260713+nightly
codegen_flags: <defaults>
</compile_context>

<pallas_src>
import functools

import jax
import jax.numpy as jnp
from jax import lax
from jax.experimental import pallas as pl
from jax.experimental.pallas import tpu as pltpu
from jax.experimental.pallas import tpu_sc as plsc

N = 10000
HID = 16
NC, NS = 2, 16
NW = NC * NS
CB = 128
NPAD = 10240
RPT = NPAD // NS
NBUF = 4

_mesh = plsc.VectorSubcoreMesh(core_axis_name="c", subcore_axis_name="s")


def _fill(buf, val, rows):
    def body(i, _):
        buf[i, :] = jnp.full((HID,), val, jnp.float32)
        return 0
    lax.fori_loop(0, rows, body, 0)


def _chunk_split(tch):
    return tch // NW, tch % NW


def _make_deg_kernel(tch):
    bpt, rem = _chunk_split(tch)

    @functools.partial(
        pl.kernel,
        mesh=_mesh,
        out_type=jax.ShapeDtypeStruct((NC, NPAD, HID), jnp.float32),
        scratch_types=[
            pltpu.VMEM((bpt + 1, CB), jnp.int32),
            pltpu.VMEM((CB, HID), jnp.float32),
            pltpu.VMEM_SHARED((NPAD, HID), jnp.float32),
            pltpu.SemaphoreType.DMA,
        ],
        compiler_params=pltpu.CompilerParams(use_tc_tiling_on_sc=False),
    )
    def deg_kernel(dst_hbm, out_hbm, dst_v, buf_v, acc_sh, sem):
        c = lax.axis_index("c")
        s = lax.axis_index("s")
        wid = c * NS + s
        cw = bpt * wid + jnp.minimum(wid, rem)
        _fill(buf_v, 0.0, CB)
        for k in range(RPT // CB):
            pltpu.sync_copy(buf_v, acc_sh.at[pl.ds(s * RPT + k * CB, CB)])
        _fill(buf_v, 1.0, CB)
        pltpu.sync_copy(dst_hbm.at[pl.ds(cw, bpt)],
                        dst_v.at[pl.ds(0, bpt)])

        @pl.when(wid < rem)
        def _():
            pltpu.sync_copy(dst_hbm.at[pl.ds(cw + bpt, 1)],
                            dst_v.at[pl.ds(bpt, 1)])
        plsc.subcore_barrier()

        depth = 6
        for j in range(depth):
            pltpu.async_copy(buf_v, acc_sh.at[dst_v.at[j]], sem, add=True)

        def body(j, _):
            pltpu.make_async_copy(out_hbm.at[0, pl.ds(0, CB)], buf_v,
                                  sem).wait()
            pltpu.async_copy(buf_v, acc_sh.at[dst_v.at[j + depth]], sem,
                             add=True)
            return 0
        lax.fori_loop(0, bpt - depth, body, 0)

        @pl.when(wid < rem)
        def _():
            pltpu.async_copy(buf_v, acc_sh.at[dst_v.at[bpt]], sem, add=True)
        for _ in range(depth):
            pltpu.make_async_copy(out_hbm.at[0, pl.ds(0, CB)], buf_v,
                                  sem).wait()

        @pl.when(wid < rem)
        def _():
            pltpu.make_async_copy(out_hbm.at[0, pl.ds(0, CB)], buf_v,
                                  sem).wait()
        plsc.subcore_barrier()
        pltpu.sync_copy(acc_sh.at[pl.ds(s * RPT, RPT)],
                        out_hbm.at[c, pl.ds(s * RPT, RPT)])

    return deg_kernel


def _make_agg_kernel(tch):
    bpt, rem = _chunk_split(tch)

    @functools.partial(
        pl.kernel,
        mesh=_mesh,
        out_type=jax.ShapeDtypeStruct((NC, NPAD, HID), jnp.float32),
        scratch_types=[
            pltpu.VMEM((bpt + 1, CB), jnp.int32),
            pltpu.VMEM((bpt + 1, CB), jnp.int32),
            [pltpu.VMEM((CB, HID), jnp.float32)] * NBUF,
            pltpu.VMEM_SHARED((NPAD, HID), jnp.float32),
            pltpu.VMEM_SHARED((NPAD, HID), jnp.float32),
            [pltpu.SemaphoreType.DMA] * NBUF,
        ],
        compiler_params=pltpu.CompilerParams(use_tc_tiling_on_sc=False),
    )
    def agg_kernel(g_hbm, src_hbm, dst_hbm, out_hbm,
                   src_v, dst_v, bufs, acc_sh, g_sh, sems):
        c = lax.axis_index("c")
        s = lax.axis_index("s")
        wid = c * NS + s
        cw = bpt * wid + jnp.minimum(wid, rem)
        _fill(bufs[0], 0.0, CB)
        for k in range(RPT // CB):
            pltpu.sync_copy(bufs[0], acc_sh.at[pl.ds(s * RPT + k * CB, CB)])
        pltpu.sync_copy(g_hbm.at[pl.ds(s * RPT, RPT)],
                        g_sh.at[pl.ds(s * RPT, RPT)])
        pltpu.sync_copy(src_hbm.at[pl.ds(cw, bpt)], src_v.at[pl.ds(0, bpt)])
        pltpu.sync_copy(dst_hbm.at[pl.ds(cw, bpt)], dst_v.at[pl.ds(0, bpt)])

        @pl.when(wid < rem)
        def _():
            pltpu.sync_copy(src_hbm.at[pl.ds(cw + bpt, 1)],
                            src_v.at[pl.ds(bpt, 1)])
            pltpu.sync_copy(dst_hbm.at[pl.ds(cw + bpt, 1)],
                            dst_v.at[pl.ds(bpt, 1)])
        plsc.subcore_barrier()

        def drain(b):
            pltpu.make_async_copy(g_hbm.at[pl.ds(0, CB)], bufs[b],
                                  sems[b]).wait()

        def emit_visit(j_val, b, bp, with_reuse_wait):
            if with_reuse_wait:
                drain(b)
            pltpu.async_copy(g_sh.at[src_v.at[j_val]], bufs[b], sems[b])
            drain(bp)
            pltpu.async_copy(bufs[bp], acc_sh.at[dst_v.at[j_val - 1]],
                             sems[bp], add=True)

        pltpu.async_copy(g_sh.at[src_v.at[0]], bufs[0], sems[0])
        peel_extra = (bpt - NBUF) % NBUF
        n_rounds = (bpt - NBUF - peel_extra) // NBUF
        for j in range(1, NBUF + peel_extra):
            emit_visit(j, j % NBUF, (j - 1) % NBUF, j >= NBUF)

        j0 = NBUF + peel_extra

        def round_body(g, _):
            base = j0 + g * NBUF
            for u in range(NBUF):
                b = (j0 + u) % NBUF
                bp = (j0 + u - 1) % NBUF
                emit_visit(base + u, b, bp, True)
            return 0
        lax.fori_loop(0, n_rounds, round_body, 0)
        drain((bpt - 1) % NBUF)
        pltpu.async_copy(bufs[(bpt - 1) % NBUF],
                         acc_sh.at[dst_v.at[bpt - 1]],
                         sems[(bpt - 1) % NBUF], add=True)

        for b in range(NBUF):
            drain(b)

        @pl.when(wid < rem)
        def _():
            pltpu.async_copy(g_sh.at[src_v.at[bpt]], bufs[0], sems[0]).wait()
            pltpu.async_copy(bufs[0], acc_sh.at[dst_v.at[bpt]],
                             sems[0], add=True)
            drain(0)
        plsc.subcore_barrier()
        pltpu.sync_copy(acc_sh.at[pl.ds(s * RPT, RPT)],
                        out_hbm.at[c, pl.ds(s * RPT, RPT)])

    return agg_kernel



def _mm_body(x_ref, w1_ref, h_ref):
    h = jnp.dot(x_ref[...], w1_ref[...], preferred_element_type=jnp.float32)
    h_ref[pl.ds(0, N), :] = h
    h_ref[pl.ds(N, NPAD - N), :] = jnp.zeros((NPAD - N, HID), jnp.float32)


def _scale_body(deg_ref, h_ref, dinv_ref, g1_ref):
    deg = deg_ref[0] + deg_ref[1]
    dinv = lax.rsqrt(deg + 1.0)
    dinv_ref[...] = dinv
    g1_ref[...] = dinv * h_ref[...]


def _dense2_body(a_ref, g_ref, dinv_ref, b_ref, w2_ref, g2_ref):
    acc = a_ref[0] + a_ref[1] + g_ref[...]
    h1 = jnp.maximum(dinv_ref[...] * acc + b_ref[...], 0.0)
    g2_ref[...] = dinv_ref[...] * jnp.dot(
        h1, w2_ref[...], preferred_element_type=jnp.float32)


def _final_body(a_ref, g_ref, dinv_ref, b_ref, wfc_ref, bfc_ref, out_ref):
    acc = a_ref[0] + a_ref[1] + g_ref[...]
    h2 = jnp.maximum(dinv_ref[...] * acc + b_ref[...], 0.0)
    mask = lax.broadcasted_iota(jnp.int32, (NPAD, HID), 0) < N
    h2 = jnp.where(mask, h2, 0.0)
    pooled = jnp.sum(h2, axis=0, keepdims=True) * (1.0 / N)
    y = jnp.sum(pooled * wfc_ref[...], axis=1, keepdims=True) + bfc_ref[...]
    out_ref[...] = 1.0 / (1.0 + jnp.exp(-y))


def kernel(x, edge_index, W1, b1, W2, b2, Wfc, bfc):
    E = edge_index.shape[1]
    tch = E // CB
    src2d = edge_index[0].astype(jnp.int32).reshape(tch, CB)
    dst2d = edge_index[1].astype(jnp.int32).reshape(tch, CB)
    h1raw = pl.pallas_call(
        _mm_body,
        out_shape=jax.ShapeDtypeStruct((NPAD, HID), jnp.float32),
    )(x, W1)
    deg_parts = _make_deg_kernel(tch)(dst2d)

    dinv1, g1 = pl.pallas_call(
        _scale_body,
        out_shape=[jax.ShapeDtypeStruct((NPAD, HID), jnp.float32),
                   jax.ShapeDtypeStruct((NPAD, HID), jnp.float32)],
    )(deg_parts, h1raw)

    agg = _make_agg_kernel(tch)
    a1 = agg(g1, src2d, dst2d)

    g2 = pl.pallas_call(
        _dense2_body,
        out_shape=jax.ShapeDtypeStruct((NPAD, HID), jnp.float32),
    )(a1, g1, dinv1, b1.reshape(1, HID), W2)

    a2 = agg(g2, src2d, dst2d)

    y = pl.pallas_call(
        _final_body,
        out_shape=jax.ShapeDtypeStruct((1, 1), jnp.float32),
    )(a2, g2, dinv1, b2.reshape(1, HID), Wfc.reshape(1, HID),
      bfc.reshape(1, 1))
    return y.reshape(1)

# --- scband reference (transcript-rebuilt; emitter-appended) ---
"""Pipeline reference for scband-clique-flux-net-17360257810476 (READ-ONLY COPY).

The authoritative reference and input builder live on the scoring server;
editing this copy changes nothing except your own understanding.
"""

import jax, jax.numpy as jnp
import numpy as np

N_NODES = 10000
N_EDGES = 320000
IN_DIM = 128
HID = 16
OUT_DIM = 1


def gcn_conv(x, edge_index, W, b, num_nodes):
    # PyG-style GCNConv: add self-loops, symmetric normalization, linear transform, scatter-add aggregate
    src = edge_index[0]
    dst = edge_index[1]
    loop = jnp.arange(num_nodes, dtype=src.dtype)
    src = jnp.concatenate([src, loop])
    dst = jnp.concatenate([dst, loop])
    deg = jnp.zeros((num_nodes,), dtype=x.dtype).at[dst].add(1.0)
    dinv = jnp.where(deg > 0, jax.lax.rsqrt(deg), 0.0)
    norm = dinv[src] * dinv[dst]
    h = x @ W
    msg = h[src] * norm[:, None]
    out = jnp.zeros((num_nodes, h.shape[1]), dtype=x.dtype).at[dst].add(msg)
    return out + b


def setup_inputs(seed: int = 0) -> dict:
    key = jax.random.key(seed)
    k_x, k_e, k1, k2, k3, k4, k5, k6 = jax.random.split(key, 8)
    x = jax.random.normal(k_x, (N_NODES, IN_DIM), dtype=jnp.float32)
    edge_index = jax.random.randint(k_e, (2, N_EDGES), 0, N_NODES, dtype=jnp.int64)
    s1 = 1.0 / np.sqrt(IN_DIM)
    s2 = 1.0 / np.sqrt(HID)
    W1 = jax.random.uniform(k1, (IN_DIM, HID), dtype=jnp.float32, minval=-s1, maxval=s1)
    b1 = jax.random.uniform(k2, (HID,), dtype=jnp.float32, minval=-s1, maxval=s1)
    W2 = jax.random.uniform(k3, (HID, HID), dtype=jnp.float32, minval=-s2, maxval=s2)
    b2 = jax.random.uniform(k4, (HID,), dtype=jnp.float32, minval=-s2, maxval=s2)
    Wfc = jax.random.uniform(k5, (HID, OUT_DIM), dtype=jnp.float32, minval=-s2, maxval=s2)
    bfc = jax.random.uniform(k6, (OUT_DIM,), dtype=jnp.float32, minval=-s2, maxval=s2)
    return {"x": x, "edge_index": edge_index, "W1": W1, "b1": b1, "W2": W2, "b2": b2, "Wfc": Wfc, "bfc": bfc}


def reference(x, edge_index, W1, b1, W2, b2, Wfc, bfc):
    num_nodes = x.shape[0]
    h = jax.nn.relu(gcn_conv(x, edge_index, W1, b1, num_nodes))
    h = jax.nn.relu(gcn_conv(h, edge_index, W2, b2, num_nodes))
    pooled = jnp.mean(h, axis=0)
    return jax.nn.sigmoid(pooled @ Wfc + bfc)

if __name__ == "__main__":
    import jax
    _d = setup_inputs()
    print(jax.jit(kernel)(*tuple(_d.values())))

</pallas_src>

<mosaic_0001>
#map = affine_map<(d0, d1) -> (0, 0)>
#map1 = affine_map<(d0, d1) -> (0, 0, 0)>
module attributes {stable_mosaic.version = 14 : i64} {
  func.func @deg_kernel(%arg0: i32, %arg1: i32, %arg2: memref<2500x128xi32, #tpu.memory_space<hbm>>, %arg3: memref<2x10240x16xf32, #tpu.memory_space<hbm>>, %arg4: memref<79x128xi32, #tpu.memory_space<vmem>>, %arg5: memref<128x16xf32, #tpu.memory_space<vmem>>, %arg6: memref<10240x16xf32, #tpu.memory_space<vmem_shared>>, %arg7: memref<!tpu.dma_semaphore, #tpu.memory_space<semaphore_mem>>) attributes {dimension_semantics = [#tpu.dimension_semantics<core_parallel>, #tpu.dimension_semantics<subcore_parallel>], iteration_bounds = array<i64: 2, 16>, scalar_prefetch = 0 : i64, scratch_operands = 4 : i64, tpu.core_type = #tpu.core_type<sc_vector_subcore>, window_params = [{transform_indices = #map}, {transform_indices = #map1}]} {
    %mul3A = arith.constant 16 : i32
    %mul3A_0 = arith.muli %arg0, %mul3A : i32
    %add3A = arith.addi %mul3A_0, %arg1 : i32
    %mul3A_1 = arith.constant 78 : i32
    %mul3A_2 = arith.muli %mul3A_1, %add3A : i32
    %min3A = arith.constant 4 : i32
    %min3A_3 = arith.minsi %add3A, %min3A : i32
    %add3A_4 = arith.addi %mul3A_2, %min3A_3 : i32
    %scan3A = arith.constant 0 : i32
    %scan3A_5 = arith.constant 0 : i32
    %scan3A_6 = arith.constant 128 : i32
    %scan3A_7 = arith.addi %scan3A_5, %scan3A_6 : i32
    %scan3A_8 = arith.constant 1 : i32
    %scan3A_9 = scf.for %scan3A_156 = %scan3A_5 to %scan3A_7 step %scan3A_8 iter_args(%scan3A_157 = %scan3A) -> (i32)  : i32 {
      %broadcast_in_dim3A = arith.constant 0.000000e+00 : f32
      %broadcast_in_dim3A_158 = vector.broadcast %broadcast_in_dim3A : f32 to vector<16xf32>
      %swap3A = arith.index_cast %scan3A_156 : i32 to index
      %swap3A_159 = arith.constant 0 : index
      %swap3A_160 = tpu.vector_load %arg5[%swap3A, %swap3A_159] {strides = array<i32>} : memref<128x16xf32, #tpu.memory_space<vmem>>, vector<1x16xf32>,
      %swap3A_161 = vector.shape_cast %swap3A_160 : vector<1x16xf32> to vector<16xf32>
      %swap3A_162 = vector.shape_cast %broadcast_in_dim3A_158 : vector<16xf32> to vector<1x16xf32>
      tpu.vector_store %arg5[%swap3A, %swap3A_159], %swap3A_162 {strides = array<i32>} : memref<128x16xf32, #tpu.memory_space<vmem>>, vector<1x16xf32>,
      %scan3A_163 = arith.constant 0 : i32
      scf.yield %scan3A_163 : i32
    }
    %scan3A_10 = arith.constant 128 : i32
    %mul3A_11 = arith.constant 640 : i32
    %mul3A_12 = arith.muli %arg1, %mul3A_11 : i32
    %add3A_13 = arith.constant 0 : i32
    %add3A_14 = arith.addi %mul3A_12, %add3A_13 : i32
    "tpu.region"() ({
      %run_scoped3A = tpu.sem_alloc : memref<!tpu.dma_semaphore, #tpu.memory_space<semaphore_mem>>
      %dma_start3A_156 = arith.constant 0 : i32
      %dma_start3A_157 = tpu.memref_slice %arg6[%add3A_14, %dma_start3A_156] : memref<10240x16xf32, #tpu.memory_space<vmem_shared>> -> memref<128x16xf32, #tpu.memory_space<vmem_shared>>
      %dma_start3A_158 = arith.constant 0 : i32
      %dma_start3A_159 = tpu.memref_slice %arg6[%add3A_14, %dma_start3A_158] : memref<10240x16xf32, #tpu.memory_space<vmem_shared>> -> memref<128x16xf32, #tpu.memory_space<vmem_shared>>
      tpu.enqueue_dma source(%arg5 : memref<128x16xf32, #tpu.memory_space<vmem>>) target(%dma_start3A_159 : memref<128x16xf32, #tpu.memory_space<vmem_shared>>) target_semaphore(%run_scoped3A : memref<!tpu.dma_semaphore, #tpu.memory_space<semaphore_mem>>)
      %dma_wait3A_160 = arith.constant 0 : i32
      %dma_wait3A_161 = tpu.memref_slice %arg6[%add3A_14, %dma_wait3A_160] : memref<10240x16xf32, #tpu.memory_space<vmem_shared>> -> memref<128x16xf32, #tpu.memory_space<vmem_shared>>
      %dma_wait3A_162 = arith.constant 0 : i32
      %dma_wait3A_163 = tpu.memref_slice %arg6[%add3A_14, %dma_wait3A_162] : memref<10240x16xf32, #tpu.memory_space<vmem_shared>> -> memref<128x16xf32, #tpu.memory_space<vmem_shared>>
      tpu.wait_dma2 semaphore(%run_scoped3A : memref<!tpu.dma_semaphore, #tpu.memory_space<semaphore_mem>>) src(%arg5 : memref<128x16xf32, #tpu.memory_space<vmem>>) dst(%dma_wait3A_163 : memref<128x16xf32, #tpu.memory_space<vmem_shared>>)
      tpu.yield
    }) : () -> ()
    %mul3A_15 = arith.constant 640 : i32
    %mul3A_16 = arith.muli %arg1, %mul3A_15 : i32
    %add3A_17 = arith.constant 128 : i32
    %add3A_18 = arith.addi %mul3A_16, %add3A_17 : i32
    "tpu.region"() ({
      %run_scoped3A = tpu.sem_alloc : memref<!tpu.dma_semaphore, #tpu.memory_space<semaphore_mem>>
      %dma_start3A_156 = arith.constant 0 : i32
      %dma_start3A_157 = tpu.memref_slice %arg6[%add3A_18, %dma_start3A_156] : memref<10240x16xf32, #tpu.memory_space<vmem_shared>> -> memref<128x16xf32, #tpu.memory_space<vmem_shared>>
      %dma_start3A_158 = arith.constant 0 : i32
      %dma_start3A_159 = tpu.memref_slice %arg6[%add3A_18, %dma_start3A_158] : memref<10240x16xf32, #tpu.memory_space<vmem_shared>> -> memref<128x16xf32, #tpu.memory_space<vmem_shared>>
      tpu.enqueue_dma source(%arg5 : memref<128x16xf32, #tpu.memory_space<vmem>>) target(%dma_start3A_159 : memref<128x16xf32, #tpu.memory_space<vmem_shared>>) target_semaphore(%run_scoped3A : memref<!tpu.dma_semaphore, #tpu.memory_space<semaphore_mem>>)
      %dma_wait3A_160 = arith.constant 0 : i32
      %dma_wait3A_161 = tpu.memref_slice %arg6[%add3A_18, %dma_wait3A_160] : memref<10240x16xf32, #tpu.memory_space<vmem_shared>> -> memref<128x16xf32, #tpu.memory_space<vmem_shared>>
      %dma_wait3A_162 = arith.constant 0 : i32
      %dma_wait3A_163 = tpu.memref_slice %arg6[%add3A_18, %dma_wait3A_162] : memref<10240x16xf32, #tpu.memory_space<vmem_shared>> -> memref<128x16xf32, #tpu.memory_space<vmem_shared>>
      tpu.wait_dma2 semaphore(%run_scoped3A : memref<!tpu.dma_semaphore, #tpu.memory_space<semaphore_mem>>) src(%arg5 : memref<128x16xf32, #tpu.memory_space<vmem>>) dst(%dma_wait3A_163 : memref<128x16xf32, #tpu.memory_space<vmem_shared>>)
      tpu.yield
    }) : () -> ()
    %mul3A_19 = arith.constant 640 : i32
    %mul3A_20 = arith.muli %arg1, %mul3A_19 : i32
    %add3A_21 = arith.constant 256 : i32
    %add3A_22 = arith.addi %mul3A_20, %add3A_21 : i32
    "tpu.region"() ({
      %run_scoped3A = tpu.sem_alloc : memref<!tpu.dma_semaphore, #tpu.memory_space<semaphore_mem>>
      %dma_start3A_156 = arith.constant 0 : i32
      %dma_start3A_157 = tpu.memref_slice %arg6[%add3A_22, %dma_start3A_156] : memref<10240x16xf32, #tpu.memory_space<vmem_shared>> -> memref<128x16xf32, #tpu.memory_space<vmem_shared>>
      %dma_start3A_158 = arith.constant 0 : i32
      %dma_start3A_159 = tpu.memref_slice %arg6[%add3A_22, %dma_start3A_158] : memref<10240x16xf32, #tpu.memory_space<vmem_shared>> -> memref<128x16xf32, #tpu.memory_space<vmem_shared>>
      tpu.enqueue_dma source(%arg5 : memref<128x16xf32, #tpu.memory_space<vmem>>) target(%dma_start3A_159 : memref<128x16xf32, #tpu.memory_space<vmem_shared>>) target_semaphore(%run_scoped3A : memref<!tpu.dma_semaphore, #tpu.memory_space<semaphore_mem>>)
      %dma_wait3A_160 = arith.constant 0 : i32
      %dma_wait3A_161 = tpu.memref_slice %arg6[%add3A_22, %dma_wait3A_160] : memref<10240x16xf32, #tpu.memory_space<vmem_shared>> -> memref<128x16xf32, #tpu.memory_space<vmem_shared>>
      %dma_wait3A_162 = arith.constant 0 : i32
      %dma_wait3A_163 = tpu.memref_slice %arg6[%add3A_22, %dma_wait3A_162] : memref<10240x16xf32, #tpu.memory_space<vmem_shared>> -> memref<128x16xf32, #tpu.memory_space<vmem_shared>>
      tpu.wait_dma2 semaphore(%run_scoped3A : memref<!tpu.dma_semaphore, #tpu.memory_space<semaphore_mem>>) src(%arg5 : memref<128x16xf32, #tpu.memory_space<vmem>>) dst(%dma_wait3A_163 : memref<128x16xf32, #tpu.memory_space<vmem_shared>>)
      tpu.yield
    }) : () -> ()
    %mul3A_23 = arith.constant 640 : i32
    %mul3A_24 = arith.muli %arg1, %mul3A_23 : i32
    %add3A_25 = arith.constant 384 : i32
    %add3A_26 = arith.addi %mul3A_24, %add3A_25 : i32
    "tpu.region"() ({
      %run_scoped3A = tpu.sem_alloc : memref<!tpu.dma_semaphore, #tpu.memory_space<semaphore_mem>>
      %dma_start3A_156 = arith.constant 0 : i32
      %dma_start3A_157 = tpu.memref_slice %arg6[%add3A_26, %dma_start3A_156] : memref<10240x16xf32, #tpu.memory_space<vmem_shared>> -> memref<128x16xf32, #tpu.memory_space<vmem_shared>>
      %dma_start3A_158 = arith.constant 0 : i32
      %dma_start3A_159 = tpu.memref_slice %arg6[%add3A_26, %dma_start3A_158] : memref<10240x16xf32, #tpu.memory_space<vmem_shared>> -> memref<128x16xf32, #tpu.memory_space<vmem_shared>>
      tpu.enqueue_dma source(%arg5 : memref<128x16xf32, #tpu.memory_space<vmem>>) target(%dma_start3A_159 : memref<128x16xf32, #tpu.memory_space<vmem_shared>>) target_semaphore(%run_scoped3A : memref<!tpu.dma_semaphore, #tpu.memory_space<semaphore_mem>>)
      %dma_wait3A_160 = arith.constant 0 : i32
      %dma_wait3A_161 = tpu.memref_slice %arg6[%add3A_26, %dma_wait3A_160] : memref<10240x16xf32, #tpu.memory_space<vmem_shared>> -> memref<128x16xf32, #tpu.memory_space<vmem_shared>>
      %dma_wait3A_162 = arith.constant 0 : i32
      %dma_wait3A_163 = tpu.memref_slice %arg6[%add3A_26, %dma_wait3A_162] : memref<10240x16xf32, #tpu.memory_space<vmem_shared>> -> memref<128x16xf32, #tpu.memory_space<vmem_shared>>
      tpu.wait_dma2 semaphore(%run_scoped3A : memref<!tpu.dma_semaphore, #tpu.memory_space<semaphore_mem>>) src(%arg5 : memref<128x16xf32, #tpu.memory_space<vmem>>) dst(%dma_wait3A_163 : memref<128x16xf32, #tpu.memory_space<vmem_shared>>)
      tpu.yield
    }) : () -> ()
    %mul3A_27 = arith.constant 640 : i32
    %mul3A_28 = arith.muli %arg1, %mul3A_27 : i32
    %add3A_29 = arith.constant 512 : i32
    %add3A_30 = arith.addi %mul3A_28, %add3A_29 : i32
    "tpu.region"() ({
      %run_scoped3A = tpu.sem_alloc : memref<!tpu.dma_semaphore, #tpu.memory_space<semaphore_mem>>
      %dma_start3A_156 = arith.constant 0 : i32
      %dma_start3A_157 = tpu.memref_slice %arg6[%add3A_30, %dma_start3A_156] : memref<10240x16xf32, #tpu.memory_space<vmem_shared>> -> memref<128x16xf32, #tpu.memory_space<vmem_shared>>
      %dma_start3A_158 = arith.constant 0 : i32
      %dma_start3A_159 = tpu.memref_slice %arg6[%add3A_30, %dma_start3A_158] : memref<10240x16xf32, #tpu.memory_space<vmem_shared>> -> memref<128x16xf32, #tpu.memory_space<vmem_shared>>
      tpu.enqueue_dma source(%arg5 : memref<128x16xf32, #tpu.memory_space<vmem>>) target(%dma_start3A_159 : memref<128x16xf32, #tpu.memory_space<vmem_shared>>) target_semaphore(%run_scoped3A : memref<!tpu.dma_semaphore, #tpu.memory_space<semaphore_mem>>)
      %dma_wait3A_160 = arith.constant 0 : i32
      %dma_wait3A_161 = tpu.memref_slice %arg6[%add3A_30, %dma_wait3A_160] : memref<10240x16xf32, #tpu.memory_space<vmem_shared>> -> memref<128x16xf32, #tpu.memory_space<vmem_shared>>
      %dma_wait3A_162 = arith.constant 0 : i32
      %dma_wait3A_163 = tpu.memref_slice %arg6[%add3A_30, %dma_wait3A_162] : memref<10240x16xf32, #tpu.memory_space<vmem_shared>> -> memref<128x16xf32, #tpu.memory_space<vmem_shared>>
      tpu.wait_dma2 semaphore(%run_scoped3A : memref<!tpu.dma_semaphore, #tpu.memory_space<semaphore_mem>>) src(%arg5 : memref<128x16xf32, #tpu.memory_space<vmem>>) dst(%dma_wait3A_163 : memref<128x16xf32, #tpu.memory_space<vmem_shared>>)
      tpu.yield
    }) : () -> ()
    %scan3A_31 = arith.constant 0 : i32
    %scan3A_32 = arith.constant 0 : i32
    %scan3A_33 = arith.constant 128 : i32
    %scan3A_34 = arith.addi %scan3A_32, %scan3A_33 : i32
    %scan3A_35 = arith.constant 1 : i32
    %scan3A_36 = scf.for %scan3A_156 = %scan3A_32 to %scan3A_34 step %scan3A_35 iter_args(%scan3A_157 = %scan3A_31) -> (i32)  : i32 {
      %broadcast_in_dim3A = arith.constant 1.000000e+00 : f32
      %broadcast_in_dim3A_158 = vector.broadcast %broadcast_in_dim3A : f32 to vector<16xf32>
      %swap3A = arith.index_cast %scan3A_156 : i32 to index
      %swap3A_159 = arith.constant 0 : index
      %swap3A_160 = tpu.vector_load %arg5[%swap3A, %swap3A_159] {strides = array<i32>} : memref<128x16xf32, #tpu.memory_space<vmem>>, vector<1x16xf32>,
      %swap3A_161 = vector.shape_cast %swap3A_160 : vector<1x16xf32> to vector<16xf32>
      %swap3A_162 = vector.shape_cast %broadcast_in_dim3A_158 : vector<16xf32> to vector<1x16xf32>
      tpu.vector_store %arg5[%swap3A, %swap3A_159], %swap3A_162 {strides = array<i32>} : memref<128x16xf32, #tpu.memory_space<vmem>>, vector<1x16xf32>,
      %scan3A_163 = arith.constant 0 : i32
      scf.yield %scan3A_163 : i32
    }
    %scan3A_37 = arith.constant 128 : i32
    "tpu.region"() ({
      %run_scoped3A = tpu.sem_alloc : memref<!tpu.dma_semaphore, #tpu.memory_space<semaphore_mem>>
      %dma_start3A_156 = arith.constant 0 : i32
      %dma_start3A_157 = arith.constant 0 : i32
      %dma_start3A_158 = tpu.memref_slice %arg4[%dma_start3A_156, %dma_start3A_157] : memref<79x128xi32, #tpu.memory_space<vmem>> -> memref<78x128xi32, #tpu.memory_space<vmem>>
      %dma_start3A_159 = arith.constant 0 : i32
      %dma_start3A_160 = tpu.memref_slice %arg2[%add3A_4, %dma_start3A_159] : memref<2500x128xi32, #tpu.memory_space<hbm>> -> memref<78x128xi32, #tpu.memory_space<hbm>>
      %dma_start3A_161 = arith.constant 0 : i32
      %dma_start3A_162 = arith.constant 0 : i32
      %dma_start3A_163 = tpu.memref_slice %arg4[%dma_start3A_161, %dma_start3A_162] : memref<79x128xi32, #tpu.memory_space<vmem>> -> memref<78x128xi32, #tpu.memory_space<vmem>>
      %dma_start3A_164 = arith.constant 0 : i32
      %dma_start3A_165 = tpu.memref_slice %arg2[%add3A_4, %dma_start3A_164] : memref<2500x128xi32, #tpu.memory_space<hbm>> -> memref<78x128xi32, #tpu.memory_space<hbm>>
      tpu.enqueue_dma source(%dma_start3A_165 : memref<78x128xi32, #tpu.memory_space<hbm>>) target(%dma_start3A_163 : memref<78x128xi32, #tpu.memory_space<vmem>>) target_semaphore(%run_scoped3A : memref<!tpu.dma_semaphore, #tpu.memory_space<semaphore_mem>>)
      %dma_wait3A_166 = arith.constant 0 : i32
      %dma_wait3A_167 = arith.constant 0 : i32
      %dma_wait3A_168 = tpu.memref_slice %arg4[%dma_wait3A_166, %dma_wait3A_167] : memref<79x128xi32, #tpu.memory_space<vmem>> -> memref<78x128xi32, #tpu.memory_space<vmem>>
      %dma_wait3A_169 = arith.constant 0 : i32
      %dma_wait3A_170 = tpu.memref_slice %arg2[%add3A_4, %dma_wait3A_169] : memref<2500x128xi32, #tpu.memory_space<hbm>> -> memref<78x128xi32, #tpu.memory_space<hbm>>
      %dma_wait3A_171 = arith.constant 0 : i32
      %dma_wait3A_172 = arith.constant 0 : i32
      %dma_wait3A_173 = tpu.memref_slice %arg4[%dma_wait3A_171, %dma_wait3A_172] : memref<79x128xi32, #tpu.memory_space<vmem>> -> memref<78x128xi32, #tpu.memory_space<vmem>>
      %dma_wait3A_174 = arith.constant 0 : i32
      %dma_wait3A_175 = tpu.memref_slice %arg2[%add3A_4, %dma_wait3A_174] : memref<2500x128xi32, #tpu.memory_space<hbm>> -> memref<78x128xi32, #tpu.memory_space<hbm>>
      tpu.wait_dma2 semaphore(%run_scoped3A : memref<!tpu.dma_semaphore, #tpu.memory_space<semaphore_mem>>) src(%dma_wait3A_175 : memref<78x128xi32, #tpu.memory_space<hbm>>) dst(%dma_wait3A_173 : memref<78x128xi32, #tpu.memory_space<vmem>>)
      tpu.yield
    }) : () -> ()
    %lt3A = arith.constant 4 : i32
    %lt3A_38 = arith.cmpi slt, %add3A, %lt3A : i32
    %convert_element_type3A = arith.extui %lt3A_38 : i1 to i32
    %cond3A = arith.constant 0 : i32
    %cond3A_39 = arith.cmpi ne, %convert_element_type3A, %cond3A : i32
    scf.if %cond3A_39 {
      %add3A_156 = arith.constant 78 : i32
      %add3A_157 = arith.addi %add3A_4, %add3A_156 : i32
      "tpu.region"() ({
        %run_scoped3A = tpu.sem_alloc : memref<!tpu.dma_semaphore, #tpu.memory_space<semaphore_mem>>
        %dma_start3A_158 = arith.constant 78 : i32
        %dma_start3A_159 = arith.constant 0 : i32
        %dma_start3A_160 = tpu.memref_slice %arg4[%dma_start3A_158, %dma_start3A_159] : memref<79x128xi32, #tpu.memory_space<vmem>> -> memref<1x128xi32, #tpu.memory_space<vmem>>
        %dma_start3A_161 = arith.constant 0 : i32
        %dma_start3A_162 = tpu.memref_slice %arg2[%add3A_157, %dma_start3A_161] : memref<2500x128xi32, #tpu.memory_space<hbm>> -> memref<1x128xi32, #tpu.memory_space<hbm>>
        %dma_start3A_163 = arith.constant 78 : i32
        %dma_start3A_164 = arith.constant 0 : i32
        %dma_start3A_165 = tpu.memref_slice %arg4[%dma_start3A_163, %dma_start3A_164] : memref<79x128xi32, #tpu.memory_space<vmem>> -> memref<1x128xi32, #tpu.memory_space<vmem>>
        %dma_start3A_166 = arith.constant 0 : i32
        %dma_start3A_167 = tpu.memref_slice %arg2[%add3A_157, %dma_start3A_166] : memref<2500x128xi32, #tpu.memory_space<hbm>> -> memref<1x128xi32, #tpu.memory_space<hbm>>
        tpu.enqueue_dma source(%dma_start3A_167 : memref<1x128xi32, #tpu.memory_space<hbm>>) target(%dma_start3A_165 : memref<1x128xi32, #tpu.memory_space<vmem>>) target_semaphore(%run_scoped3A : memref<!tpu.dma_semaphore, #tpu.memory_space<semaphore_mem>>)
        %dma_wait3A_168 = arith.constant 78 : i32
        %dma_wait3A_169 = arith.constant 0 : i32
        %dma_wait3A_170 = tpu.memref_slice %arg4[%dma_wait3A_168, %dma_wait3A_169] : memref<79x128xi32, #tpu.memory_space<vmem>> -> memref<1x128xi32, #tpu.memory_space<vmem>>
        %dma_wait3A_171 = arith.constant 0 : i32
        %dma_wait3A_172 = tpu.memref_slice %arg2[%add3A_157, %dma_wait3A_171] : memref<2500x128xi32, #tpu.memory_space<hbm>> -> memref<1x128xi32, #tpu.memory_space<hbm>>
        %dma_wait3A_173 = arith.constant 78 : i32
        %dma_wait3A_174 = arith.constant 0 : i32
        %dma_wait3A_175 = tpu.memref_slice %arg4[%dma_wait3A_173, %dma_wait3A_174] : memref<79x128xi32, #tpu.memory_space<vmem>> -> memref<1x128xi32, #tpu.memory_space<vmem>>
        %dma_wait3A_176 = arith.constant 0 : i32
        %dma_wait3A_177 = tpu.memref_slice %arg2[%add3A_157, %dma_wait3A_176] : memref<2500x128xi32, #tpu.memory_space<hbm>> -> memref<1x128xi32, #tpu.memory_space<hbm>>
        tpu.wait_dma2 semaphore(%run_scoped3A : memref<!tpu.dma_semaphore, #tpu.memory_space<semaphore_mem>>) src(%dma_wait3A_177 : memref<1x128xi32, #tpu.memory_space<hbm>>) dst(%dma_wait3A_175 : memref<1x128xi32, #tpu.memory_space<vmem>>)
        tpu.yield
      }) : () -> ()
    } else {
    }
    %barrier3A = arith.constant 0 : index
    tpu.barrier barrier_id(%barrier3A)
    %dma_start3A = arith.constant 0 : i32
    %dma_start3A_40 = arith.constant 0 : i32
    %dma_start3A_41 = tpu.memref_slice %arg4[%dma_start3A, %dma_start3A_40] : memref<79x128xi32, #tpu.memory_space<vmem>> -> memref<1x128xi32, #tpu.memory_space<vmem>>
    %dma_start3A_42 = tpu.memref_squeeze %dma_start3A_41 : memref<1x128xi32, #tpu.memory_space<vmem>> -> memref<128xi32, #tpu.memory_space<vmem>>
    %dma_start3A_43 = arith.constant 0 : i32
    %dma_start3A_44 = arith.constant 0 : i32
    %dma_start3A_45 = tpu.memref_slice %arg6[%dma_start3A_43, %dma_start3A_44] : memref<10240x16xf32, #tpu.memory_space<vmem_shared>> -> memref<10240x16xf32, #tpu.memory_space<vmem_shared>>
    tpu.enqueue_indirect_dma source(%arg5 : memref<128x16xf32, #tpu.memory_space<vmem>>) target(%dma_start3A_45 : memref<10240x16xf32, #tpu.memory_space<vmem_shared>>) offsets(%dma_start3A_42 : memref<128xi32, #tpu.memory_space<vmem>>) semaphore(%arg7 : memref<!tpu.dma_semaphore, #tpu.memory_space<semaphore_mem>>) {add = true}
    %dma_start3A_46 = arith.constant 1 : i32
    %dma_start3A_47 = arith.constant 0 : i32
    %dma_start3A_48 = tpu.memref_slice %arg4[%dma_start3A_46, %dma_start3A_47] : memref<79x128xi32, #tpu.memory_space<vmem>> -> memref<1x128xi32, #tpu.memory_space<vmem>>
    %dma_start3A_49 = tpu.memref_squeeze %dma_start3A_48 : memref<1x128xi32, #tpu.memory_space<vmem>> -> memref<128xi32, #tpu.memory_space<vmem>>
    %dma_start3A_50 = arith.constant 0 : i32
    %dma_start3A_51 = arith.constant 0 : i32
    %dma_start3A_52 = tpu.memref_slice %arg6[%dma_start3A_50, %dma_start3A_51] : memref<10240x16xf32, #tpu.memory_space<vmem_shared>> -> memref<10240x16xf32, #tpu.memory_space<vmem_shared>>
    tpu.enqueue_indirect_dma source(%arg5 : memref<128x16xf32, #tpu.memory_space<vmem>>) target(%dma_start3A_52 : memref<10240x16xf32, #tpu.memory_space<vmem_shared>>) offsets(%dma_start3A_49 : memref<128xi32, #tpu.memory_space<vmem>>) semaphore(%arg7 : memref<!tpu.dma_semaphore, #tpu.memory_space<semaphore_mem>>) {add = true}
    %dma_start3A_53 = arith.constant 2 : i32
    %dma_start3A_54 = arith.constant 0 : i32
    %dma_start3A_55 = tpu.memref_slice %arg4[%dma_start3A_53, %dma_start3A_54] : memref<79x128xi32, #tpu.memory_space<vmem>> -> memref<1x128xi32, #tpu.memory_space<vmem>>
    %dma_start3A_56 = tpu.memref_squeeze %dma_start3A_55 : memref<1x128xi32, #tpu.memory_space<vmem>> -> memref<128xi32, #tpu.memory_space<vmem>>
    %dma_start3A_57 = arith.constant 0 : i32
    %dma_start3A_58 = arith.constant 0 : i32
    %dma_start3A_59 = tpu.memref_slice %arg6[%dma_start3A_57, %dma_start3A_58] : memref<10240x16xf32, #tpu.memory_space<vmem_shared>> -> memref<10240x16xf32, #tpu.memory_space<vmem_shared>>
    tpu.enqueue_indirect_dma source(%arg5 : memref<128x16xf32, #tpu.memory_space<vmem>>) target(%dma_start3A_59 : memref<10240x16xf32, #tpu.memory_space<vmem_shared>>) offsets(%dma_start3A_56 : memref<128xi32, #tpu.memory_space<vmem>>) semaphore(%arg7 : memref<!tpu.dma_semaphore, #tpu.memory_space<semaphore_mem>>) {add = true}
    %dma_start3A_60 = arith.constant 3 : i32
    %dma_start3A_61 = arith.constant 0 : i32
    %dma_start3A_62 = tpu.memref_slice %arg4[%dma_start3A_60, %dma_start3A_61] : memref<79x128xi32, #tpu.memory_space<vmem>> -> memref<1x128xi32, #tpu.memory_space<vmem>>
    %dma_start3A_63 = tpu.memref_squeeze %dma_start3A_62 : memref<1x128xi32, #tpu.memory_space<vmem>> -> memref<128xi32, #tpu.memory_space<vmem>>
    %dma_start3A_64 = arith.constant 0 : i32
    %dma_start3A_65 = arith.constant 0 : i32
    %dma_start3A_66 = tpu.memref_slice %arg6[%dma_start3A_64, %dma_start3A_65] : memref<10240x16xf32, #tpu.memory_space<vmem_shared>> -> memref<10240x16xf32, #tpu.memory_space<vmem_shared>>
    tpu.enqueue_indirect_dma source(%arg5 : memref<128x16xf32, #tpu.memory_space<vmem>>) target(%dma_start3A_66 : memref<10240x16xf32, #tpu.memory_space<vmem_shared>>) offsets(%dma_start3A_63 : memref<128xi32, #tpu.memory_space<vmem>>) semaphore(%arg7 : memref<!tpu.dma_semaphore, #tpu.memory_space<semaphore_mem>>) {add = true}
    %dma_start3A_67 = arith.constant 4 : i32
    %dma_start3A_68 = arith.constant 0 : i32
    %dma_start3A_69 = tpu.memref_slice %arg4[%dma_start3A_67, %dma_start3A_68] : memref<79x128xi32, #tpu.memory_space<vmem>> -> memref<1x128xi32, #tpu.memory_space<vmem>>
    %dma_start3A_70 = tpu.memref_squeeze %dma_start3A_69 : memref<1x128xi32, #tpu.memory_space<vmem>> -> memref<128xi32, #tpu.memory_space<vmem>>
    %dma_start3A_71 = arith.constant 0 : i32
    %dma_start3A_72 = arith.constant 0 : i32
    %dma_start3A_73 = tpu.memref_slice %arg6[%dma_start3A_71, %dma_start3A_72] : memref<10240x16xf32, #tpu.memory_space<vmem_shared>> -> memref<10240x16xf32, #tpu.memory_space<vmem_shared>>
    tpu.enqueue_indirect_dma source(%arg5 : memref<128x16xf32, #tpu.memory_space<vmem>>) target(%dma_start3A_73 : memref<10240x16xf32, #tpu.memory_space<vmem_shared>>) offsets(%dma_start3A_70 : memref<128xi32, #tpu.memory_space<vmem>>) semaphore(%arg7 : memref<!tpu.dma_semaphore, #tpu.memory_space<semaphore_mem>>) {add = true}
    %dma_start3A_74 = arith.constant 5 : i32
    %dma_start3A_75 = arith.constant 0 : i32
    %dma_start3A_76 = tpu.memref_slice %arg4[%dma_start3A_74, %dma_start3A_75] : memref<79x128xi32, #tpu.memory_space<vmem>> -> memref<1x128xi32, #tpu.memory_space<vmem>>
    %dma_start3A_77 = tpu.memref_squeeze %dma_start3A_76 : memref<1x128xi32, #tpu.memory_space<vmem>> -> memref<128xi32, #tpu.memory_space<vmem>>
    %dma_start3A_78 = arith.constant 0 : i32
    %dma_start3A_79 = arith.constant 0 : i32
    %dma_start3A_80 = tpu.memref_slice %arg6[%dma_start3A_78, %dma_start3A_79] : memref<10240x16xf32, #tpu.memory_space<vmem_shared>> -> memref<10240x16xf32, #tpu.memory_space<vmem_shared>>
    tpu.enqueue_indirect_dma source(%arg5 : memref<128x16xf32, #tpu.memory_space<vmem>>) target(%dma_start3A_80 : memref<10240x16xf32, #tpu.memory_space<vmem_shared>>) offsets(%dma_start3A_77 : memref<128xi32, #tpu.memory_space<vmem>>) semaphore(%arg7 : memref<!tpu.dma_semaphore, #tpu.memory_space<semaphore_mem>>) {add = true}
    %scan3A_81 = arith.constant 0 : i32
    %scan3A_82 = arith.constant 0 : i32
    %scan3A_83 = arith.constant 72 : i32
    %scan3A_84 = arith.addi %scan3A_82, %scan3A_83 : i32
    %scan3A_85 = arith.constant 1 : i32
    %scan3A_86 = scf.for %scan3A_156 = %scan3A_82 to %scan3A_84 step %scan3A_85 iter_args(%scan3A_157 = %scan3A_81) -> (i32)  : i32 {
      %dma_wait3A_158 = arith.constant 0 : i32
      %dma_wait3A_159 = arith.constant 0 : i32
      %dma_wait3A_160 = arith.constant 0 : i32
      %dma_wait3A_161 = tpu.memref_slice %arg3[%dma_wait3A_158, %dma_wait3A_159, %dma_wait3A_160] : memref<2x10240x16xf32, #tpu.memory_space<hbm>> -> memref<1x128x16xf32, #tpu.memory_space<hbm>>
      %dma_wait3A_162 = tpu.memref_squeeze %dma_wait3A_161 : memref<1x128x16xf32, #tpu.memory_space<hbm>> -> memref<128x16xf32, #tpu.memory_space<hbm>>
      %dma_wait3A_163 = arith.constant 0 : i32
      %dma_wait3A_164 = arith.constant 0 : i32
      %dma_wait3A_165 = tpu.memref_slice %arg3[%dma_wait3A_158, %dma_wait3A_163, %dma_wait3A_164] : memref<2x10240x16xf32, #tpu.memory_space<hbm>> -> memref<1x128x16xf32, #tpu.memory_space<hbm>>
      %dma_wait3A_166 = tpu.memref_squeeze %dma_wait3A_165 : memref<1x128x16xf32, #tpu.memory_space<hbm>> -> memref<128x16xf32, #tpu.memory_space<hbm>>
      tpu.wait_dma2 semaphore(%arg7 : memref<!tpu.dma_semaphore, #tpu.memory_space<semaphore_mem>>) src(%dma_wait3A_166 : memref<128x16xf32, #tpu.memory_space<hbm>>) dst(%arg5 : memref<128x16xf32, #tpu.memory_space<vmem>>)
      %add3A_167 = arith.constant 6 : i32
      %add3A_168 = arith.addi %scan3A_156, %add3A_167 : i32
      %dma_start3A_169 = arith.constant 0 : i32
      %dma_start3A_170 = tpu.memref_slice %arg4[%add3A_168, %dma_start3A_169] : memref<79x128xi32, #tpu.memory_space<vmem>> -> memref<1x128xi32, #tpu.memory_space<vmem>>
      %dma_start3A_171 = tpu.memref_squeeze %dma_start3A_170 : memref<1x128xi32, #tpu.memory_space<vmem>> -> memref<128xi32, #tpu.memory_space<vmem>>
      %dma_start3A_172 = arith.constant 0 : i32
      %dma_start3A_173 = arith.constant 0 : i32
      %dma_start3A_174 = tpu.memref_slice %arg6[%dma_start3A_172, %dma_start3A_173] : memref<10240x16xf32, #tpu.memory_space<vmem_shared>> -> memref<10240x16xf32, #tpu.memory_space<vmem_shared>>
      tpu.enqueue_indirect_dma source(%arg5 : memref<128x16xf32, #tpu.memory_space<vmem>>) target(%dma_start3A_174 : memref<10240x16xf32, #tpu.memory_space<vmem_shared>>) offsets(%dma_start3A_171 : memref<128xi32, #tpu.memory_space<vmem>>) semaphore(%arg7 : memref<!tpu.dma_semaphore, #tpu.memory_space<semaphore_mem>>) {add = true}
      %scan3A_175 = arith.constant 0 : i32
      scf.yield %scan3A_175 : i32
    }
    %scan3A_87 = arith.constant 72 : i32
    %lt3A_88 = arith.constant 4 : i32
    %lt3A_89 = arith.cmpi slt, %add3A, %lt3A_88 : i32
    %convert_element_type3A_90 = arith.extui %lt3A_89 : i1 to i32
    %cond3A_91 = arith.constant 0 : i32
    %cond3A_92 = arith.cmpi ne, %convert_element_type3A_90, %cond3A_91 : i32
    scf.if %cond3A_92 {
      %dma_start3A_156 = arith.constant 78 : i32
      %dma_start3A_157 = arith.constant 0 : i32
      %dma_start3A_158 = tpu.memref_slice %arg4[%dma_start3A_156, %dma_start3A_157] : memref<79x128xi32, #tpu.memory_space<vmem>> -> memref<1x128xi32, #tpu.memory_space<vmem>>
      %dma_start3A_159 = tpu.memref_squeeze %dma_start3A_158 : memref<1x128xi32, #tpu.memory_space<vmem>> -> memref<128xi32, #tpu.memory_space<vmem>>
      %dma_start3A_160 = arith.constant 0 : i32
      %dma_start3A_161 = arith.constant 0 : i32
      %dma_start3A_162 = tpu.memref_slice %arg6[%dma_start3A_160, %dma_start3A_161] : memref<10240x16xf32, #tpu.memory_space<vmem_shared>> -> memref<10240x16xf32, #tpu.memory_space<vmem_shared>>
      tpu.enqueue_indirect_dma source(%arg5 : memref<128x16xf32, #tpu.memory_space<vmem>>) target(%dma_start3A_162 : memref<10240x16xf32, #tpu.memory_space<vmem_shared>>) offsets(%dma_start3A_159 : memref<128xi32, #tpu.memory_space<vmem>>) semaphore(%arg7 : memref<!tpu.dma_semaphore, #tpu.memory_space<semaphore_mem>>) {add = true}
    } else {
    }
    %dma_wait3A = arith.constant 0 : i32
    %dma_wait3A_93 = arith.constant 0 : i32
    %dma_wait3A_94 = arith.constant 0 : i32
    %dma_wait3A_95 = tpu.memref_slice %arg3[%dma_wait3A, %dma_wait3A_93, %dma_wait3A_94] : memref<2x10240x16xf32, #tpu.memory_space<hbm>> -> memref<1x128x16xf32, #tpu.memory_space<hbm>>
    %dma_wait3A_96 = tpu.memref_squeeze %dma_wait3A_95 : memref<1x128x16xf32, #tpu.memory_space<hbm>> -> memref<128x16xf32, #tpu.memory_space<hbm>>
    %dma_wait3A_97 = arith.constant 0 : i32
    %dma_wait3A_98 = arith.constant 0 : i32
    %dma_wait3A_99 = tpu.memref_slice %arg3[%dma_wait3A, %dma_wait3A_97, %dma_wait3A_98] : memref<2x10240x16xf32, #tpu.memory_space<hbm>> -> memref<1x128x16xf32, #tpu.memory_space<hbm>>
    %dma_wait3A_100 = tpu.memref_squeeze %dma_wait3A_99 : memref<1x128x16xf32, #tpu.memory_space<hbm>> -> memref<128x16xf32, #tpu.memory_space<hbm>>
    tpu.wait_dma2 semaphore(%arg7 : memref<!tpu.dma_semaphore, #tpu.memory_space<semaphore_mem>>) src(%dma_wait3A_100 : memref<128x16xf32, #tpu.memory_space<hbm>>) dst(%arg5 : memref<128x16xf32, #tpu.memory_space<vmem>>)
    %dma_wait3A_101 = arith.constant 0 : i32
    %dma_wait3A_102 = arith.constant 0 : i32
    %dma_wait3A_103 = arith.constant 0 : i32
    %dma_wait3A_104 = tpu.memref_slice %arg3[%dma_wait3A_101, %dma_wait3A_102, %dma_wait3A_103] : memref<2x10240x16xf32, #tpu.memory_space<hbm>> -> memref<1x128x16xf32, #tpu.memory_space<hbm>>
    %dma_wait3A_105 = tpu.memref_squeeze %dma_wait3A_104 : memref<1x128x16xf32, #tpu.memory_space<hbm>> -> memref<128x16xf32, #tpu.memory_space<hbm>>
    %dma_wait3A_106 = arith.constant 0 : i32
    %dma_wait3A_107 = arith.constant 0 : i32
    %dma_wait3A_108 = tpu.memref_slice %arg3[%dma_wait3A_101, %dma_wait3A_106, %dma_wait3A_107] : memref<2x10240x16xf32, #tpu.memory_space<hbm>> -> memref<1x128x16xf32, #tpu.memory_space<hbm>>
    %dma_wait3A_109 = tpu.memref_squeeze %dma_wait3A_108 : memref<1x128x16xf32, #tpu.memory_space<hbm>> -> memref<128x16xf32, #tpu.memory_space<hbm>>
    tpu.wait_dma2 semaphore(%arg7 : memref<!tpu.dma_semaphore, #tpu.memory_space<semaphore_mem>>) src(%dma_wait3A_109 : memref<128x16xf32, #tpu.memory_space<hbm>>) dst(%arg5 : memref<128x16xf32, #tpu.memory_space<vmem>>)
    %dma_wait3A_110 = arith.constant 0 : i32
    %dma_wait3A_111 = arith.constant 0 : i32
    %dma_wait3A_112 = arith.constant 0 : i32
    %dma_wait3A_113 = tpu.memref_slice %arg3[%dma_wait3A_110, %dma_wait3A_111, %dma_wait3A_112] : memref<2x10240x16xf32, #tpu.memory_space<hbm>> -> memref<1x128x16xf32, #tpu.memory_space<hbm>>
    %dma_wait3A_114 = tpu.memref_squeeze %dma_wait3A_113 : memref<1x128x16xf32, #tpu.memory_space<hbm>> -> memref<128x16xf32, #tpu.memory_space<hbm>>
    %dma_wait3A_115 = arith.constant 0 : i32
    %dma_wait3A_116 = arith.constant 0 : i32
    %dma_wait3A_117 = tpu.memref_slice %arg3[%dma_wait3A_110, %dma_wait3A_115, %dma_wait3A_116] : memref<2x10240x16xf32, #tpu.memory_space<hbm>> -> memref<1x128x16xf32, #tpu.memory_space<hbm>>
    %dma_wait3A_118 = tpu.memref_squeeze %dma_wait3A_117 : memref<1x128x16xf32, #tpu.memory_space<hbm>> -> memref<128x16xf32, #tpu.memory_space<hbm>>
    tpu.wait_dma2 semaphore(%arg7 : memref<!tpu.dma_semaphore, #tpu.memory_space<semaphore_mem>>) src(%dma_wait3A_118 : memref<128x16xf32, #tpu.memory_space<hbm>>) dst(%arg5 : memref<128x16xf32, #tpu.memory_space<vmem>>)
    %dma_wait3A_119 = arith.constant 0 : i32
    %dma_wait3A_120 = arith.constant 0 : i32
    %dma_wait3A_121 = arith.constant 0 : i32
    %dma_wait3A_122 = tpu.memref_slice %arg3[%dma_wait3A_119, %dma_wait3A_120, %dma_wait3A_121] : memref<2x10240x16xf32, #tpu.memory_space<hbm>> -> memref<1x128x16xf32, #tpu.memory_space<hbm>>
    %dma_wait3A_123 = tpu.memref_squeeze %dma_wait3A_122 : memref<1x128x16xf32, #tpu.memory_space<hbm>> -> memref<128x16xf32, #tpu.memory_space<hbm>>
    %dma_wait3A_124 = arith.constant 0 : i32
    %dma_wait3A_125 = arith.constant 0 : i32
    %dma_wait3A_126 = tpu.memref_slice %arg3[%dma_wait3A_119, %dma_wait3A_124, %dma_wait3A_125] : memref<2x10240x16xf32, #tpu.memory_space<hbm>> -> memref<1x128x16xf32, #tpu.memory_space<hbm>>
    %dma_wait3A_127 = tpu.memref_squeeze %dma_wait3A_126 : memref<1x128x16xf32, #tpu.memory_space<hbm>> -> memref<128x16xf32, #tpu.memory_space<hbm>>
    tpu.wait_dma2 semaphore(%arg7 : memref<!tpu.dma_semaphore, #tpu.memory_space<semaphore_mem>>) src(%dma_wait3A_127 : memref<128x16xf32, #tpu.memory_space<hbm>>) dst(%arg5 : memref<128x16xf32, #tpu.memory_space<vmem>>)
    %dma_wait3A_128 = arith.constant 0 : i32
    %dma_wait3A_129 = arith.constant 0 : i32
    %dma_wait3A_130 = arith.constant 0 : i32
    %dma_wait3A_131 = tpu.memref_slice %arg3[%dma_wait3A_128, %dma_wait3A_129, %dma_wait3A_130] : memref<2x10240x16xf32, #tpu.memory_space<hbm>> -> memref<1x128x16xf32, #tpu.memory_space<hbm>>
    %dma_wait3A_132 = tpu.memref_squeeze %dma_wait3A_131 : memref<1x128x16xf32, #tpu.memory_space<hbm>> -> memref<128x16xf32, #tpu.memory_space<hbm>>
    %dma_wait3A_133 = arith.constant 0 : i32
    %dma_wait3A_134 = arith.constant 0 : i32
    %dma_wait3A_135 = tpu.memref_slice %arg3[%dma_wait3A_128, %dma_wait3A_133, %dma_wait3A_134] : memref<2x10240x16xf32, #tpu.memory_space<hbm>> -> memref<1x128x16xf32, #tpu.memory_space<hbm>>
    %dma_wait3A_136 = tpu.memref_squeeze %dma_wait3A_135 : memref<1x128x16xf32, #tpu.memory_space<hbm>> -> memref<128x16xf32, #tpu.memory_space<hbm>>
    tpu.wait_dma2 semaphore(%arg7 : memref<!tpu.dma_semaphore, #tpu.memory_space<semaphore_mem>>) src(%dma_wait3A_136 : memref<128x16xf32, #tpu.memory_space<hbm>>) dst(%arg5 : memref<128x16xf32, #tpu.memory_space<vmem>>)
    %dma_wait3A_137 = arith.constant 0 : i32
    %dma_wait3A_138 = arith.constant 0 : i32
    %dma_wait3A_139 = arith.constant 0 : i32
    %dma_wait3A_140 = tpu.memref_slice %arg3[%dma_wait3A_137, %dma_wait3A_138, %dma_wait3A_139] : memref<2x10240x16xf32, #tpu.memory_space<hbm>> -> memref<1x128x16xf32, #tpu.memory_space<hbm>>
    %dma_wait3A_141 = tpu.memref_squeeze %dma_wait3A_140 : memref<1x128x16xf32, #tpu.memory_space<hbm>> -> memref<128x16xf32, #tpu.memory_space<hbm>>
    %dma_wait3A_142 = arith.constant 0 : i32
    %dma_wait3A_143 = arith.constant 0 : i32
    %dma_wait3A_144 = tpu.memref_slice %arg3[%dma_wait3A_137, %dma_wait3A_142, %dma_wait3A_143] : memref<2x10240x16xf32, #tpu.memory_space<hbm>> -> memref<1x128x16xf32, #tpu.memory_space<hbm>>
    %dma_wait3A_145 = tpu.memref_squeeze %dma_wait3A_144 : memref<1x128x16xf32, #tpu.memory_space<hbm>> -> memref<128x16xf32, #tpu.memory_space<hbm>>
    tpu.wait_dma2 semaphore(%arg7 : memref<!tpu.dma_semaphore, #tpu.memory_space<semaphore_mem>>) src(%dma_wait3A_145 : memref<128x16xf32, #tpu.memory_space<hbm>>) dst(%arg5 : memref<128x16xf32, #tpu.memory_space<vmem>>)
    %lt3A_146 = arith.constant 4 : i32
    %lt3A_147 = arith.cmpi slt, %add3A, %lt3A_146 : i32
    %convert_element_type3A_148 = arith.extui %lt3A_147 : i1 to i32
    %cond3A_149 = arith.constant 0 : i32
    %cond3A_150 = arith.cmpi ne, %convert_element_type3A_148, %cond3A_149 : i32
    scf.if %cond3A_150 {
      %dma_wait3A_156 = arith.constant 0 : i32
      %dma_wait3A_157 = arith.constant 0 : i32
      %dma_wait3A_158 = arith.constant 0 : i32
      %dma_wait3A_159 = tpu.memref_slice %arg3[%dma_wait3A_156, %dma_wait3A_157, %dma_wait3A_158] : memref<2x10240x16xf32, #tpu.memory_space<hbm>> -> memref<1x128x16xf32, #tpu.memory_space<hbm>>
      %dma_wait3A_160 = tpu.memref_squeeze %dma_wait3A_159 : memref<1x128x16xf32, #tpu.memory_space<hbm>> -> memref<128x16xf32, #tpu.memory_space<hbm>>
      %dma_wait3A_161 = arith.constant 0 : i32
      %dma_wait3A_162 = arith.constant 0 : i32
      %dma_wait3A_163 = tpu.memref_slice %arg3[%dma_wait3A_156, %dma_wait3A_161, %dma_wait3A_162] : memref<2x10240x16xf32, #tpu.memory_space<hbm>> -> memref<1x128x16xf32, #tpu.memory_space<hbm>>
      %dma_wait3A_164 = tpu.memref_squeeze %dma_wait3A_163 : memref<1x128x16xf32, #tpu.memory_space<hbm>> -> memref<128x16xf32, #tpu.memory_space<hbm>>
      tpu.wait_dma2 semaphore(%arg7 : memref<!tpu.dma_semaphore, #tpu.memory_space<semaphore_mem>>) src(%dma_wait3A_164 : memref<128x16xf32, #tpu.memory_space<hbm>>) dst(%arg5 : memref<128x16xf32, #tpu.memory_space<vmem>>)
    } else {
    }
    %barrier3A_151 = arith.constant 0 : index
    tpu.barrier barrier_id(%barrier3A_151)
    %mul3A_152 = arith.constant 640 : i32
    %mul3A_153 = arith.muli %arg1, %mul3A_152 : i32
    %mul3A_154 = arith.constant 640 : i32
    %mul3A_155 = arith.muli %arg1, %mul3A_154 : i32
    "tpu.region"() ({
      %run_scoped3A = tpu.sem_alloc : memref<!tpu.dma_semaphore, #tpu.memory_space<semaphore_mem>>
      %dma_start3A_156 = arith.constant 0 : i32
      %dma_start3A_157 = tpu.memref_slice %arg3[%arg0, %mul3A_155, %dma_start3A_156] : memref<2x10240x16xf32, #tpu.memory_space<hbm>> -> memref<1x640x16xf32, #tpu.memory_space<hbm>>
      %dma_start3A_158 = tpu.memref_squeeze %dma_start3A_157 : memref<1x640x16xf32, #tpu.memory_space<hbm>> -> memref<640x16xf32, #tpu.memory_space<hbm>>
      %dma_start3A_159 = arith.constant 0 : i32
      %dma_start3A_160 = tpu.memref_slice %arg6[%mul3A_153, %dma_start3A_159] : memref<10240x16xf32, #tpu.memory_space<vmem_shared>> -> memref<640x16xf32, #tpu.memory_space<vmem_shared>>
      tpu.enqueue_dma source(%dma_start3A_160 : memref<640x16xf32, #tpu.memory_space<vmem_shared>>) target(%dma_start3A_158 : memref<640x16xf32, #tpu.memory_space<hbm>>) target_semaphore(%run_scoped3A : memref<!tpu.dma_semaphore, #tpu.memory_space<semaphore_mem>>)
      %dma_wait3A_161 = arith.constant 0 : i32
      %dma_wait3A_162 = tpu.memref_slice %arg3[%arg0, %mul3A_155, %dma_wait3A_161] : memref<2x10240x16xf32, #tpu.memory_space<hbm>> -> memref<1x640x16xf32, #tpu.memory_space<hbm>>
      %dma_wait3A_163 = tpu.memref_squeeze %dma_wait3A_162 : memref<1x640x16xf32, #tpu.memory_space<hbm>> -> memref<640x16xf32, #tpu.memory_space<hbm>>
      %dma_wait3A_164 = arith.constant 0 : i32
      %dma_wait3A_165 = tpu.memref_slice %arg6[%mul3A_153, %dma_wait3A_164] : memref<10240x16xf32, #tpu.memory_space<vmem_shared>> -> memref<640x16xf32, #tpu.memory_space<vmem_shared>>
      tpu.wait_dma2 semaphore(%run_scoped3A : memref<!tpu.dma_semaphore, #tpu.memory_space<semaphore_mem>>) src(%dma_wait3A_165 : memref<640x16xf32, #tpu.memory_space<vmem_shared>>) dst(%dma_wait3A_163 : memref<640x16xf32, #tpu.memory_space<hbm>>)
      tpu.yield
    }) : () -> ()
    return
  }
}

#map = affine_map<(d0, d1) -> (0, 0)>
#map1 = affine_map<(d0, d1) -> (0, 0, 0)>
module attributes {stable_mosaic.version = 14 : i64} {
  func.func @agg_kernel(%arg0: i32, %arg1: i32, %arg2: memref<10240x16xf32, #tpu.memory_space<hbm>>, %arg3: memref<2500x128xi32, #tpu.memory_space<hbm>>, %arg4: memref<2500x128xi32, #tpu.memory_space<hbm>>, %arg5: memref<2x10240x16xf32, #tpu.memory_space<hbm>>, %arg6: memref<79x128xi32, #tpu.memory_space<vmem>>, %arg7: memref<79x128xi32, #tpu.memory_space<vmem>>, %arg8: memref<128x16xf32, #tpu.memory_space<vmem>>, %arg9: memref<128x16xf32, #tpu.memory_space<vmem>>, %arg10: memref<128x16xf32, #tpu.memory_space<vmem>>, %arg11: memref<128x16xf32, #tpu.memory_space<vmem>>, %arg12: memref<10240x16xf32, #tpu.memory_space<vmem_shared>>, %arg13: memref<10240x16xf32, #tpu.memory_space<vmem_shared>>, %arg14: memref<!tpu.dma_semaphore, #tpu.memory_space<semaphore_mem>>, %arg15: memref<!tpu.dma_semaphore, #tpu.memory_space<semaphore_mem>>, %arg16: memref<!tpu.dma_semaphore, #tpu.memory_space<semaphore_mem>>, %arg17: memref<!tpu.dma_semaphore, #tpu.memory_space<semaphore_mem>>) attributes {dimension_semantics = [#tpu.dimension_semantics<core_parallel>, #tpu.dimension_semantics<subcore_parallel>], iteration_bounds = array<i64: 2, 16>, scalar_prefetch = 0 : i64, scratch_operands = 12 : i64, tpu.core_type = #tpu.core_type<sc_vector_subcore>, window_params = [{transform_indices = #map}, {transform_indices = #map}, {transform_indices = #map}, {transform_indices = #map1}]} {
    %mul3A = arith.constant 16 : i32
    %mul3A_0 = arith.muli %arg0, %mul3A : i32
    %add3A = arith.addi %mul3A_0, %arg1 : i32
    %mul3A_1 = arith.constant 78 : i32
    %mul3A_2 = arith.muli %mul3A_1, %add3A : i32
    %min3A = arith.constant 4 : i32
    %min3A_3 = arith.minsi %add3A, %min3A : i32
    %add3A_4 = arith.addi %mul3A_2, %min3A_3 : i32
    %scan3A = arith.constant 0 : i32
    %scan3A_5 = arith.constant 0 : i32
    %scan3A_6 = arith.constant 128 : i32
    %scan3A_7 = arith.addi %scan3A_5, %scan3A_6 : i32
    %scan3A_8 = arith.constant 1 : i32
    %scan3A_9 = scf.for %scan3A_208 = %scan3A_5 to %scan3A_7 step %scan3A_8 iter_args(%scan3A_209 = %scan3A) -> (i32)  : i32 {
      %broadcast_in_dim3A = arith.constant 0.000000e+00 : f32
      %broadcast_in_dim3A_210 = vector.broadcast %broadcast_in_dim3A : f32 to vector<16xf32>
      %swap3A = arith.index_cast %scan3A_208 : i32 to index
      %swap3A_211 = arith.constant 0 : index
      %swap3A_212 = tpu.vector_load %arg8[%swap3A, %swap3A_211] {strides = array<i32>} : memref<128x16xf32, #tpu.memory_space<vmem>>, vector<1x16xf32>,
      %swap3A_213 = vector.shape_cast %swap3A_212 : vector<1x16xf32> to vector<16xf32>
      %swap3A_214 = vector.shape_cast %broadcast_in_dim3A_210 : vector<16xf32> to vector<1x16xf32>
      tpu.vector_store %arg8[%swap3A, %swap3A_211], %swap3A_214 {strides = array<i32>} : memref<128x16xf32, #tpu.memory_space<vmem>>, vector<1x16xf32>,
      %scan3A_215 = arith.constant 0 : i32
      scf.yield %scan3A_215 : i32
    }
    %scan3A_10 = arith.constant 128 : i32
    %mul3A_11 = arith.constant 640 : i32
    %mul3A_12 = arith.muli %arg1, %mul3A_11 : i32
    %add3A_13 = arith.constant 0 : i32
    %add3A_14 = arith.addi %mul3A_12, %add3A_13 : i32
    "tpu.region"() ({
      %run_scoped3A = tpu.sem_alloc : memref<!tpu.dma_semaphore, #tpu.memory_space<semaphore_mem>>
      %dma_start3A_208 = arith.constant 0 : i32
      %dma_start3A_209 = tpu.memref_slice %arg12[%add3A_14, %dma_start3A_208] : memref<10240x16xf32, #tpu.memory_space<vmem_shared>> -> memref<128x16xf32, #tpu.memory_space<vmem_shared>>
      %dma_start3A_210 = arith.constant 0 : i32
      %dma_start3A_211 = tpu.memref_slice %arg12[%add3A_14, %dma_start3A_210] : memref<10240x16xf32, #tpu.memory_space<vmem_shared>> -> memref<128x16xf32, #tpu.memory_space<vmem_shared>>
      tpu.enqueue_dma source(%arg8 : memref<128x16xf32, #tpu.memory_space<vmem>>) target(%dma_start3A_211 : memref<128x16xf32, #tpu.memory_space<vmem_shared>>) target_semaphore(%run_scoped3A : memref<!tpu.dma_semaphore, #tpu.memory_space<semaphore_mem>>)
      %dma_wait3A_212 = arith.constant 0 : i32
      %dma_wait3A_213 = tpu.memref_slice %arg12[%add3A_14, %dma_wait3A_212] : memref<10240x16xf32, #tpu.memory_space<vmem_shared>> -> memref<128x16xf32, #tpu.memory_space<vmem_shared>>
      %dma_wait3A_214 = arith.constant 0 : i32
      %dma_wait3A_215 = tpu.memref_slice %arg12[%add3A_14, %dma_wait3A_214] : memref<10240x16xf32, #tpu.memory_space<vmem_shared>> -> memref<128x16xf32, #tpu.memory_space<vmem_shared>>
      tpu.wait_dma2 semaphore(%run_scoped3A : memref<!tpu.dma_semaphore, #tpu.memory_space<semaphore_mem>>) src(%arg8 : memref<128x16xf32, #tpu.memory_space<vmem>>) dst(%dma_wait3A_215 : memref<128x16xf32, #tpu.memory_space<vmem_shared>>)
      tpu.yield
    }) : () -> ()
    %mul3A_15 = arith.constant 640 : i32
    %mul3A_16 = arith.muli %arg1, %mul3A_15 : i32
    %add3A_17 = arith.constant 128 : i32
    %add3A_18 = arith.addi %mul3A_16, %add3A_17 : i32
    "tpu.region"() ({
      %run_scoped3A = tpu.sem_alloc : memref<!tpu.dma_semaphore, #tpu.memory_space<semaphore_mem>>
      %dma_start3A_208 = arith.constant 0 : i32
      %dma_start3A_209 = tpu.memref_slice %arg12[%add3A_18, %dma_start3A_208] : memref<10240x16xf32, #tpu.memory_space<vmem_shared>> -> memref<128x16xf32, #tpu.memory_space<vmem_shared>>
      %dma_start3A_210 = arith.constant 0 : i32
      %dma_start3A_211 = tpu.memref_slice %arg12[%add3A_18, %dma_start3A_210] : memref<10240x16xf32, #tpu.memory_space<vmem_shared>> -> memref<128x16xf32, #tpu.memory_space<vmem_shared>>
      tpu.enqueue_dma source(%arg8 : memref<128x16xf32, #tpu.memory_space<vmem>>) target(%dma_start3A_211 : memref<128x16xf32, #tpu.memory_space<vmem_shared>>) target_semaphore(%run_scoped3A : memref<!tpu.dma_semaphore, #tpu.memory_space<semaphore_mem>>)
      %dma_wait3A_212 = arith.constant 0 : i32
      %dma_wait3A_213 = tpu.memref_slice %arg12[%add3A_18, %dma_wait3A_212] : memref<10240x16xf32, #tpu.memory_space<vmem_shared>> -> memref<128x16xf32, #tpu.memory_space<vmem_shared>>
      %dma_wait3A_214 = arith.constant 0 : i32
      %dma_wait3A_215 = tpu.memref_slice %arg12[%add3A_18, %dma_wait3A_214] : memref<10240x16xf32, #tpu.memory_space<vmem_shared>> -> memref<128x16xf32, #tpu.memory_space<vmem_shared>>
      tpu.wait_dma2 semaphore(%run_scoped3A : memref<!tpu.dma_semaphore, #tpu.memory_space<semaphore_mem>>) src(%arg8 : memref<128x16xf32, #tpu.memory_space<vmem>>) dst(%dma_wait3A_215 : memref<128x16xf32, #tpu.memory_space<vmem_shared>>)
      tpu.yield
    }) : () -> ()
    %mul3A_19 = arith.constant 640 : i32
    %mul3A_20 = arith.muli %arg1, %mul3A_19 : i32
    %add3A_21 = arith.constant 256 : i32
    %add3A_22 = arith.addi %mul3A_20, %add3A_21 : i32
    "tpu.region"() ({
      %run_scoped3A = tpu.sem_alloc : memref<!tpu.dma_semaphore, #tpu.memory_space<semaphore_mem>>
      %dma_start3A_208 = arith.constant 0 : i32
      %dma_start3A_209 = tpu.memref_slice %arg12[%add3A_22, %dma_start3A_208] : memref<10240x16xf32, #tpu.memory_space<vmem_shared>> -> memref<128x16xf32, #tpu.memory_space<vmem_shared>>
      %dma_start3A_210 = arith.constant 0 : i32
      %dma_start3A_211 = tpu.memref_slice %arg12[%add3A_22, %dma_start3A_210] : memref<10240x16xf32, #tpu.memory_space<vmem_shared>> -> memref<128x16xf32, #tpu.memory_space<vmem_shared>>
      tpu.enqueue_dma source(%arg8 : memref<128x16xf32, #tpu.memory_space<vmem>>) target(%dma_start3A_211 : memref<128x16xf32, #tpu.memory_space<vmem_shared>>) target_semaphore(%run_scoped3A : memref<!tpu.dma_semaphore, #tpu.memory_space<semaphore_mem>>)
      %dma_wait3A_212 = arith.constant 0 : i32
      %dma_wait3A_213 = tpu.memref_slice %arg12[%add3A_22, %dma_wait3A_212] : memref<10240x16xf32, #tpu.memory_space<vmem_shared>> -> memref<128x16xf32, #tpu.memory_space<vmem_shared>>
      %dma_wait3A_214 = arith.constant 0 : i32
      %dma_wait3A_215 = tpu.memref_slice %arg12[%add3A_22, %dma_wait3A_214] : memref<10240x16xf32, #tpu.memory_space<vmem_shared>> -> memref<128x16xf32, #tpu.memory_space<vmem_shared>>
      tpu.wait_dma2 semaphore(%run_scoped3A : memref<!tpu.dma_semaphore, #tpu.memory_space<semaphore_mem>>) src(%arg8 : memref<128x16xf32, #tpu.memory_space<vmem>>) dst(%dma_wait3A_215 : memref<128x16xf32, #tpu.memory_space<vmem_shared>>)
      tpu.yield
    }) : () -> ()
    %mul3A_23 = arith.constant 640 : i32
    %mul3A_24 = arith.muli %arg1, %mul3A_23 : i32
    %add3A_25 = arith.constant 384 : i32
    %add3A_26 = arith.addi %mul3A_24, %add3A_25 : i32
    "tpu.region"() ({
      %run_scoped3A = tpu.sem_alloc : memref<!tpu.dma_semaphore, #tpu.memory_space<semaphore_mem>>
      %dma_start3A_208 = arith.constant 0 : i32
      %dma_start3A_209 = tpu.memref_slice %arg12[%add3A_26, %dma_start3A_208] : memref<10240x16xf32, #tpu.memory_space<vmem_shared>> -> memref<128x16xf32, #tpu.memory_space<vmem_shared>>
      %dma_start3A_210 = arith.constant 0 : i32
      %dma_start3A_211 = tpu.memref_slice %arg12[%add3A_26, %dma_start3A_210] : memref<10240x16xf32, #tpu.memory_space<vmem_shared>> -> memref<128x16xf32, #tpu.memory_space<vmem_shared>>
      tpu.enqueue_dma source(%arg8 : memref<128x16xf32, #tpu.memory_space<vmem>>) target(%dma_start3A_211 : memref<128x16xf32, #tpu.memory_space<vmem_shared>>) target_semaphore(%run_scoped3A : memref<!tpu.dma_semaphore, #tpu.memory_space<semaphore_mem>>)
      %dma_wait3A_212 = arith.constant 0 : i32
      %dma_wait3A_213 = tpu.memref_slice %arg12[%add3A_26, %dma_wait3A_212] : memref<10240x16xf32, #tpu.memory_space<vmem_shared>> -> memref<128x16xf32, #tpu.memory_space<vmem_shared>>
      %dma_wait3A_214 = arith.constant 0 : i32
      %dma_wait3A_215 = tpu.memref_slice %arg12[%add3A_26, %dma_wait3A_214] : memref<10240x16xf32, #tpu.memory_space<vmem_shared>> -> memref<128x16xf32, #tpu.memory_space<vmem_shared>>
      tpu.wait_dma2 semaphore(%run_scoped3A : memref<!tpu.dma_semaphore, #tpu.memory_space<semaphore_mem>>) src(%arg8 : memref<128x16xf32, #tpu.memory_space<vmem>>) dst(%dma_wait3A_215 : memref<128x16xf32, #tpu.memory_space<vmem_shared>>)
      tpu.yield
    }) : () -> ()
    %mul3A_27 = arith.constant 640 : i32
    %mul3A_28 = arith.muli %arg1, %mul3A_27 : i32
    %add3A_29 = arith.constant 512 : i32
    %add3A_30 = arith.addi %mul3A_28, %add3A_29 : i32
    "tpu.region"() ({
      %run_scoped3A = tpu.sem_alloc : memref<!tpu.dma_semaphore, #tpu.memory_space<semaphore_mem>>
      %dma_start3A_208 = arith.constant 0 : i32
      %dma_start3A_209 = tpu.memref_slice %arg12[%add3A_30, %dma_start3A_208] : memref<10240x16xf32, #tpu.memory_space<vmem_shared>> -> memref<128x16xf32, #tpu.memory_space<vmem_shared>>
      %dma_start3A_210 = arith.constant 0 : i32
      %dma_start3A_211 = tpu.memref_slice %arg12[%add3A_30, %dma_start3A_210] : memref<10240x16xf32, #tpu.memory_space<vmem_shared>> -> memref<128x16xf32, #tpu.memory_space<vmem_shared>>
      tpu.enqueue_dma source(%arg8 : memref<128x16xf32, #tpu.memory_space<vmem>>) target(%dma_start3A_211 : memref<128x16xf32, #tpu.memory_space<vmem_shared>>) target_semaphore(%run_scoped3A : memref<!tpu.dma_semaphore, #tpu.memory_space<semaphore_mem>>)
      %dma_wait3A_212 = arith.constant 0 : i32
      %dma_wait3A_213 = tpu.memref_slice %arg12[%add3A_30, %dma_wait3A_212] : memref<10240x16xf32, #tpu.memory_space<vmem_shared>> -> memref<128x16xf32, #tpu.memory_space<vmem_shared>>
      %dma_wait3A_214 = arith.constant 0 : i32
      %dma_wait3A_215 = tpu.memref_slice %arg12[%add3A_30, %dma_wait3A_214] : memref<10240x16xf32, #tpu.memory_space<vmem_shared>> -> memref<128x16xf32, #tpu.memory_space<vmem_shared>>
      tpu.wait_dma2 semaphore(%run_scoped3A : memref<!tpu.dma_semaphore, #tpu.memory_space<semaphore_mem>>) src(%arg8 : memref<128x16xf32, #tpu.memory_space<vmem>>) dst(%dma_wait3A_215 : memref<128x16xf32, #tpu.memory_space<vmem_shared>>)
      tpu.yield
    }) : () -> ()
    %mul3A_31 = arith.constant 640 : i32
    %mul3A_32 = arith.muli %arg1, %mul3A_31 : i32
    %mul3A_33 = arith.constant 640 : i32
    %mul3A_34 = arith.muli %arg1, %mul3A_33 : i32
    "tpu.region"() ({
      %run_scoped3A = tpu.sem_alloc : memref<!tpu.dma_semaphore, #tpu.memory_space<semaphore_mem>>
      %dma_start3A_208 = arith.constant 0 : i32
      %dma_start3A_209 = tpu.memref_slice %arg13[%mul3A_34, %dma_start3A_208] : memref<10240x16xf32, #tpu.memory_space<vmem_shared>> -> memref<640x16xf32, #tpu.memory_space<vmem_shared>>
      %dma_start3A_210 = arith.constant 0 : i32
      %dma_start3A_211 = tpu.memref_slice %arg2[%mul3A_32, %dma_start3A_210] : memref<10240x16xf32, #tpu.memory_space<hbm>> -> memref<640x16xf32, #tpu.memory_space<hbm>>
      tpu.enqueue_dma source(%dma_start3A_211 : memref<640x16xf32, #tpu.memory_space<hbm>>) target(%dma_start3A_209 : memref<640x16xf32, #tpu.memory_space<vmem_shared>>) target_semaphore(%run_scoped3A : memref<!tpu.dma_semaphore, #tpu.memory_space<semaphore_mem>>)
      %dma_wait3A_212 = arith.constant 0 : i32
      %dma_wait3A_213 = tpu.memref_slice %arg13[%mul3A_34, %dma_wait3A_212] : memref<10240x16xf32, #tpu.memory_space<vmem_shared>> -> memref<640x16xf32, #tpu.memory_space<vmem_shared>>
      %dma_wait3A_214 = arith.constant 0 : i32
      %dma_wait3A_215 = tpu.memref_slice %arg2[%mul3A_32, %dma_wait3A_214] : memref<10240x16xf32, #tpu.memory_space<hbm>> -> memref<640x16xf32, #tpu.memory_space<hbm>>
      tpu.wait_dma2 semaphore(%run_scoped3A : memref<!tpu.dma_semaphore, #tpu.memory_space<semaphore_mem>>) src(%dma_wait3A_215 : memref<640x16xf32, #tpu.memory_space<hbm>>) dst(%dma_wait3A_213 : memref<640x16xf32, #tpu.memory_space<vmem_shared>>)
      tpu.yield
    }) : () -> ()
    "tpu.region"() ({
      %run_scoped3A = tpu.sem_alloc : memref<!tpu.dma_semaphore, #tpu.memory_space<semaphore_mem>>
      %dma_start3A_208 = arith.constant 0 : i32
      %dma_start3A_209 = arith.constant 0 : i32
      %dma_start3A_210 = tpu.memref_slice %arg6[%dma_start3A_208, %dma_start3A_209] : memref<79x128xi32, #tpu.memory_space<vmem>> -> memref<78x128xi32, #tpu.memory_space<vmem>>
      %dma_start3A_211 = arith.constant 0 : i32
      %dma_start3A_212 = tpu.memref_slice %arg3[%add3A_4, %dma_start3A_211] : memref<2500x128xi32, #tpu.memory_space<hbm>> -> memref<78x128xi32, #tpu.memory_space<hbm>>
      %dma_start3A_213 = arith.constant 0 : i32
      %dma_start3A_214 = arith.constant 0 : i32
      %dma_start3A_215 = tpu.memref_slice %arg6[%dma_start3A_213, %dma_start3A_214] : memref<79x128xi32, #tpu.memory_space<vmem>> -> memref<78x128xi32, #tpu.memory_space<vmem>>
      %dma_start3A_216 = arith.constant 0 : i32
      %dma_start3A_217 = tpu.memref_slice %arg3[%add3A_4, %dma_start3A_216] : memref<2500x128xi32, #tpu.memory_space<hbm>> -> memref<78x128xi32, #tpu.memory_space<hbm>>
      tpu.enqueue_dma source(%dma_start3A_217 : memref<78x128xi32, #tpu.memory_space<hbm>>) target(%dma_start3A_215 : memref<78x128xi32, #tpu.memory_space<vmem>>) target_semaphore(%run_scoped3A : memref<!tpu.dma_semaphore, #tpu.memory_space<semaphore_mem>>)
      %dma_wait3A_218 = arith.constant 0 : i32
      %dma_wait3A_219 = arith.constant 0 : i32
      %dma_wait3A_220 = tpu.memref_slice %arg6[%dma_wait3A_218, %dma_wait3A_219] : memref<79x128xi32, #tpu.memory_space<vmem>> -> memref<78x128xi32, #tpu.memory_space<vmem>>
      %dma_wait3A_221 = arith.constant 0 : i32
      %dma_wait3A_222 = tpu.memref_slice %arg3[%add3A_4, %dma_wait3A_221] : memref<2500x128xi32, #tpu.memory_space<hbm>> -> memref<78x128xi32, #tpu.memory_space<hbm>>
      %dma_wait3A_223 = arith.constant 0 : i32
      %dma_wait3A_224 = arith.constant 0 : i32
      %dma_wait3A_225 = tpu.memref_slice %arg6[%dma_wait3A_223, %dma_wait3A_224] : memref<79x128xi32, #tpu.memory_space<vmem>> -> memref<78x128xi32, #tpu.memory_space<vmem>>
      %dma_wait3A_226 = arith.constant 0 : i32
      %dma_wait3A_227 = tpu.memref_slice %arg3[%add3A_4, %dma_wait3A_226] : memref<2500x128xi32, #tpu.memory_space<hbm>> -> memref<78x128xi32, #tpu.memory_space<hbm>>
      tpu.wait_dma2 semaphore(%run_scoped3A : memref<!tpu.dma_semaphore, #tpu.memory_space<semaphore_mem>>) src(%dma_wait3A_227 : memref<78x128xi32, #tpu.memory_space<hbm>>) dst(%dma_wait3A_225 : memref<78x128xi32, #tpu.memory_space<vmem>>)
      tpu.yield
    }) : () -> ()
    "tpu.region"() ({
      %run_scoped3A = tpu.sem_alloc : memref<!tpu.dma_semaphore, #tpu.memory_space<semaphore_mem>>
      %dma_start3A_208 = arith.constant 0 : i32
      %dma_start3A_209 = arith.constant 0 : i32
      %dma_start3A_210 = tpu.memref_slice %arg7[%dma_start3A_208, %dma_start3A_209] : memref<79x128xi32, #tpu.memory_space<vmem>> -> memref<78x128xi32, #tpu.memory_space<vmem>>
      %dma_start3A_211 = arith.constant 0 : i32
      %dma_start3A_212 = tpu.memref_slice %arg4[%add3A_4, %dma_start3A_211] : memref<2500x128xi32, #tpu.memory_space<hbm>> -> memref<78x128xi32, #tpu.memory_space<hbm>>
      %dma_start3A_213 = arith.constant 0 : i32
      %dma_start3A_214 = arith.constant 0 : i32
      %dma_start3A_215 = tpu.memref_slice %arg7[%dma_start3A_213, %dma_start3A_214] : memref<79x128xi32, #tpu.memory_space<vmem>> -> memref<78x128xi32, #tpu.memory_space<vmem>>
      %dma_start3A_216 = arith.constant 0 : i32
      %dma_start3A_217 = tpu.memref_slice %arg4[%add3A_4, %dma_start3A_216] : memref<2500x128xi32, #tpu.memory_space<hbm>> -> memref<78x128xi32, #tpu.memory_space<hbm>>
      tpu.enqueue_dma source(%dma_start3A_217 : memref<78x128xi32, #tpu.memory_space<hbm>>) target(%dma_start3A_215 : memref<78x128xi32, #tpu.memory_space<vmem>>) target_semaphore(%run_scoped3A : memref<!tpu.dma_semaphore, #tpu.memory_space<semaphore_mem>>)
      %dma_wait3A_218 = arith.constant 0 : i32
      %dma_wait3A_219 = arith.constant 0 : i32
      %dma_wait3A_220 = tpu.memref_slice %arg7[%dma_wait3A_218, %dma_wait3A_219] : memref<79x128xi32, #tpu.memory_space<vmem>> -> memref<78x128xi32, #tpu.memory_space<vmem>>
      %dma_wait3A_221 = arith.constant 0 : i32
      %dma_wait3A_222 = tpu.memref_slice %arg4[%add3A_4, %dma_wait3A_221] : memref<2500x128xi32, #tpu.memory_space<hbm>> -> memref<78x128xi32, #tpu.memory_space<hbm>>
      %dma_wait3A_223 = arith.constant 0 : i32
      %dma_wait3A_224 = arith.constant 0 : i32
      %dma_wait3A_225 = tpu.memref_slice %arg7[%dma_wait3A_223, %dma_wait3A_224] : memref<79x128xi32, #tpu.memory_space<vmem>> -> memref<78x128xi32, #tpu.memory_space<vmem>>
      %dma_wait3A_226 = arith.constant 0 : i32
      %dma_wait3A_227 = tpu.memref_slice %arg4[%add3A_4, %dma_wait3A_226] : memref<2500x128xi32, #tpu.memory_space<hbm>> -> memref<78x128xi32, #tpu.memory_space<hbm>>
      tpu.wait_dma2 semaphore(%run_scoped3A : memref<!tpu.dma_semaphore, #tpu.memory_space<semaphore_mem>>) src(%dma_wait3A_227 : memref<78x128xi32, #tpu.memory_space<hbm>>) dst(%dma_wait3A_225 : memref<78x128xi32, #tpu.memory_space<vmem>>)
      tpu.yield
    }) : () -> ()
    %lt3A = arith.constant 4 : i32
    %lt3A_35 = arith.cmpi slt, %add3A, %lt3A : i32
    %convert_element_type3A = arith.extui %lt3A_35 : i1 to i32
    %cond3A = arith.constant 0 : i32
    %cond3A_36 = arith.cmpi ne, %convert_element_type3A, %cond3A : i32
    scf.if %cond3A_36 {
      %add3A_208 = arith.constant 78 : i32
      %add3A_209 = arith.addi %add3A_4, %add3A_208 : i32
      "tpu.region"() ({
        %run_scoped3A = tpu.sem_alloc : memref<!tpu.dma_semaphore, #tpu.memory_space<semaphore_mem>>
        %dma_start3A_212 = arith.constant 78 : i32
        %dma_start3A_213 = arith.constant 0 : i32
        %dma_start3A_214 = tpu.memref_slice %arg6[%dma_start3A_212, %dma_start3A_213] : memref<79x128xi32, #tpu.memory_space<vmem>> -> memref<1x128xi32, #tpu.memory_space<vmem>>
        %dma_start3A_215 = arith.constant 0 : i32
        %dma_start3A_216 = tpu.memref_slice %arg3[%add3A_209, %dma_start3A_215] : memref<2500x128xi32, #tpu.memory_space<hbm>> -> memref<1x128xi32, #tpu.memory_space<hbm>>
        %dma_start3A_217 = arith.constant 78 : i32
        %dma_start3A_218 = arith.constant 0 : i32
        %dma_start3A_219 = tpu.memref_slice %arg6[%dma_start3A_217, %dma_start3A_218] : memref<79x128xi32, #tpu.memory_space<vmem>> -> memref<1x128xi32, #tpu.memory_space<vmem>>
        %dma_start3A_220 = arith.constant 0 : i32
        %dma_start3A_221 = tpu.memref_slice %arg3[%add3A_209, %dma_start3A_220] : memref<2500x128xi32, #tpu.memory_space<hbm>> -> memref<1x128xi32, #tpu.memory_space<hbm>>
        tpu.enqueue_dma source(%dma_start3A_221 : memref<1x128xi32, #tpu.memory_space<hbm>>) target(%dma_start3A_219 : memref<1x128xi32, #tpu.memory_space<vmem>>) target_semaphore(%run_scoped3A : memref<!tpu.dma_semaphore, #tpu.memory_space<semaphore_mem>>)
        %dma_wait3A_222 = arith.constant 78 : i32
        %dma_wait3A_223 = arith.constant 0 : i32
        %dma_wait3A_224 = tpu.memref_slice %arg6[%dma_wait3A_222, %dma_wait3A_223] : memref<79x128xi32, #tpu.memory_space<vmem>> -> memref<1x128xi32, #tpu.memory_space<vmem>>
        %dma_wait3A_225 = arith.constant 0 : i32
        %dma_wait3A_226 = tpu.memref_slice %arg3[%add3A_209, %dma_wait3A_225] : memref<2500x128xi32, #tpu.memory_space<hbm>> -> memref<1x128xi32, #tpu.memory_space<hbm>>
        %dma_wait3A_227 = arith.constant 78 : i32
        %dma_wait3A_228 = arith.constant 0 : i32
        %dma_wait3A_229 = tpu.memref_slice %arg6[%dma_wait3A_227, %dma_wait3A_228] : memref<79x128xi32, #tpu.memory_space<vmem>> -> memref<1x128xi32, #tpu.memory_space<vmem>>
        %dma_wait3A_230 = arith.constant 0 : i32
        %dma_wait3A_231 = tpu.memref_slice %arg3[%add3A_209, %dma_wait3A_230] : memref<2500x128xi32, #tpu.memory_space<hbm>> -> memref<1x128xi32, #tpu.memory_space<hbm>>
        tpu.wait_dma2 semaphore(%run_scoped3A : memref<!tpu.dma_semaphore, #tpu.memory_space<semaphore_mem>>) src(%dma_wait3A_231 : memref<1x128xi32, #tpu.memory_space<hbm>>) dst(%dma_wait3A_229 : memref<1x128xi32, #tpu.memory_space<vmem>>)
        tpu.yield
      }) : () -> ()
      %add3A_210 = arith.constant 78 : i32
      %add3A_211 = arith.addi %add3A_4, %add3A_210 : i32
      "tpu.region"() ({
        %run_scoped3A = tpu.sem_alloc : memref<!tpu.dma_semaphore, #tpu.memory_space<semaphore_mem>>
        %dma_start3A_212 = arith.constant 78 : i32
        %dma_start3A_213 = arith.constant 0 : i32
        %dma_start3A_214 = tpu.memref_slice %arg7[%dma_start3A_212, %dma_start3A_213] : memref<79x128xi32, #tpu.memory_space<vmem>> -> memref<1x128xi32, #tpu.memory_space<vmem>>
        %dma_start3A_215 = arith.constant 0 : i32
        %dma_start3A_216 = tpu.memref_slice %arg4[%add3A_211, %dma_start3A_215] : memref<2500x128xi32, #tpu.memory_space<hbm>> -> memref<1x128xi32, #tpu.memory_space<hbm>>
        %dma_start3A_217 = arith.constant 78 : i32
        %dma_start3A_218 = arith.constant 0 : i32
        %dma_start3A_219 = tpu.memref_slice %arg7[%dma_start3A_217, %dma_start3A_218] : memref<79x128xi32, #tpu.memory_space<vmem>> -> memref<1x128xi32, #tpu.memory_space<vmem>>
        %dma_start3A_220 = arith.constant 0 : i32
        %dma_start3A_221 = tpu.memref_slice %arg4[%add3A_211, %dma_start3A_220] : memref<2500x128xi32, #tpu.memory_space<hbm>> -> memref<1x128xi32, #tpu.memory_space<hbm>>
        tpu.enqueue_dma source(%dma_start3A_221 : memref<1x128xi32, #tpu.memory_space<hbm>>) target(%dma_start3A_219 : memref<1x128xi32, #tpu.memory_space<vmem>>) target_semaphore(%run_scoped3A : memref<!tpu.dma_semaphore, #tpu.memory_space<semaphore_mem>>)
        %dma_wait3A_222 = arith.constant 78 : i32
        %dma_wait3A_223 = arith.constant 0 : i32
        %dma_wait3A_224 = tpu.memref_slice %arg7[%dma_wait3A_222, %dma_wait3A_223] : memref<79x128xi32, #tpu.memory_space<vmem>> -> memref<1x128xi32, #tpu.memory_space<vmem>>
        %dma_wait3A_225 = arith.constant 0 : i32
        %dma_wait3A_226 = tpu.memref_slice %arg4[%add3A_211, %dma_wait3A_225] : memref<2500x128xi32, #tpu.memory_space<hbm>> -> memref<1x128xi32, #tpu.memory_space<hbm>>
        %dma_wait3A_227 = arith.constant 78 : i32
        %dma_wait3A_228 = arith.constant 0 : i32
        %dma_wait3A_229 = tpu.memref_slice %arg7[%dma_wait3A_227, %dma_wait3A_228] : memref<79x128xi32, #tpu.memory_space<vmem>> -> memref<1x128xi32, #tpu.memory_space<vmem>>
        %dma_wait3A_230 = arith.constant 0 : i32
        %dma_wait3A_231 = tpu.memref_slice %arg4[%add3A_211, %dma_wait3A_230] : memref<2500x128xi32, #tpu.memory_space<hbm>> -> memref<1x128xi32, #tpu.memory_space<hbm>>
        tpu.wait_dma2 semaphore(%run_scoped3A : memref<!tpu.dma_semaphore, #tpu.memory_space<semaphore_mem>>) src(%dma_wait3A_231 : memref<1x128xi32, #tpu.memory_space<hbm>>) dst(%dma_wait3A_229 : memref<1x128xi32, #tpu.memory_space<vmem>>)
        tpu.yield
      }) : () -> ()
    } else {
    }
    %barrier3A = arith.constant 0 : index
    tpu.barrier barrier_id(%barrier3A)
    %dma_start3A = arith.constant 0 : i32
    %dma_start3A_37 = arith.constant 0 : i32
    %dma_start3A_38 = tpu.memref_slice %arg6[%dma_start3A, %dma_start3A_37] : memref<79x128xi32, #tpu.memory_space<vmem>> -> memref<1x128xi32, #tpu.memory_space<vmem>>
    %dma_start3A_39 = tpu.memref_squeeze %dma_start3A_38 : memref<1x128xi32, #tpu.memory_space<vmem>> -> memref<128xi32, #tpu.memory_space<vmem>>
    %dma_start3A_40 = arith.constant 0 : i32
    %dma_start3A_41 = arith.constant 0 : i32
    %dma_start3A_42 = tpu.memref_slice %arg13[%dma_start3A_40, %dma_start3A_41] : memref<10240x16xf32, #tpu.memory_space<vmem_shared>> -> memref<10240x16xf32, #tpu.memory_space<vmem_shared>>
    tpu.enqueue_indirect_dma source(%dma_start3A_42 : memref<10240x16xf32, #tpu.memory_space<vmem_shared>>) target(%arg8 : memref<128x16xf32, #tpu.memory_space<vmem>>) offsets(%dma_start3A_39 : memref<128xi32, #tpu.memory_space<vmem>>) semaphore(%arg14 : memref<!tpu.dma_semaphore, #tpu.memory_space<semaphore_mem>>)
    %dma_start3A_43 = arith.constant 1 : i32
    %dma_start3A_44 = arith.constant 0 : i32
    %dma_start3A_45 = tpu.memref_slice %arg6[%dma_start3A_43, %dma_start3A_44] : memref<79x128xi32, #tpu.memory_space<vmem>> -> memref<1x128xi32, #tpu.memory_space<vmem>>
    %dma_start3A_46 = tpu.memref_squeeze %dma_start3A_45 : memref<1x128xi32, #tpu.memory_space<vmem>> -> memref<128xi32, #tpu.memory_space<vmem>>
    %dma_start3A_47 = arith.constant 0 : i32
    %dma_start3A_48 = arith.constant 0 : i32
    %dma_start3A_49 = tpu.memref_slice %arg13[%dma_start3A_47, %dma_start3A_48] : memref<10240x16xf32, #tpu.memory_space<vmem_shared>> -> memref<10240x16xf32, #tpu.memory_space<vmem_shared>>
    tpu.enqueue_indirect_dma source(%dma_start3A_49 : memref<10240x16xf32, #tpu.memory_space<vmem_shared>>) target(%arg9 : memref<128x16xf32, #tpu.memory_space<vmem>>) offsets(%dma_start3A_46 : memref<128xi32, #tpu.memory_space<vmem>>) semaphore(%arg15 : memref<!tpu.dma_semaphore, #tpu.memory_space<semaphore_mem>>)
    %dma_wait3A = arith.constant 0 : i32
    %dma_wait3A_50 = arith.constant 0 : i32
    %dma_wait3A_51 = tpu.memref_slice %arg2[%dma_wait3A, %dma_wait3A_50] : memref<10240x16xf32, #tpu.memory_space<hbm>> -> memref<128x16xf32, #tpu.memory_space<hbm>>
    %dma_wait3A_52 = arith.constant 0 : i32
    %dma_wait3A_53 = arith.constant 0 : i32
    %dma_wait3A_54 = tpu.memref_slice %arg2[%dma_wait3A_52, %dma_wait3A_53] : memref<10240x16xf32, #tpu.memory_space<hbm>> -> memref<128x16xf32, #tpu.memory_space<hbm>>
    tpu.wait_dma2 semaphore(%arg14 : memref<!tpu.dma_semaphore, #tpu.memory_space<semaphore_mem>>) src(%dma_wait3A_54 : memref<128x16xf32, #tpu.memory_space<hbm>>) dst(%arg8 : memref<128x16xf32, #tpu.memory_space<vmem>>)
    %dma_start3A_55 = arith.constant 0 : i32
    %dma_start3A_56 = arith.constant 0 : i32
    %dma_start3A_57 = tpu.memref_slice %arg7[%dma_start3A_55, %dma_start3A_56] : memref<79x128xi32, #tpu.memory_space<vmem>> -> memref<1x128xi32, #tpu.memory_space<vmem>>
    %dma_start3A_58 = tpu.memref_squeeze %dma_start3A_57 : memref<1x128xi32, #tpu.memory_space<vmem>> -> memref<128xi32, #tpu.memory_space<vmem>>
    %dma_start3A_59 = arith.constant 0 : i32
    %dma_start3A_60 = arith.constant 0 : i32
    %dma_start3A_61 = tpu.memref_slice %arg12[%dma_start3A_59, %dma_start3A_60] : memref<10240x16xf32, #tpu.memory_space<vmem_shared>> -> memref<10240x16xf32, #tpu.memory_space<vmem_shared>>
    tpu.enqueue_indirect_dma source(%arg8 : memref<128x16xf32, #tpu.memory_space<vmem>>) target(%dma_start3A_61 : memref<10240x16xf32, #tpu.memory_space<vmem_shared>>) offsets(%dma_start3A_58 : memref<128xi32, #tpu.memory_space<vmem>>) semaphore(%arg14 : memref<!tpu.dma_semaphore, #tpu.memory_space<semaphore_mem>>) {add = true}
    %dma_start3A_62 = arith.constant 2 : i32
    %dma_start3A_63 = arith.constant 0 : i32
    %dma_start3A_64 = tpu.memref_slice %arg6[%dma_start3A_62, %dma_start3A_63] : memref<79x128xi32, #tpu.memory_space<vmem>> -> memref<1x128xi32, #tpu.memory_space<vmem>>
    %dma_start3A_65 = tpu.memref_squeeze %dma_start3A_64 : memref<1x128xi32, #tpu.memory_space<vmem>> -> memref<128xi32, #tpu.memory_space<vmem>>
    %dma_start3A_66 = arith.constant 0 : i32
    %dma_start3A_67 = arith.constant 0 : i32
    %dma_start3A_68 = tpu.memref_slice %arg13[%dma_start3A_66, %dma_start3A_67] : memref<10240x16xf32, #tpu.memory_space<vmem_shared>> -> memref<10240x16xf32, #tpu.memory_space<vmem_shared>>
    tpu.enqueue_indirect_dma source(%dma_start3A_68 : memref<10240x16xf32, #tpu.memory_space<vmem_shared>>) target(%arg10 : memref<128x16xf32, #tpu.memory_space<vmem>>) offsets(%dma_start3A_65 : memref<128xi32, #tpu.memory_space<vmem>>) semaphore(%arg16 : memref<!tpu.dma_semaphore, #tpu.memory_space<semaphore_mem>>)
    %dma_wait3A_69 = arith.constant 0 : i32
    %dma_wait3A_70 = arith.constant 0 : i32
    %dma_wait3A_71 = tpu.memref_slice %arg2[%dma_wait3A_69, %dma_wait3A_70] : memref<10240x16xf32, #tpu.memory_space<hbm>> -> memref<128x16xf32, #tpu.memory_space<hbm>>
    %dma_wait3A_72 = arith.constant 0 : i32
    %dma_wait3A_73 = arith.constant 0 : i32
    %dma_wait3A_74 = tpu.memref_slice %arg2[%dma_wait3A_72, %dma_wait3A_73] : memref<10240x16xf32, #tpu.memory_space<hbm>> -> memref<128x16xf32, #tpu.memory_space<hbm>>
    tpu.wait_dma2 semaphore(%arg15 : memref<!tpu.dma_semaphore, #tpu.memory_space<semaphore_mem>>) src(%dma_wait3A_74 : memref<128x16xf32, #tpu.memory_space<hbm>>) dst(%arg9 : memref<128x16xf32, #tpu.memory_space<vmem>>)
    %dma_start3A_75 = arith.constant 1 : i32
    %dma_start3A_76 = arith.constant 0 : i32
    %dma_start3A_77 = tpu.memref_slice %arg7[%dma_start3A_75, %dma_start3A_76] : memref<79x128xi32, #tpu.memory_space<vmem>> -> memref<1x128xi32, #tpu.memory_space<vmem>>
    %dma_start3A_78 = tpu.memref_squeeze %dma_start3A_77 : memref<1x128xi32, #tpu.memory_space<vmem>> -> memref<128xi32, #tpu.memory_space<vmem>>
    %dma_start3A_79 = arith.constant 0 : i32
    %dma_start3A_80 = arith.constant 0 : i32
    %dma_start3A_81 = tpu.memref_slice %arg12[%dma_start3A_79, %dma_start3A_80] : memref<10240x16xf32, #tpu.memory_space<vmem_shared>> -> memref<10240x16xf32, #tpu.memory_space<vmem_shared>>
    tpu.enqueue_indirect_dma source(%arg9 : memref<128x16xf32, #tpu.memory_space<vmem>>) target(%dma_start3A_81 : memref<10240x16xf32, #tpu.memory_space<vmem_shared>>) offsets(%dma_start3A_78 : memref<128xi32, #tpu.memory_space<vmem>>) semaphore(%arg15 : memref<!tpu.dma_semaphore, #tpu.memory_space<semaphore_mem>>) {add = true}
    %dma_start3A_82 = arith.constant 3 : i32
    %dma_start3A_83 = arith.constant 0 : i32
    %dma_start3A_84 = tpu.memref_slice %arg6[%dma_start3A_82, %dma_start3A_83] : memref<79x128xi32, #tpu.memory_space<vmem>> -> memref<1x128xi32, #tpu.memory_space<vmem>>
    %dma_start3A_85 = tpu.memref_squeeze %dma_start3A_84 : memref<1x128xi32, #tpu.memory_space<vmem>> -> memref<128xi32, #tpu.memory_space<vmem>>
    %dma_start3A_86 = arith.constant 0 : i32
    %dma_start3A_87 = arith.constant 0 : i32
    %dma_start3A_88 = tpu.memref_slice %arg13[%dma_start3A_86, %dma_start3A_87] : memref<10240x16xf32, #tpu.memory_space<vmem_shared>> -> memref<10240x16xf32, #tpu.memory_space<vmem_shared>>
    tpu.enqueue_indirect_dma source(%dma_start3A_88 : memref<10240x16xf32, #tpu.memory_space<vmem_shared>>) target(%arg11 : memref<128x16xf32, #tpu.memory_space<vmem>>) offsets(%dma_start3A_85 : memref<128xi32, #tpu.memory_space<vmem>>) semaphore(%arg17 : memref<!tpu.dma_semaphore, #tpu.memory_space<semaphore_mem>>)
    %dma_wait3A_89 = arith.constant 0 : i32
    %dma_wait3A_90 = arith.constant 0 : i32
    %dma_wait3A_91 = tpu.memref_slice %arg2[%dma_wait3A_89, %dma_wait3A_90] : memref<10240x16xf32, #tpu.memory_space<hbm>> -> memref<128x16xf32, #tpu.memory_space<hbm>>
    %dma_wait3A_92 = arith.constant 0 : i32
    %dma_wait3A_93 = arith.constant 0 : i32
    %dma_wait3A_94 = tpu.memref_slice %arg2[%dma_wait3A_92, %dma_wait3A_93] : memref<10240x16xf32, #tpu.memory_space<hbm>> -> memref<128x16xf32, #tpu.memory_space<hbm>>
    tpu.wait_dma2 semaphore(%arg16 : memref<!tpu.dma_semaphore, #tpu.memory_space<semaphore_mem>>) src(%dma_wait3A_94 : memref<128x16xf32, #tpu.memory_space<hbm>>) dst(%arg10 : memref<128x16xf32, #tpu.memory_space<vmem>>)
    %dma_start3A_95 = arith.constant 2 : i32
    %dma_start3A_96 = arith.constant 0 : i32
    %dma_start3A_97 = tpu.memref_slice %arg7[%dma_start3A_95, %dma_start3A_96] : memref<79x128xi32, #tpu.memory_space<vmem>> -> memref<1x128xi32, #tpu.memory_space<vmem>>
    %dma_start3A_98 = tpu.memref_squeeze %dma_start3A_97 : memref<1x128xi32, #tpu.memory_space<vmem>> -> memref<128xi32, #tpu.memory_space<vmem>>
    %dma_start3A_99 = arith.constant 0 : i32
    %dma_start3A_100 = arith.constant 0 : i32
    %dma_start3A_101 = tpu.memref_slice %arg12[%dma_start3A_99, %dma_start3A_100] : memref<10240x16xf32, #tpu.memory_space<vmem_shared>> -> memref<10240x16xf32, #tpu.memory_space<vmem_shared>>
    tpu.enqueue_indirect_dma source(%arg10 : memref<128x16xf32, #tpu.memory_space<vmem>>) target(%dma_start3A_101 : memref<10240x16xf32, #tpu.memory_space<vmem_shared>>) offsets(%dma_start3A_98 : memref<128xi32, #tpu.memory_space<vmem>>) semaphore(%arg16 : memref<!tpu.dma_semaphore, #tpu.memory_space<semaphore_mem>>) {add = true}
    %dma_wait3A_102 = arith.constant 0 : i32
    %dma_wait3A_103 = arith.constant 0 : i32
    %dma_wait3A_104 = tpu.memref_slice %arg2[%dma_wait3A_102, %dma_wait3A_103] : memref<10240x16xf32, #tpu.memory_space<hbm>> -> memref<128x16xf32, #tpu.memory_space<hbm>>
    %dma_wait3A_105 = arith.constant 0 : i32
    %dma_wait3A_106 = arith.constant 0 : i32
    %dma_wait3A_107 = tpu.memref_slice %arg2[%dma_wait3A_105, %dma_wait3A_106] : memref<10240x16xf32, #tpu.memory_space<hbm>> -> memref<128x16xf32, #tpu.memory_space<hbm>>
    tpu.wait_dma2 semaphore(%arg14 : memref<!tpu.dma_semaphore, #tpu.memory_space<semaphore_mem>>) src(%dma_wait3A_107 : memref<128x16xf32, #tpu.memory_space<hbm>>) dst(%arg8 : memref<128x16xf32, #tpu.memory_space<vmem>>)
    %dma_start3A_108 = arith.constant 4 : i32
    %dma_start3A_109 = arith.constant 0 : i32
    %dma_start3A_110 = tpu.memref_slice %arg6[%dma_start3A_108, %dma_start3A_109] : memref<79x128xi32, #tpu.memory_space<vmem>> -> memref<1x128xi32, #tpu.memory_space<vmem>>
    %dma_start3A_111 = tpu.memref_squeeze %dma_start3A_110 : memref<1x128xi32, #tpu.memory_space<vmem>> -> memref<128xi32, #tpu.memory_space<vmem>>
    %dma_start3A_112 = arith.constant 0 : i32
    %dma_start3A_113 = arith.constant 0 : i32
    %dma_start3A_114 = tpu.memref_slice %arg13[%dma_start3A_112, %dma_start3A_113] : memref<10240x16xf32, #tpu.memory_space<vmem_shared>> -> memref<10240x16xf32, #tpu.memory_space<vmem_shared>>
    tpu.enqueue_indirect_dma source(%dma_start3A_114 : memref<10240x16xf32, #tpu.memory_space<vmem_shared>>) target(%arg8 : memref<128x16xf32, #tpu.memory_space<vmem>>) offsets(%dma_start3A_111 : memref<128xi32, #tpu.memory_space<vmem>>) semaphore(%arg14 : memref<!tpu.dma_semaphore, #tpu.memory_space<semaphore_mem>>)
    %dma_wait3A_115 = arith.constant 0 : i32
    %dma_wait3A_116 = arith.constant 0 : i32
    %dma_wait3A_117 = tpu.memref_slice %arg2[%dma_wait3A_115, %dma_wait3A_116] : memref<10240x16xf32, #tpu.memory_space<hbm>> -> memref<128x16xf32, #tpu.memory_space<hbm>>
    %dma_wait3A_118 = arith.constant 0 : i32
    %dma_wait3A_119 = arith.constant 0 : i32
    %dma_wait3A_120 = tpu.memref_slice %arg2[%dma_wait3A_118, %dma_wait3A_119] : memref<10240x16xf32, #tpu.memory_space<hbm>> -> memref<128x16xf32, #tpu.memory_space<hbm>>
    tpu.wait_dma2 semaphore(%arg17 : memref<!tpu.dma_semaphore, #tpu.memory_space<semaphore_mem>>) src(%dma_wait3A_120 : memref<128x16xf32, #tpu.memory_space<hbm>>) dst(%arg11 : memref<128x16xf32, #tpu.memory_space<vmem>>)
    %dma_start3A_121 = arith.constant 3 : i32
    %dma_start3A_122 = arith.constant 0 : i32
    %dma_start3A_123 = tpu.memref_slice %arg7[%dma_start3A_121, %dma_start3A_122] : memref<79x128xi32, #tpu.memory_space<vmem>> -> memref<1x128xi32, #tpu.memory_space<vmem>>
    %dma_start3A_124 = tpu.memref_squeeze %dma_start3A_123 : memref<1x128xi32, #tpu.memory_space<vmem>> -> memref<128xi32, #tpu.memory_space<vmem>>
    %dma_start3A_125 = arith.constant 0 : i32
    %dma_start3A_126 = arith.constant 0 : i32
    %dma_start3A_127 = tpu.memref_slice %arg12[%dma_start3A_125, %dma_start3A_126] : memref<10240x16xf32, #tpu.memory_space<vmem_shared>> -> memref<10240x16xf32, #tpu.memory_space<vmem_shared>>
    tpu.enqueue_indirect_dma source(%arg11 : memref<128x16xf32, #tpu.memory_space<vmem>>) target(%dma_start3A_127 : memref<10240x16xf32, #tpu.memory_space<vmem_shared>>) offsets(%dma_start3A_124 : memref<128xi32, #tpu.memory_space<vmem>>) semaphore(%arg17 : memref<!tpu.dma_semaphore, #tpu.memory_space<semaphore_mem>>) {add = true}
    %dma_wait3A_128 = arith.constant 0 : i32
    %dma_wait3A_129 = arith.constant 0 : i32
    %dma_wait3A_130 = tpu.memref_slice %arg2[%dma_wait3A_128, %dma_wait3A_129] : memref<10240x16xf32, #tpu.memory_space<hbm>> -> memref<128x16xf32, #tpu.memory_space<hbm>>
    %dma_wait3A_131 = arith.constant 0 : i32
    %dma_wait3A_132 = arith.constant 0 : i32
    %dma_wait3A_133 = tpu.memref_slice %arg2[%dma_wait3A_131, %dma_wait3A_132] : memref<10240x16xf32, #tpu.memory_space<hbm>> -> memref<128x16xf32, #tpu.memory_space<hbm>>
    tpu.wait_dma2 semaphore(%arg15 : memref<!tpu.dma_semaphore, #tpu.memory_space<semaphore_mem>>) src(%dma_wait3A_133 : memref<128x16xf32, #tpu.memory_space<hbm>>) dst(%arg9 : memref<128x16xf32, #tpu.memory_space<vmem>>)
    %dma_start3A_134 = arith.constant 5 : i32
    %dma_start3A_135 = arith.constant 0 : i32
    %dma_start3A_136 = tpu.memref_slice %arg6[%dma_start3A_134, %dma_start3A_135] : memref<79x128xi32, #tpu.memory_space<vmem>> -> memref<1x128xi32, #tpu.memory_space<vmem>>
    %dma_start3A_137 = tpu.memref_squeeze %dma_start3A_136 : memref<1x128xi32, #tpu.memory_space<vmem>> -> memref<128xi32, #tpu.memory_space<vmem>>
    %dma_start3A_138 = arith.constant 0 : i32
    %dma_start3A_139 = arith.constant 0 : i32
    %dma_start3A_140 = tpu.memref_slice %arg13[%dma_start3A_138, %dma_start3A_139] : memref<10240x16xf32, #tpu.memory_space<vmem_shared>> -> memref<10240x16xf32, #tpu.memory_space<vmem_shared>>
    tpu.enqueue_indirect_dma source(%dma_start3A_140 : memref<10240x16xf32, #tpu.memory_space<vmem_shared>>) target(%arg9 : memref<128x16xf32, #tpu.memory_space<vmem>>) offsets(%dma_start3A_137 : memref<128xi32, #tpu.memory_space<vmem>>) semaphore(%arg15 : memref<!tpu.dma_semaphore, #tpu.memory_space<semaphore_mem>>)
    %dma_wait3A_141 = arith.constant 0 : i32
    %dma_wait3A_142 = arith.constant 0 : i32
    %dma_wait3A_143 = tpu.memref_slice %arg2[%dma_wait3A_141, %dma_wait3A_142] : memref<10240x16xf32, #tpu.memory_space<hbm>> -> memref<128x16xf32, #tpu.memory_space<hbm>>
    %dma_wait3A_144 = arith.constant 0 : i32
    %dma_wait3A_145 = arith.constant 0 : i32
    %dma_wait3A_146 = tpu.memref_slice %arg2[%dma_wait3A_144, %dma_wait3A_145] : memref<10240x16xf32, #tpu.memory_space<hbm>> -> memref<128x16xf32, #tpu.memory_space<hbm>>
    tpu.wait_dma2 semaphore(%arg14 : memref<!tpu.dma_semaphore, #tpu.memory_space<semaphore_mem>>) src(%dma_wait3A_146 : memref<128x16xf32, #tpu.memory_space<hbm>>) dst(%arg8 : memref<128x16xf32, #tpu.memory_space<vmem>>)
    %dma_start3A_147 = arith.constant 4 : i32
    %dma_start3A_148 = arith.constant 0 : i32
    %dma_start3A_149 = tpu.memref_slice %arg7[%dma_start3A_147, %dma_start3A_148] : memref<79x128xi32, #tpu.memory_space<vmem>> -> memref<1x128xi32, #tpu.memory_space<vmem>>
    %dma_start3A_150 = tpu.memref_squeeze %dma_start3A_149 : memref<1x128xi32, #tpu.memory_space<vmem>> -> memref<128xi32, #tpu.memory_space<vmem>>
    %dma_start3A_151 = arith.constant 0 : i32
    %dma_start3A_152 = arith.constant 0 : i32
    %dma_start3A_153 = tpu.memref_slice %arg12[%dma_start3A_151, %dma_start3A_152] : memref<10240x16xf32, #tpu.memory_space<vmem_shared>> -> memref<10240x16xf32, #tpu.memory_space<vmem_shared>>
    tpu.enqueue_indirect_dma source(%arg8 : memref<128x16xf32, #tpu.memory_space<vmem>>) target(%dma_start3A_153 : memref<10240x16xf32, #tpu.memory_space<vmem_shared>>) offsets(%dma_start3A_150 : memref<128xi32, #tpu.memory_space<vmem>>) semaphore(%arg14 : memref<!tpu.dma_semaphore, #tpu.memory_space<semaphore_mem>>) {add = true}
    %scan3A_154 = arith.constant 0 : i32
    %scan3A_155 = arith.constant 0 : i32
    %scan3A_156 = arith.constant 18 : i32
    %scan3A_157 = arith.addi %scan3A_155, %scan3A_156 : i32
    %scan3A_158 = arith.constant 1 : i32
    %scan3A_159 = scf.for %scan3A_208 = %scan3A_155 to %scan3A_157 step %scan3A_158 iter_args(%scan3A_209 = %scan3A_154) -> (i32)  : i32 {
      %mul3A_210 = arith.constant 4 : i32
      %mul3A_211 = arith.muli %scan3A_208, %mul3A_210 : i32
      %add3A_212 = arith.constant 6 : i32
      %add3A_213 = arith.addi %add3A_212, %mul3A_211 : i32
      %add3A_214 = arith.constant 0 : i32
      %add3A_215 = arith.addi %add3A_213, %add3A_214 : i32
      %dma_wait3A_216 = arith.constant 0 : i32
      %dma_wait3A_217 = arith.constant 0 : i32
      %dma_wait3A_218 = tpu.memref_slice %arg2[%dma_wait3A_216, %dma_wait3A_217] : memref<10240x16xf32, #tpu.memory_space<hbm>> -> memref<128x16xf32, #tpu.memory_space<hbm>>
      %dma_wait3A_219 = arith.constant 0 : i32
      %dma_wait3A_220 = arith.constant 0 : i32
      %dma_wait3A_221 = tpu.memref_slice %arg2[%dma_wait3A_219, %dma_wait3A_220] : memref<10240x16xf32, #tpu.memory_space<hbm>> -> memref<128x16xf32, #tpu.memory_space<hbm>>
      tpu.wait_dma2 semaphore(%arg16 : memref<!tpu.dma_semaphore, #tpu.memory_space<semaphore_mem>>) src(%dma_wait3A_221 : memref<128x16xf32, #tpu.memory_space<hbm>>) dst(%arg10 : memref<128x16xf32, #tpu.memory_space<vmem>>)
      %dma_start3A_222 = arith.constant 0 : i32
      %dma_start3A_223 = tpu.memref_slice %arg6[%add3A_215, %dma_start3A_222] : memref<79x128xi32, #tpu.memory_space<vmem>> -> memref<1x128xi32, #tpu.memory_space<vmem>>
      %dma_start3A_224 = tpu.memref_squeeze %dma_start3A_223 : memref<1x128xi32, #tpu.memory_space<vmem>> -> memref<128xi32, #tpu.memory_space<vmem>>
      %dma_start3A_225 = arith.constant 0 : i32
      %dma_start3A_226 = arith.constant 0 : i32
      %dma_start3A_227 = tpu.memref_slice %arg13[%dma_start3A_225, %dma_start3A_226] : memref<10240x16xf32, #tpu.memory_space<vmem_shared>> -> memref<10240x16xf32, #tpu.memory_space<vmem_shared>>
      tpu.enqueue_indirect_dma source(%dma_start3A_227 : memref<10240x16xf32, #tpu.memory_space<vmem_shared>>) target(%arg10 : memref<128x16xf32, #tpu.memory_space<vmem>>) offsets(%dma_start3A_224 : memref<128xi32, #tpu.memory_space<vmem>>) semaphore(%arg16 : memref<!tpu.dma_semaphore, #tpu.memory_space<semaphore_mem>>)
      %dma_wait3A_228 = arith.constant 0 : i32
      %dma_wait3A_229 = arith.constant 0 : i32
      %dma_wait3A_230 = tpu.memref_slice %arg2[%dma_wait3A_228, %dma_wait3A_229] : memref<10240x16xf32, #tpu.memory_space<hbm>> -> memref<128x16xf32, #tpu.memory_space<hbm>>
      %dma_wait3A_231 = arith.constant 0 : i32
      %dma_wait3A_232 = arith.constant 0 : i32
      %dma_wait3A_233 = tpu.memref_slice %arg2[%dma_wait3A_231, %dma_wait3A_232] : memref<10240x16xf32, #tpu.memory_space<hbm>> -> memref<128x16xf32, #tpu.memory_space<hbm>>
      tpu.wait_dma2 semaphore(%arg15 : memref<!tpu.dma_semaphore, #tpu.memory_space<semaphore_mem>>) src(%dma_wait3A_233 : memref<128x16xf32, #tpu.memory_space<hbm>>) dst(%arg9 : memref<128x16xf32, #tpu.memory_space<vmem>>)
      %sub3A = arith.constant 1 : i32
      %sub3A_234 = arith.subi %add3A_215, %sub3A : i32
      %dma_start3A_235 = arith.constant 0 : i32
      %dma_start3A_236 = tpu.memref_slice %arg7[%sub3A_234, %dma_start3A_235] : memref<79x128xi32, #tpu.memory_space<vmem>> -> memref<1x128xi32, #tpu.memory_space<vmem>>
      %dma_start3A_237 = tpu.memref_squeeze %dma_start3A_236 : memref<1x128xi32, #tpu.memory_space<vmem>> -> memref<128xi32, #tpu.memory_space<vmem>>
      %dma_start3A_238 = arith.constant 0 : i32
      %dma_start3A_239 = arith.constant 0 : i32
      %dma_start3A_240 = tpu.memref_slice %arg12[%dma_start3A_238, %dma_start3A_239] : memref<10240x16xf32, #tpu.memory_space<vmem_shared>> -> memref<10240x16xf32, #tpu.memory_space<vmem_shared>>
      tpu.enqueue_indirect_dma source(%arg9 : memref<128x16xf32, #tpu.memory_space<vmem>>) target(%dma_start3A_240 : memref<10240x16xf32, #tpu.memory_space<vmem_shared>>) offsets(%dma_start3A_237 : memref<128xi32, #tpu.memory_space<vmem>>) semaphore(%arg15 : memref<!tpu.dma_semaphore, #tpu.memory_space<semaphore_mem>>) {add = true}
      %add3A_241 = arith.constant 1 : i32
      %add3A_242 = arith.addi %add3A_213, %add3A_241 : i32
      %dma_wait3A_243 = arith.constant 0 : i32
      %dma_wait3A_244 = arith.constant 0 : i32
      %dma_wait3A_245 = tpu.memref_slice %arg2[%dma_wait3A_243, %dma_wait3A_244] : memref<10240x16xf32, #tpu.memory_space<hbm>> -> memref<128x16xf32, #tpu.memory_space<hbm>>
      %dma_wait3A_246 = arith.constant 0 : i32
      %dma_wait3A_247 = arith.constant 0 : i32
      %dma_wait3A_248 = tpu.memref_slice %arg2[%dma_wait3A_246, %dma_wait3A_247] : memref<10240x16xf32, #tpu.memory_space<hbm>> -> memref<128x16xf32, #tpu.memory_space<hbm>>
      tpu.wait_dma2 semaphore(%arg17 : memref<!tpu.dma_semaphore, #tpu.memory_space<semaphore_mem>>) src(%dma_wait3A_248 : memref<128x16xf32, #tpu.memory_space<hbm>>) dst(%arg11 : memref<128x16xf32, #tpu.memory_space<vmem>>)
      %dma_start3A_249 = arith.constant 0 : i32
      %dma_start3A_250 = tpu.memref_slice %arg6[%add3A_242, %dma_start3A_249] : memref<79x128xi32, #tpu.memory_space<vmem>> -> memref<1x128xi32, #tpu.memory_space<vmem>>
      %dma_start3A_251 = tpu.memref_squeeze %dma_start3A_250 : memref<1x128xi32, #tpu.memory_space<vmem>> -> memref<128xi32, #tpu.memory_space<vmem>>
      %dma_start3A_252 = arith.constant 0 : i32
      %dma_start3A_253 = arith.constant 0 : i32
      %dma_start3A_254 = tpu.memref_slice %arg13[%dma_start3A_252, %dma_start3A_253] : memref<10240x16xf32, #tpu.memory_space<vmem_shared>> -> memref<10240x16xf32, #tpu.memory_space<vmem_shared>>
      tpu.enqueue_indirect_dma source(%dma_start3A_254 : memref<10240x16xf32, #tpu.memory_space<vmem_shared>>) target(%arg11 : memref<128x16xf32, #tpu.memory_space<vmem>>) offsets(%dma_start3A_251 : memref<128xi32, #tpu.memory_space<vmem>>) semaphore(%arg17 : memref<!tpu.dma_semaphore, #tpu.memory_space<semaphore_mem>>)
      %dma_wait3A_255 = arith.constant 0 : i32
      %dma_wait3A_256 = arith.constant 0 : i32
      %dma_wait3A_257 = tpu.memref_slice %arg2[%dma_wait3A_255, %dma_wait3A_256] : memref<10240x16xf32, #tpu.memory_space<hbm>> -> memref<128x16xf32, #tpu.memory_space<hbm>>
      %dma_wait3A_258 = arith.constant 0 : i32
      %dma_wait3A_259 = arith.constant 0 : i32
      %dma_wait3A_260 = tpu.memref_slice %arg2[%dma_wait3A_258, %dma_wait3A_259] : memref<10240x16xf32, #tpu.memory_space<hbm>> -> memref<128x16xf32, #tpu.memory_space<hbm>>
      tpu.wait_dma2 semaphore(%arg16 : memref<!tpu.dma_semaphore, #tpu.memory_space<semaphore_mem>>) src(%dma_wait3A_260 : memref<128x16xf32, #tpu.memory_space<hbm>>) dst(%arg10 : memref<128x16xf32, #tpu.memory_space<vmem>>)
      %sub3A_261 = arith.constant 1 : i32
      %sub3A_262 = arith.subi %add3A_242, %sub3A_261 : i32
      %dma_start3A_263 = arith.constant 0 : i32
      %dma_start3A_264 = tpu.memref_slice %arg7[%sub3A_262, %dma_start3A_263] : memref<79x128xi32, #tpu.memory_space<vmem>> -> memref<1x128xi32, #tpu.memory_space<vmem>>
      %dma_start3A_265 = tpu.memref_squeeze %dma_start3A_264 : memref<1x128xi32, #tpu.memory_space<vmem>> -> memref<128xi32, #tpu.memory_space<vmem>>
      %dma_start3A_266 = arith.constant 0 : i32
      %dma_start3A_267 = arith.constant 0 : i32
      %dma_start3A_268 = tpu.memref_slice %arg12[%dma_start3A_266, %dma_start3A_267] : memref<10240x16xf32, #tpu.memory_space<vmem_shared>> -> memref<10240x16xf32, #tpu.memory_space<vmem_shared>>
      tpu.enqueue_indirect_dma source(%arg10 : memref<128x16xf32, #tpu.memory_space<vmem>>) target(%dma_start3A_268 : memref<10240x16xf32, #tpu.memory_space<vmem_shared>>) offsets(%dma_start3A_265 : memref<128xi32, #tpu.memory_space<vmem>>) semaphore(%arg16 : memref<!tpu.dma_semaphore, #tpu.memory_space<semaphore_mem>>) {add = true}
      %add3A_269 = arith.constant 2 : i32
      %add3A_270 = arith.addi %add3A_213, %add3A_269 : i32
      %dma_wait3A_271 = arith.constant 0 : i32
      %dma_wait3A_272 = arith.constant 0 : i32
      %dma_wait3A_273 = tpu.memref_slice %arg2[%dma_wait3A_271, %dma_wait3A_272] : memref<10240x16xf32, #tpu.memory_space<hbm>> -> memref<128x16xf32, #tpu.memory_space<hbm>>
      %dma_wait3A_274 = arith.constant 0 : i32
      %dma_wait3A_275 = arith.constant 0 : i32
      %dma_wait3A_276 = tpu.memref_slice %arg2[%dma_wait3A_274, %dma_wait3A_275] : memref<10240x16xf32, #tpu.memory_space<hbm>> -> memref<128x16xf32, #tpu.memory_space<hbm>>
      tpu.wait_dma2 semaphore(%arg14 : memref<!tpu.dma_semaphore, #tpu.memory_space<semaphore_mem>>) src(%dma_wait3A_276 : memref<128x16xf32, #tpu.memory_space<hbm>>) dst(%arg8 : memref<128x16xf32, #tpu.memory_space<vmem>>)
      %dma_start3A_277 = arith.constant 0 : i32
      %dma_start3A_278 = tpu.memref_slice %arg6[%add3A_270, %dma_start3A_277] : memref<79x128xi32, #tpu.memory_space<vmem>> -> memref<1x128xi32, #tpu.memory_space<vmem>>
      %dma_start3A_279 = tpu.memref_squeeze %dma_start3A_278 : memref<1x128xi32, #tpu.memory_space<vmem>> -> memref<128xi32, #tpu.memory_space<vmem>>
      %dma_start3A_280 = arith.constant 0 : i32
      %dma_start3A_281 = arith.constant 0 : i32
      %dma_start3A_282 = tpu.memref_slice %arg13[%dma_start3A_280, %dma_start3A_281] : memref<10240x16xf32, #tpu.memory_space<vmem_shared>> -> memref<10240x16xf32, #tpu.memory_space<vmem_shared>>
      tpu.enqueue_indirect_dma source(%dma_start3A_282 : memref<10240x16xf32, #tpu.memory_space<vmem_shared>>) target(%arg8 : memref<128x16xf32, #tpu.memory_space<vmem>>) offsets(%dma_start3A_279 : memref<128xi32, #tpu.memory_space<vmem>>) semaphore(%arg14 : memref<!tpu.dma_semaphore, #tpu.memory_space<semaphore_mem>>)
      %dma_wait3A_283 = arith.constant 0 : i32
      %dma_wait3A_284 = arith.constant 0 : i32
      %dma_wait3A_285 = tpu.memref_slice %arg2[%dma_wait3A_283, %dma_wait3A_284] : memref<10240x16xf32, #tpu.memory_space<hbm>> -> memref<128x16xf32, #tpu.memory_space<hbm>>
      %dma_wait3A_286 = arith.constant 0 : i32
      %dma_wait3A_287 = arith.constant 0 : i32
      %dma_wait3A_288 = tpu.memref_slice %arg2[%dma_wait3A_286, %dma_wait3A_287] : memref<10240x16xf32, #tpu.memory_space<hbm>> -> memref<128x16xf32, #tpu.memory_space<hbm>>
      tpu.wait_dma2 semaphore(%arg17 : memref<!tpu.dma_semaphore, #tpu.memory_space<semaphore_mem>>) src(%dma_wait3A_288 : memref<128x16xf32, #tpu.memory_space<hbm>>) dst(%arg11 : memref<128x16xf32, #tpu.memory_space<vmem>>)
      %sub3A_289 = arith.constant 1 : i32
      %sub3A_290 = arith.subi %add3A_270, %sub3A_289 : i32
      %dma_start3A_291 = arith.constant 0 : i32
      %dma_start3A_292 = tpu.memref_slice %arg7[%sub3A_290, %dma_start3A_291] : memref<79x128xi32, #tpu.memory_space<vmem>> -> memref<1x128xi32, #tpu.memory_space<vmem>>
      %dma_start3A_293 = tpu.memref_squeeze %dma_start3A_292 : memref<1x128xi32, #tpu.memory_space<vmem>> -> memref<128xi32, #tpu.memory_space<vmem>>
      %dma_start3A_294 = arith.constant 0 : i32
      %dma_start3A_295 = arith.constant 0 : i32
      %dma_start3A_296 = tpu.memref_slice %arg12[%dma_start3A_294, %dma_start3A_295] : memref<10240x16xf32, #tpu.memory_space<vmem_shared>> -> memref<10240x16xf32, #tpu.memory_space<vmem_shared>>
      tpu.enqueue_indirect_dma source(%arg11 : memref<128x16xf32, #tpu.memory_space<vmem>>) target(%dma_start3A_296 : memref<10240x16xf32, #tpu.memory_space<vmem_shared>>) offsets(%dma_start3A_293 : memref<128xi32, #tpu.memory_space<vmem>>) semaphore(%arg17 : memref<!tpu.dma_semaphore, #tpu.memory_space<semaphore_mem>>) {add = true}
      %add3A_297 = arith.constant 3 : i32
      %add3A_298 = arith.addi %add3A_213, %add3A_297 : i32
      %dma_wait3A_299 = arith.constant 0 : i32
      %dma_wait3A_300 = arith.constant 0 : i32
      %dma_wait3A_301 = tpu.memref_slice %arg2[%dma_wait3A_299, %dma_wait3A_300] : memref<10240x16xf32, #tpu.memory_space<hbm>> -> memref<128x16xf32, #tpu.memory_space<hbm>>
      %dma_wait3A_302 = arith.constant 0 : i32
      %dma_wait3A_303 = arith.constant 0 : i32
      %dma_wait3A_304 = tpu.memref_slice %arg2[%dma_wait3A_302, %dma_wait3A_303] : memref<10240x16xf32, #tpu.memory_space<hbm>> -> memref<128x16xf32, #tpu.memory_space<hbm>>
      tpu.wait_dma2 semaphore(%arg15 : memref<!tpu.dma_semaphore, #tpu.memory_space<semaphore_mem>>) src(%dma_wait3A_304 : memref<128x16xf32, #tpu.memory_space<hbm>>) dst(%arg9 : memref<128x16xf32, #tpu.memory_space<vmem>>)
      %dma_start3A_305 = arith.constant 0 : i32
      %dma_start3A_306 = tpu.memref_slice %arg6[%add3A_298, %dma_start3A_305] : memref<79x128xi32, #tpu.memory_space<vmem>> -> memref<1x128xi32, #tpu.memory_space<vmem>>
      %dma_start3A_307 = tpu.memref_squeeze %dma_start3A_306 : memref<1x128xi32, #tpu.memory_space<vmem>> -> memref<128xi32, #tpu.memory_space<vmem>>
      %dma_start3A_308 = arith.constant 0 : i32
      %dma_start3A_309 = arith.constant 0 : i32
      %dma_start3A_310 = tpu.memref_slice %arg13[%dma_start3A_308, %dma_start3A_309] : memref<10240x16xf32, #tpu.memory_space<vmem_shared>> -> memref<10240x16xf32, #tpu.memory_space<vmem_shared>>
      tpu.enqueue_indirect_dma source(%dma_start3A_310 : memref<10240x16xf32, #tpu.memory_space<vmem_shared>>) target(%arg9 : memref<128x16xf32, #tpu.memory_space<vmem>>) offsets(%dma_start3A_307 : memref<128xi32, #tpu.memory_space<vmem>>) semaphore(%arg15 : memref<!tpu.dma_semaphore, #tpu.memory_space<semaphore_mem>>)
      %dma_wait3A_311 = arith.constant 0 : i32
      %dma_wait3A_312 = arith.constant 0 : i32
      %dma_wait3A_313 = tpu.memref_slice %arg2[%dma_wait3A_311, %dma_wait3A_312] : memref<10240x16xf32, #tpu.memory_space<hbm>> -> memref<128x16xf32, #tpu.memory_space<hbm>>
      %dma_wait3A_314 = arith.constant 0 : i32
      %dma_wait3A_315 = arith.constant 0 : i32
      %dma_wait3A_316 = tpu.memref_slice %arg2[%dma_wait3A_314, %dma_wait3A_315] : memref<10240x16xf32, #tpu.memory_space<hbm>> -> memref<128x16xf32, #tpu.memory_space<hbm>>
      tpu.wait_dma2 semaphore(%arg14 : memref<!tpu.dma_semaphore, #tpu.memory_space<semaphore_mem>>) src(%dma_wait3A_316 : memref<128x16xf32, #tpu.memory_space<hbm>>) dst(%arg8 : memref<128x16xf32, #tpu.memory_space<vmem>>)
      %sub3A_317 = arith.constant 1 : i32
      %sub3A_318 = arith.subi %add3A_298, %sub3A_317 : i32
      %dma_start3A_319 = arith.constant 0 : i32
      %dma_start3A_320 = tpu.memref_slice %arg7[%sub3A_318, %dma_start3A_319] : memref<79x128xi32, #tpu.memory_space<vmem>> -> memref<1x128xi32, #tpu.memory_space<vmem>>
      %dma_start3A_321 = tpu.memref_squeeze %dma_start3A_320 : memref<1x128xi32, #tpu.memory_space<vmem>> -> memref<128xi32, #tpu.memory_space<vmem>>
      %dma_start3A_322 = arith.constant 0 : i32
      %dma_start3A_323 = arith.constant 0 : i32
      %dma_start3A_324 = tpu.memref_slice %arg12[%dma_start3A_322, %dma_start3A_323] : memref<10240x16xf32, #tpu.memory_space<vmem_shared>> -> memref<10240x16xf32, #tpu.memory_space<vmem_shared>>
      tpu.enqueue_indirect_dma source(%arg8 : memref<128x16xf32, #tpu.memory_space<vmem>>) target(%dma_start3A_324 : memref<10240x16xf32, #tpu.memory_space<vmem_shared>>) offsets(%dma_start3A_321 : memref<128xi32, #tpu.memory_space<vmem>>) semaphore(%arg14 : memref<!tpu.dma_semaphore, #tpu.memory_space<semaphore_mem>>) {add = true}
      %scan3A_325 = arith.constant 0 : i32
      scf.yield %scan3A_325 : i32
    }
    %scan3A_160 = arith.constant 18 : i32
    %dma_wait3A_161 = arith.constant 0 : i32
    %dma_wait3A_162 = arith.constant 0 : i32
    %dma_wait3A_163 = tpu.memref_slice %arg2[%dma_wait3A_161, %dma_wait3A_162] : memref<10240x16xf32, #tpu.memory_space<hbm>> -> memref<128x16xf32, #tpu.memory_space<hbm>>
    %dma_wait3A_164 = arith.constant 0 : i32
    %dma_wait3A_165 = arith.constant 0 : i32
    %dma_wait3A_166 = tpu.memref_slice %arg2[%dma_wait3A_164, %dma_wait3A_165] : memref<10240x16xf32, #tpu.memory_space<hbm>> -> memref<128x16xf32, #tpu.memory_space<hbm>>
    tpu.wait_dma2 semaphore(%arg15 : memref<!tpu.dma_semaphore, #tpu.memory_space<semaphore_mem>>) src(%dma_wait3A_166 : memref<128x16xf32, #tpu.memory_space<hbm>>) dst(%arg9 : memref<128x16xf32, #tpu.memory_space<vmem>>)
    %dma_start3A_167 = arith.constant 77 : i32
    %dma_start3A_168 = arith.constant 0 : i32
    %dma_start3A_169 = tpu.memref_slice %arg7[%dma_start3A_167, %dma_start3A_168] : memref<79x128xi32, #tpu.memory_space<vmem>> -> memref<1x128xi32, #tpu.memory_space<vmem>>
    %dma_start3A_170 = tpu.memref_squeeze %dma_start3A_169 : memref<1x128xi32, #tpu.memory_space<vmem>> -> memref<128xi32, #tpu.memory_space<vmem>>
    %dma_start3A_171 = arith.constant 0 : i32
    %dma_start3A_172 = arith.constant 0 : i32
    %dma_start3A_173 = tpu.memref_slice %arg12[%dma_start3A_171, %dma_start3A_172] : memref<10240x16xf32, #tpu.memory_space<vmem_shared>> -> memref<10240x16xf32, #tpu.memory_space<vmem_shared>>
    tpu.enqueue_indirect_dma source(%arg9 : memref<128x16xf32, #tpu.memory_space<vmem>>) target(%dma_start3A_173 : memref<10240x16xf32, #tpu.memory_space<vmem_shared>>) offsets(%dma_start3A_170 : memref<128xi32, #tpu.memory_space<vmem>>) semaphore(%arg15 : memref<!tpu.dma_semaphore, #tpu.memory_space<semaphore_mem>>) {add = true}
    %dma_wait3A_174 = arith.constant 0 : i32
    %dma_wait3A_175 = arith.constant 0 : i32
    %dma_wait3A_176 = tpu.memref_slice %arg2[%dma_wait3A_174, %dma_wait3A_175] : memref<10240x16xf32, #tpu.memory_space<hbm>> -> memref<128x16xf32, #tpu.memory_space<hbm>>
    %dma_wait3A_177 = arith.constant 0 : i32
    %dma_wait3A_178 = arith.constant 0 : i32
    %dma_wait3A_179 = tpu.memref_slice %arg2[%dma_wait3A_177, %dma_wait3A_178] : memref<10240x16xf32, #tpu.memory_space<hbm>> -> memref<128x16xf32, #tpu.memory_space<hbm>>
    tpu.wait_dma2 semaphore(%arg14 : memref<!tpu.dma_semaphore, #tpu.memory_space<semaphore_mem>>) src(%dma_wait3A_179 : memref<128x16xf32, #tpu.memory_space<hbm>>) dst(%arg8 : memref<128x16xf32, #tpu.memory_space<vmem>>)
    %dma_wait3A_180 = arith.constant 0 : i32
    %dma_wait3A_181 = arith.constant 0 : i32
    %dma_wait3A_182 = tpu.memref_slice %arg2[%dma_wait3A_180, %dma_wait3A_181] : memref<10240x16xf32, #tpu.memory_space<hbm>> -> memref<128x16xf32, #tpu.memory_space<hbm>>
    %dma_wait3A_183 = arith.constant 0 : i32
    %dma_wait3A_184 = arith.constant 0 : i32
    %dma_wait3A_185 = tpu.memref_slice %arg2[%dma_wait3A_183, %dma_wait3A_184] : memref<10240x16xf32, #tpu.memory_space<hbm>> -> memref<128x16xf32, #tpu.memory_space<hbm>>
    tpu.wait_dma2 semaphore(%arg15 : memref<!tpu.dma_semaphore, #tpu.memory_space<semaphore_mem>>) src(%dma_wait3A_185 : memref<128x16xf32, #tpu.memory_space<hbm>>) dst(%arg9 : memref<128x16xf32, #tpu.memory_space<vmem>>)
    %dma_wait3A_186 = arith.constant 0 : i32
    %dma_wait3A_187 = arith.constant 0 : i32
    %dma_wait3A_188 = tpu.memref_slice %arg2[%dma_wait3A_186, %dma_wait3A_187] : memref<10240x16xf32, #tpu.memory_space<hbm>> -> memref<128x16xf32, #tpu.memory_space<hbm>>
    %dma_wait3A_189 = arith.constant 0 : i32
    %dma_wait3A_190 = arith.constant 0 : i32
    %dma_wait3A_191 = tpu.memref_slice %arg2[%dma_wait3A_189, %dma_wait3A_190] : memref<10240x16xf32, #tpu.memory_space<hbm>> -> memref<128x16xf32, #tpu.memory_space<hbm>>
    tpu.wait_dma2 semaphore(%arg16 : memref<!tpu.dma_semaphore, #tpu.memory_space<semaphore_mem>>) src(%dma_wait3A_191 : memref<128x16xf32, #tpu.memory_space<hbm>>) dst(%arg10 : memref<128x16xf32, #tpu.memory_space<vmem>>)
    %dma_wait3A_192 = arith.constant 0 : i32
    %dma_wait3A_193 = arith.constant 0 : i32
    %dma_wait3A_194 = tpu.memref_slice %arg2[%dma_wait3A_192, %dma_wait3A_193] : memref<10240x16xf32, #tpu.memory_space<hbm>> -> memref<128x16xf32, #tpu.memory_space<hbm>>
    %dma_wait3A_195 = arith.constant 0 : i32
    %dma_wait3A_196 = arith.constant 0 : i32
    %dma_wait3A_197 = tpu.memref_slice %arg2[%dma_wait3A_195, %dma_wait3A_196] : memref<10240x16xf32, #tpu.memory_space<hbm>> -> memref<128x16xf32, #tpu.memory_space<hbm>>
    tpu.wait_dma2 semaphore(%arg17 : memref<!tpu.dma_semaphore, #tpu.memory_space<semaphore_mem>>) src(%dma_wait3A_197 : memref<128x16xf32, #tpu.memory_space<hbm>>) dst(%arg11 : memref<128x16xf32, #tpu.memory_space<vmem>>)
    %lt3A_198 = arith.constant 4 : i32
    %lt3A_199 = arith.cmpi slt, %add3A, %lt3A_198 : i32
    %convert_element_type3A_200 = arith.extui %lt3A_199 : i1 to i32
    %cond3A_201 = arith.constant 0 : i32
    %cond3A_202 = arith.cmpi ne, %convert_element_type3A_200, %cond3A_201 : i32
    scf.if %cond3A_202 {
      %dma_start3A_208 = arith.constant 78 : i32
      %dma_start3A_209 = arith.constant 0 : i32
      %dma_start3A_210 = tpu.memref_slice %arg6[%dma_start3A_208, %dma_start3A_209] : memref<79x128xi32, #tpu.memory_space<vmem>> -> memref<1x128xi32, #tpu.memory_space<vmem>>
      %dma_start3A_211 = tpu.memref_squeeze %dma_start3A_210 : memref<1x128xi32, #tpu.memory_space<vmem>> -> memref<128xi32, #tpu.memory_space<vmem>>
      %dma_start3A_212 = arith.constant 0 : i32
      %dma_start3A_213 = arith.constant 0 : i32
      %dma_start3A_214 = tpu.memref_slice %arg13[%dma_start3A_212, %dma_start3A_213] : memref<10240x16xf32, #tpu.memory_space<vmem_shared>> -> memref<10240x16xf32, #tpu.memory_space<vmem_shared>>
      tpu.enqueue_indirect_dma source(%dma_start3A_214 : memref<10240x16xf32, #tpu.memory_space<vmem_shared>>) target(%arg8 : memref<128x16xf32, #tpu.memory_space<vmem>>) offsets(%dma_start3A_211 : memref<128xi32, #tpu.memory_space<vmem>>) semaphore(%arg14 : memref<!tpu.dma_semaphore, #tpu.memory_space<semaphore_mem>>)
      %dma_wait3A_215 = arith.constant 78 : i32
      %dma_wait3A_216 = arith.constant 0 : i32
      %dma_wait3A_217 = tpu.memref_slice %arg6[%dma_wait3A_215, %dma_wait3A_216] : memref<79x128xi32, #tpu.memory_space<vmem>> -> memref<1x128xi32, #tpu.memory_space<vmem>>
      %dma_wait3A_218 = tpu.memref_squeeze %dma_wait3A_217 : memref<1x128xi32, #tpu.memory_space<vmem>> -> memref<128xi32, #tpu.memory_space<vmem>>
      %dma_wait3A_219 = arith.constant 0 : i32
      %dma_wait3A_220 = arith.constant 0 : i32
      %dma_wait3A_221 = tpu.memref_slice %arg13[%dma_wait3A_219, %dma_wait3A_220] : memref<10240x16xf32, #tpu.memory_space<vmem_shared>> -> memref<10240x16xf32, #tpu.memory_space<vmem_shared>>
      tpu.wait_indirect_dma semaphore(%arg14 : memref<!tpu.dma_semaphore, #tpu.memory_space<semaphore_mem>>) src(%dma_wait3A_221 : memref<10240x16xf32, #tpu.memory_space<vmem_shared>>) dst(%arg8 : memref<128x16xf32, #tpu.memory_space<vmem>>)
      %dma_start3A_222 = arith.constant 78 : i32
      %dma_start3A_223 = arith.constant 0 : i32
      %dma_start3A_224 = tpu.memref_slice %arg7[%dma_start3A_222, %dma_start3A_223] : memref<79x128xi32, #tpu.memory_space<vmem>> -> memref<1x128xi32, #tpu.memory_space<vmem>>
      %dma_start3A_225 = tpu.memref_squeeze %dma_start3A_224 : memref<1x128xi32, #tpu.memory_space<vmem>> -> memref<128xi32, #tpu.memory_space<vmem>>
      %dma_start3A_226 = arith.constant 0 : i32
      %dma_start3A_227 = arith.constant 0 : i32
      %dma_start3A_228 = tpu.memref_slice %arg12[%dma_start3A_226, %dma_start3A_227] : memref<10240x16xf32, #tpu.memory_space<vmem_shared>> -> memref<10240x16xf32, #tpu.memory_space<vmem_shared>>
      tpu.enqueue_indirect_dma source(%arg8 : memref<128x16xf32, #tpu.memory_space<vmem>>) target(%dma_start3A_228 : memref<10240x16xf32, #tpu.memory_space<vmem_shared>>) offsets(%dma_start3A_225 : memref<128xi32, #tpu.memory_space<vmem>>) semaphore(%arg14 : memref<!tpu.dma_semaphore, #tpu.memory_space<semaphore_mem>>) {add = true}
      %dma_wait3A_229 = arith.constant 0 : i32
      %dma_wait3A_230 = arith.constant 0 : i32
      %dma_wait3A_231 = tpu.memref_slice %arg2[%dma_wait3A_229, %dma_wait3A_230] : memref<10240x16xf32, #tpu.memory_space<hbm>> -> memref<128x16xf32, #tpu.memory_space<hbm>>
      %dma_wait3A_232 = arith.constant 0 : i32
      %dma_wait3A_233 = arith.constant 0 : i32
      %dma_wait3A_234 = tpu.memref_slice %arg2[%dma_wait3A_232, %dma_wait3A_233] : memref<10240x16xf32, #tpu.memory_space<hbm>> -> memref<128x16xf32, #tpu.memory_space<hbm>>
      tpu.wait_dma2 semaphore(%arg14 : memref<!tpu.dma_semaphore, #tpu.memory_space<semaphore_mem>>) src(%dma_wait3A_234 : memref<128x16xf32, #tpu.memory_space<hbm>>) dst(%arg8 : memref<128x16xf32, #tpu.memory_space<vmem>>)
    } else {
    }
    %barrier3A_203 = arith.constant 0 : index
    tpu.barrier barrier_id(%barrier3A_203)
    %mul3A_204 = arith.constant 640 : i32
    %mul3A_205 = arith.muli %arg1, %mul3A_204 : i32
    %mul3A_206 = arith.constant 640 : i32
    %mul3A_207 = arith.muli %arg1, %mul3A_206 : i32
    "tpu.region"() ({
      %run_scoped3A = tpu.sem_alloc : memref<!tpu.dma_semaphore, #tpu.memory_space<semaphore_mem>>
      %dma_start3A_208 = arith.constant 0 : i32
      %dma_start3A_209 = tpu.memref_slice %arg5[%arg0, %mul3A_207, %dma_start3A_208] : memref<2x10240x16xf32, #tpu.memory_space<hbm>> -> memref<1x640x16xf32, #tpu.memory_space<hbm>>
      %dma_start3A_210 = tpu.memref_squeeze %dma_start3A_209 : memref<1x640x16xf32, #tpu.memory_space<hbm>> -> memref<640x16xf32, #tpu.memory_space<hbm>>
      %dma_start3A_211 = arith.constant 0 : i32
      %dma_start3A_212 = tpu.memref_slice %arg12[%mul3A_205, %dma_start3A_211] : memref<10240x16xf32, #tpu.memory_space<vmem_shared>> -> memref<640x16xf32, #tpu.memory_space<vmem_shared>>
      tpu.enqueue_dma source(%dma_start3A_212 : memref<640x16xf32, #tpu.memory_space<vmem_shared>>) target(%dma_start3A_210 : memref<640x16xf32, #tpu.memory_space<hbm>>) target_semaphore(%run_scoped3A : memref<!tpu.dma_semaphore, #tpu.memory_space<semaphore_mem>>)
      %dma_wait3A_213 = arith.constant 0 : i32
      %dma_wait3A_214 = tpu.memref_slice %arg5[%arg0, %mul3A_207, %dma_wait3A_213] : memref<2x10240x16xf32, #tpu.memory_space<hbm>> -> memref<1x640x16xf32, #tpu.memory_space<hbm>>
      %dma_wait3A_215 = tpu.memref_squeeze %dma_wait3A_214 : memref<1x640x16xf32, #tpu.memory_space<hbm>> -> memref<640x16xf32, #tpu.memory_space<hbm>>
      %dma_wait3A_216 = arith.constant 0 : i32
      %dma_wait3A_217 = tpu.memref_slice %arg12[%mul3A_205, %dma_wait3A_216] : memref<10240x16xf32, #tpu.memory_space<vmem_shared>> -> memref<640x16xf32, #tpu.memory_space<vmem_shared>>
      tpu.wait_dma2 semaphore(%run_scoped3A : memref<!tpu.dma_semaphore, #tpu.memory_space<semaphore_mem>>) src(%dma_wait3A_217 : memref<640x16xf32, #tpu.memory_space<vmem_shared>>) dst(%dma_wait3A_215 : memref<640x16xf32, #tpu.memory_space<hbm>>)
      tpu.yield
    }) : () -> ()
    return
  }
}

#map = affine_map<(d0, d1) -> (0, 0)>
#map1 = affine_map<(d0, d1) -> (0, 0, 0)>
module attributes {stable_mosaic.version = 14 : i64} {
  func.func @agg_kernel(%arg0: i32, %arg1: i32, %arg2: memref<10240x16xf32, #tpu.memory_space<hbm>>, %arg3: memref<2500x128xi32, #tpu.memory_space<hbm>>, %arg4: memref<2500x128xi32, #tpu.memory_space<hbm>>, %arg5: memref<2x10240x16xf32, #tpu.memory_space<hbm>>, %arg6: memref<79x128xi32, #tpu.memory_space<vmem>>, %arg7: memref<79x128xi32, #tpu.memory_space<vmem>>, %arg8: memref<128x16xf32, #tpu.memory_space<vmem>>, %arg9: memref<128x16xf32, #tpu.memory_space<vmem>>, %arg10: memref<128x16xf32, #tpu.memory_space<vmem>>, %arg11: memref<128x16xf32, #tpu.memory_space<vmem>>, %arg12: memref<10240x16xf32, #tpu.memory_space<vmem_shared>>, %arg13: memref<10240x16xf32, #tpu.memory_space<vmem_shared>>, %arg14: memref<!tpu.dma_semaphore, #tpu.memory_space<semaphore_mem>>, %arg15: memref<!tpu.dma_semaphore, #tpu.memory_space<semaphore_mem>>, %arg16: memref<!tpu.dma_semaphore, #tpu.memory_space<semaphore_mem>>, %arg17: memref<!tpu.dma_semaphore, #tpu.memory_space<semaphore_mem>>) attributes {dimension_semantics = [#tpu.dimension_semantics<core_parallel>, #tpu.dimension_semantics<subcore_parallel>], iteration_bounds = array<i64: 2, 16>, scalar_prefetch = 0 : i64, scratch_operands = 12 : i64, tpu.core_type = #tpu.core_type<sc_vector_subcore>, window_params = [{transform_indices = #map}, {transform_indices = #map}, {transform_indices = #map}, {transform_indices = #map1}]} {
    %mul3A = arith.constant 16 : i32
    %mul3A_0 = arith.muli %arg0, %mul3A : i32
    %add3A = arith.addi %mul3A_0, %arg1 : i32
    %mul3A_1 = arith.constant 78 : i32
    %mul3A_2 = arith.muli %mul3A_1, %add3A : i32
    %min3A = arith.constant 4 : i32
    %min3A_3 = arith.minsi %add3A, %min3A : i32
    %add3A_4 = arith.addi %mul3A_2, %min3A_3 : i32
    %scan3A = arith.constant 0 : i32
    %scan3A_5 = arith.constant 0 : i32
    %scan3A_6 = arith.constant 128 : i32
    %scan3A_7 = arith.addi %scan3A_5, %scan3A_6 : i32
    %scan3A_8 = arith.constant 1 : i32
    %scan3A_9 = scf.for %scan3A_208 = %scan3A_5 to %scan3A_7 step %scan3A_8 iter_args(%scan3A_209 = %scan3A) -> (i32)  : i32 {
      %broadcast_in_dim3A = arith.constant 0.000000e+00 : f32
      %broadcast_in_dim3A_210 = vector.broadcast %broadcast_in_dim3A : f32 to vector<16xf32>
      %swap3A = arith.index_cast %scan3A_208 : i32 to index
      %swap3A_211 = arith.constant 0 : index
      %swap3A_212 = tpu.vector_load %arg8[%swap3A, %swap3A_211] {strides = array<i32>} : memref<128x16xf32, #tpu.memory_space<vmem>>, vector<1x16xf32>,
      %swap3A_213 = vector.shape_cast %swap3A_212 : vector<1x16xf32> to vector<16xf32>
      %swap3A_214 = vector.shape_cast %broadcast_in_dim3A_210 : vector<16xf32> to vector<1x16xf32>
      tpu.vector_store %arg8[%swap3A, %swap3A_211], %swap3A_214 {strides = array<i32>} : memref<128x16xf32, #tpu.memory_space<vmem>>, vector<1x16xf32>,
      %scan3A_215 = arith.constant 0 : i32
      scf.yield %scan3A_215 : i32
    }
    %scan3A_10 = arith.constant 128 : i32
    %mul3A_11 = arith.constant 640 : i32
    %mul3A_12 = arith.muli %arg1, %mul3A_11 : i32
    %add3A_13 = arith.constant 0 : i32
    %add3A_14 = arith.addi %mul3A_12, %add3A_13 : i32
    "tpu.region"() ({
      %run_scoped3A = tpu.sem_alloc : memref<!tpu.dma_semaphore, #tpu.memory_space<semaphore_mem>>
      %dma_start3A_208 = arith.constant 0 : i32
      %dma_start3A_209 = tpu.memref_slice %arg12[%add3A_14, %dma_start3A_208] : memref<10240x16xf32, #tpu.memory_space<vmem_shared>> -> memref<128x16xf32, #tpu.memory_space<vmem_shared>>
      %dma_start3A_210 = arith.constant 0 : i32
      %dma_start3A_211 = tpu.memref_slice %arg12[%add3A_14, %dma_start3A_210] : memref<10240x16xf32, #tpu.memory_space<vmem_shared>> -> memref<128x16xf32, #tpu.memory_space<vmem_shared>>
      tpu.enqueue_dma source(%arg8 : memref<128x16xf32, #tpu.memory_space<vmem>>) target(%dma_start3A_211 : memref<128x16xf32, #tpu.memory_space<vmem_shared>>) target_semaphore(%run_scoped3A : memref<!tpu.dma_semaphore, #tpu.memory_space<semaphore_mem>>)
      %dma_wait3A_212 = arith.constant 0 : i32
      %dma_wait3A_213 = tpu.memref_slice %arg12[%add3A_14, %dma_wait3A_212] : memref<10240x16xf32, #tpu.memory_space<vmem_shared>> -> memref<128x16xf32, #tpu.memory_space<vmem_shared>>
      %dma_wait3A_214 = arith.constant 0 : i32
      %dma_wait3A_215 = tpu.memref_slice %arg12[%add3A_14, %dma_wait3A_214] : memref<10240x16xf32, #tpu.memory_space<vmem_shared>> -> memref<128x16xf32, #tpu.memory_space<vmem_shared>>
      tpu.wait_dma2 semaphore(%run_scoped3A : memref<!tpu.dma_semaphore, #tpu.memory_space<semaphore_mem>>) src(%arg8 : memref<128x16xf32, #tpu.memory_space<vmem>>) dst(%dma_wait3A_215 : memref<128x16xf32, #tpu.memory_space<vmem_shared>>)
      tpu.yield
    }) : () -> ()
    %mul3A_15 = arith.constant 640 : i32
    %mul3A_16 = arith.muli %arg1, %mul3A_15 : i32
    %add3A_17 = arith.constant 128 : i32
    %add3A_18 = arith.addi %mul3A_16, %add3A_17 : i32
    "tpu.region"() ({
      %run_scoped3A = tpu.sem_alloc : memref<!tpu.dma_semaphore, #tpu.memory_space<semaphore_mem>>
      %dma_start3A_208 = arith.constant 0 : i32
      %dma_start3A_209 = tpu.memref_slice %arg12[%add3A_18, %dma_start3A_208] : memref<10240x16xf32, #tpu.memory_space<vmem_shared>> -> memref<128x16xf32, #tpu.memory_space<vmem_shared>>
      %dma_start3A_210 = arith.constant 0 : i32
      %dma_start3A_211 = tpu.memref_slice %arg12[%add3A_18, %dma_start3A_210] : memref<10240x16xf32, #tpu.memory_space<vmem_shared>> -> memref<128x16xf32, #tpu.memory_space<vmem_shared>>
      tpu.enqueue_dma source(%arg8 : memref<128x16xf32, #tpu.memory_space<vmem>>) target(%dma_start3A_211 : memref<128x16xf32, #tpu.memory_space<vmem_shared>>) target_semaphore(%run_scoped3A : memref<!tpu.dma_semaphore, #tpu.memory_space<semaphore_mem>>)
      %dma_wait3A_212 = arith.constant 0 : i32
      %dma_wait3A_213 = tpu.memref_slice %arg12[%add3A_18, %dma_wait3A_212] : memref<10240x16xf32, #tpu.memory_space<vmem_shared>> -> memref<128x16xf32, #tpu.memory_space<vmem_shared>>
      %dma_wait3A_214 = arith.constant 0 : i32
      %dma_wait3A_215 = tpu.memref_slice %arg12[%add3A_18, %dma_wait3A_214] : memref<10240x16xf32, #tpu.memory_space<vmem_shared>> -> memref<128x16xf32, #tpu.memory_space<vmem_shared>>
      tpu.wait_dma2 semaphore(%run_scoped3A : memref<!tpu.dma_semaphore, #tpu.memory_space<semaphore_mem>>) src(%arg8 : memref<128x16xf32, #tpu.memory_space<vmem>>) dst(%dma_wait3A_215 : memref<128x16xf32, #tpu.memory_space<vmem_shared>>)
      tpu.yield
    }) : () -> ()
    %mul3A_19 = arith.constant 640 : i32
    %mul3A_20 = arith.muli %arg1, %mul3A_19 : i32
    %add3A_21 = arith.constant 256 : i32
    %add3A_22 = arith.addi %mul3A_20, %add3A_21 : i32
    "tpu.region"() ({
      %run_scoped3A = tpu.sem_alloc : memref<!tpu.dma_semaphore, #tpu.memory_space<semaphore_mem>>
      %dma_start3A_208 = arith.constant 0 : i32
      %dma_start3A_209 = tpu.memref_slice %arg12[%add3A_22, %dma_start3A_208] : memref<10240x16xf32, #tpu.memory_space<vmem_shared>> -> memref<128x16xf32, #tpu.memory_space<vmem_shared>>
      %dma_start3A_210 = arith.constant 0 : i32
      %dma_start3A_211 = tpu.memref_slice %arg12[%add3A_22, %dma_start3A_210] : memref<10240x16xf32, #tpu.memory_space<vmem_shared>> -> memref<128x16xf32, #tpu.memory_space<vmem_shared>>
      tpu.enqueue_dma source(%arg8 : memref<128x16xf32, #tpu.memory_space<vmem>>) target(%dma_start3A_211 : memref<128x16xf32, #tpu.memory_space<vmem_shared>>) target_semaphore(%run_scoped3A : memref<!tpu.dma_semaphore, #tpu.memory_space<semaphore_mem>>)
      %dma_wait3A_212 = arith.constant 0 : i32
      %dma_wait3A_213 = tpu.memref_slice %arg12[%add3A_22, %dma_wait3A_212] : memref<10240x16xf32, #tpu.memory_space<vmem_shared>> -> memref<128x16xf32, #tpu.memory_space<vmem_shared>>
      %dma_wait3A_214 = arith.constant 0 : i32
      %dma_wait3A_215 = tpu.memref_slice %arg12[%add3A_22, %dma_wait3A_214] : memref<10240x16xf32, #tpu.memory_space<vmem_shared>> -> memref<128x16xf32, #tpu.memory_space<vmem_shared>>
      tpu.wait_dma2 semaphore(%run_scoped3A : memref<!tpu.dma_semaphore, #tpu.memory_space<semaphore_mem>>) src(%arg8 : memref<128x16xf32, #tpu.memory_space<vmem>>) dst(%dma_wait3A_215 : memref<128x16xf32, #tpu.memory_space<vmem_shared>>)
      tpu.yield
    }) : () -> ()
    %mul3A_23 = arith.constant 640 : i32
    %mul3A_24 = arith.muli %arg1, %mul3A_23 : i32
    %add3A_25 = arith.constant 384 : i32
    %add3A_26 = arith.addi %mul3A_24, %add3A_25 : i32
    "tpu.region"() ({
      %run_scoped3A = tpu.sem_alloc : memref<!tpu.dma_semaphore, #tpu.memory_space<semaphore_mem>>
      %dma_start3A_208 = arith.constant 0 : i32
      %dma_start3A_209 = tpu.memref_slice %arg12[%add3A_26, %dma_start3A_208] : memref<10240x16xf32, #tpu.memory_space<vmem_shared>> -> memref<128x16xf32, #tpu.memory_space<vmem_shared>>
      %dma_start3A_210 = arith.constant 0 : i32
      %dma_start3A_211 = tpu.memref_slice %arg12[%add3A_26, %dma_start3A_210] : memref<10240x16xf32, #tpu.memory_space<vmem_shared>> -> memref<128x16xf32, #tpu.memory_space<vmem_shared>>
      tpu.enqueue_dma source(%arg8 : memref<128x16xf32, #tpu.memory_space<vmem>>) target(%dma_start3A_211 : memref<128x16xf32, #tpu.memory_space<vmem_shared>>) target_semaphore(%run_scoped3A : memref<!tpu.dma_semaphore, #tpu.memory_space<semaphore_mem>>)
      %dma_wait3A_212 = arith.constant 0 : i32
      %dma_wait3A_213 = tpu.memref_slice %arg12[%add3A_26, %dma_wait3A_212] : memref<10240x16xf32, #tpu.memory_space<vmem_shared>> -> memref<128x16xf32, #tpu.memory_space<vmem_shared>>
      %dma_wait3A_214 = arith.constant 0 : i32
      %dma_wait3A_215 = tpu.memref_slice %arg12[%add3A_26, %dma_wait3A_214] : memref<10240x16xf32, #tpu.memory_space<vmem_shared>> -> memref<128x16xf32, #tpu.memory_space<vmem_shared>>
      tpu.wait_dma2 semaphore(%run_scoped3A : memref<!tpu.dma_semaphore, #tpu.memory_space<semaphore_mem>>) src(%arg8 : memref<128x16xf32, #tpu.memory_space<vmem>>) dst(%dma_wait3A_215 : memref<128x16xf32, #tpu.memory_space<vmem_shared>>)
      tpu.yield
    }) : () -> ()
    %mul3A_27 = arith.constant 640 : i32
    %mul3A_28 = arith.muli %arg1, %mul3A_27 : i32
    %add3A_29 = arith.constant 512 : i32
    %add3A_30 = arith.addi %mul3A_28, %add3A_29 : i32
    "tpu.region"() ({
      %run_scoped3A = tpu.sem_alloc : memref<!tpu.dma_semaphore, #tpu.memory_space<semaphore_mem>>
      %dma_start3A_208 = arith.constant 0 : i32
      %dma_start3A_209 = tpu.memref_slice %arg12[%add3A_30, %dma_start3A_208] : memref<10240x16xf32, #tpu.memory_space<vmem_shared>> -> memref<128x16xf32, #tpu.memory_space<vmem_shared>>
      %dma_start3A_210 = arith.constant 0 : i32
      %dma_start3A_211 = tpu.memref_slice %arg12[%add3A_30, %dma_start3A_210] : memref<10240x16xf32, #tpu.memory_space<vmem_shared>> -> memref<128x16xf32, #tpu.memory_space<vmem_shared>>
      tpu.enqueue_dma source(%arg8 : memref<128x16xf32, #tpu.memory_space<vmem>>) target(%dma_start3A_211 : memref<128x16xf32, #tpu.memory_space<vmem_shared>>) target_semaphore(%run_scoped3A : memref<!tpu.dma_semaphore, #tpu.memory_space<semaphore_mem>>)
      %dma_wait3A_212 = arith.constant 0 : i32
      %dma_wait3A_213 = tpu.memref_slice %arg12[%add3A_30, %dma_wait3A_212] : memref<10240x16xf32, #tpu.memory_space<vmem_shared>> -> memref<128x16xf32, #tpu.memory_space<vmem_shared>>
      %dma_wait3A_214 = arith.constant 0 : i32
      %dma_wait3A_215 = tpu.memref_slice %arg12[%add3A_30, %dma_wait3A_214] : memref<10240x16xf32, #tpu.memory_space<vmem_shared>> -> memref<128x16xf32, #tpu.memory_space<vmem_shared>>
      tpu.wait_dma2 semaphore(%run_scoped3A : memref<!tpu.dma_semaphore, #tpu.memory_space<semaphore_mem>>) src(%arg8 : memref<128x16xf32, #tpu.memory_space<vmem>>) dst(%dma_wait3A_215 : memref<128x16xf32, #tpu.memory_space<vmem_shared>>)
      tpu.yield
    }) : () -> ()
    %mul3A_31 = arith.constant 640 : i32
    %mul3A_32 = arith.muli %arg1, %mul3A_31 : i32
    %mul3A_33 = arith.constant 640 : i32
    %mul3A_34 = arith.muli %arg1, %mul3A_33 : i32
    "tpu.region"() ({
      %run_scoped3A = tpu.sem_alloc : memref<!tpu.dma_semaphore, #tpu.memory_space<semaphore_mem>>
      %dma_start3A_208 = arith.constant 0 : i32
      %dma_start3A_209 = tpu.memref_slice %arg13[%mul3A_34, %dma_start3A_208] : memref<10240x16xf32, #tpu.memory_space<vmem_shared>> -> memref<640x16xf32, #tpu.memory_space<vmem_shared>>
      %dma_start3A_210 = arith.constant 0 : i32
      %dma_start3A_211 = tpu.memref_slice %arg2[%mul3A_32, %dma_start3A_210] : memref<10240x16xf32, #tpu.memory_space<hbm>> -> memref<640x16xf32, #tpu.memory_space<hbm>>
      tpu.enqueue_dma source(%dma_start3A_211 : memref<640x16xf32, #tpu.memory_space<hbm>>) target(%dma_start3A_209 : memref<640x16xf32, #tpu.memory_space<vmem_shared>>) target_semaphore(%run_scoped3A : memref<!tpu.dma_semaphore, #tpu.memory_space<semaphore_mem>>)
      %dma_wait3A_212 = arith.constant 0 : i32
      %dma_wait3A_213 = tpu.memref_slice %arg13[%mul3A_34, %dma_wait3A_212] : memref<10240x16xf32, #tpu.memory_space<vmem_shared>> -> memref<640x16xf32, #tpu.memory_space<vmem_shared>>
      %dma_wait3A_214 = arith.constant 0 : i32
      %dma_wait3A_215 = tpu.memref_slice %arg2[%mul3A_32, %dma_wait3A_214] : memref<10240x16xf32, #tpu.memory_space<hbm>> -> memref<640x16xf32, #tpu.memory_space<hbm>>
      tpu.wait_dma2 semaphore(%run_scoped3A : memref<!tpu.dma_semaphore, #tpu.memory_space<semaphore_mem>>) src(%dma_wait3A_215 : memref<640x16xf32, #tpu.memory_space<hbm>>) dst(%dma_wait3A_213 : memref<640x16xf32, #tpu.memory_space<vmem_shared>>)
      tpu.yield
    }) : () -> ()
    "tpu.region"() ({
      %run_scoped3A = tpu.sem_alloc : memref<!tpu.dma_semaphore, #tpu.memory_space<semaphore_mem>>
      %dma_start3A_208 = arith.constant 0 : i32
      %dma_start3A_209 = arith.constant 0 : i32
      %dma_start3A_210 = tpu.memref_slice %arg6[%dma_start3A_208, %dma_start3A_209] : memref<79x128xi32, #tpu.memory_space<vmem>> -> memref<78x128xi32, #tpu.memory_space<vmem>>
      %dma_start3A_211 = arith.constant 0 : i32
      %dma_start3A_212 = tpu.memref_slice %arg3[%add3A_4, %dma_start3A_211] : memref<2500x128xi32, #tpu.memory_space<hbm>> -> memref<78x128xi32, #tpu.memory_space<hbm>>
      %dma_start3A_213 = arith.constant 0 : i32
      %dma_start3A_214 = arith.constant 0 : i32
      %dma_start3A_215 = tpu.memref_slice %arg6[%dma_start3A_213, %dma_start3A_214] : memref<79x128xi32, #tpu.memory_space<vmem>> -> memref<78x128xi32, #tpu.memory_space<vmem>>
      %dma_start3A_216 = arith.constant 0 : i32
      %dma_start3A_217 = tpu.memref_slice %arg3[%add3A_4, %dma_start3A_216] : memref<2500x128xi32, #tpu.memory_space<hbm>> -> memref<78x128xi32, #tpu.memory_space<hbm>>
      tpu.enqueue_dma source(%dma_start3A_217 : memref<78x128xi32, #tpu.memory_space<hbm>>) target(%dma_start3A_215 : memref<78x128xi32, #tpu.memory_space<vmem>>) target_semaphore(%run_scoped3A : memref<!tpu.dma_semaphore, #tpu.memory_space<semaphore_mem>>)
      %dma_wait3A_218 = arith.constant 0 : i32
      %dma_wait3A_219 = arith.constant 0 : i32
      %dma_wait3A_220 = tpu.memref_slice %arg6[%dma_wait3A_218, %dma_wait3A_219] : memref<79x128xi32, #tpu.memory_space<vmem>> -> memref<78x128xi32, #tpu.memory_space<vmem>>
      %dma_wait3A_221 = arith.constant 0 : i32
      %dma_wait3A_222 = tpu.memref_slice %arg3[%add3A_4, %dma_wait3A_221] : memref<2500x128xi32, #tpu.memory_space<hbm>> -> memref<78x128xi32, #tpu.memory_space<hbm>>
      %dma_wait3A_223 = arith.constant 0 : i32
      %dma_wait3A_224 = arith.constant 0 : i32
      %dma_wait3A_225 = tpu.memref_slice %arg6[%dma_wait3A_223, %dma_wait3A_224] : memref<79x128xi32, #tpu.memory_space<vmem>> -> memref<78x128xi32, #tpu.memory_space<vmem>>
      %dma_wait3A_226 = arith.constant 0 : i32
      %dma_wait3A_227 = tpu.memref_slice %arg3[%add3A_4, %dma_wait3A_226] : memref<2500x128xi32, #tpu.memory_space<hbm>> -> memref<78x128xi32, #tpu.memory_space<hbm>>
      tpu.wait_dma2 semaphore(%run_scoped3A : memref<!tpu.dma_semaphore, #tpu.memory_space<semaphore_mem>>) src(%dma_wait3A_227 : memref<78x128xi32, #tpu.memory_space<hbm>>) dst(%dma_wait3A_225 : memref<78x128xi32, #tpu.memory_space<vmem>>)
      tpu.yield
    }) : () -> ()
    "tpu.region"() ({
      %run_scoped3A = tpu.sem_alloc : memref<!tpu.dma_semaphore, #tpu.memory_space<semaphore_mem>>
      %dma_start3A_208 = arith.constant 0 : i32
      %dma_start3A_209 = arith.constant 0 : i32
      %dma_start3A_210 = tpu.memref_slice %arg7[%dma_start3A_208, %dma_start3A_209] : memref<79x128xi32, #tpu.memory_space<vmem>> -> memref<78x128xi32, #tpu.memory_space<vmem>>
      %dma_start3A_211 = arith.constant 0 : i32
      %dma_start3A_212 = tpu.memref_slice %arg4[%add3A_4, %dma_start3A_211] : memref<2500x128xi32, #tpu.memory_space<hbm>> -> memref<78x128xi32, #tpu.memory_space<hbm>>
      %dma_start3A_213 = arith.constant 0 : i32
      %dma_start3A_214 = arith.constant 0 : i32
      %dma_start3A_215 = tpu.memref_slice %arg7[%dma_start3A_213, %dma_start3A_214] : memref<79x128xi32, #tpu.memory_space<vmem>> -> memref<78x128xi32, #tpu.memory_space<vmem>>
      %dma_start3A_216 = arith.constant 0 : i32
      %dma_start3A_217 = tpu.memref_slice %arg4[%add3A_4, %dma_start3A_216] : memref<2500x128xi32, #tpu.memory_space<hbm>> -> memref<78x128xi32, #tpu.memory_space<hbm>>
      tpu.enqueue_dma source(%dma_start3A_217 : memref<78x128xi32, #tpu.memory_space<hbm>>) target(%dma_start3A_215 : memref<78x128xi32, #tpu.memory_space<vmem>>) target_semaphore(%run_scoped3A : memref<!tpu.dma_semaphore, #tpu.memory_space<semaphore_mem>>)
      %dma_wait3A_218 = arith.constant 0 : i32
      %dma_wait3A_219 = arith.constant 0 : i32
      %dma_wait3A_220 = tpu.memref_slice %arg7[%dma_wait3A_218, %dma_wait3A_219] : memref<79x128xi32, #tpu.memory_space<vmem>> -> memref<78x128xi32, #tpu.memory_space<vmem>>
      %dma_wait3A_221 = arith.constant 0 : i32
      %dma_wait3A_222 = tpu.memref_slice %arg4[%add3A_4, %dma_wait3A_221] : memref<2500x128xi32, #tpu.memory_space<hbm>> -> memref<78x128xi32, #tpu.memory_space<hbm>>
      %dma_wait3A_223 = arith.constant 0 : i32
      %dma_wait3A_224 = arith.constant 0 : i32
      %dma_wait3A_225 = tpu.memref_slice %arg7[%dma_wait3A_223, %dma_wait3A_224] : memref<79x128xi32, #tpu.memory_space<vmem>> -> memref<78x128xi32, #tpu.memory_space<vmem>>
      %dma_wait3A_226 = arith.constant 0 : i32
      %dma_wait3A_227 = tpu.memref_slice %arg4[%add3A_4, %dma_wait3A_226] : memref<2500x128xi32, #tpu.memory_space<hbm>> -> memref<78x128xi32, #tpu.memory_space<hbm>>
      tpu.wait_dma2 semaphore(%run_scoped3A : memref<!tpu.dma_semaphore, #tpu.memory_space<semaphore_mem>>) src(%dma_wait3A_227 : memref<78x128xi32, #tpu.memory_space<hbm>>) dst(%dma_wait3A_225 : memref<78x128xi32, #tpu.memory_space<vmem>>)
      tpu.yield
    }) : () -> ()
    %lt3A = arith.constant 4 : i32
    %lt3A_35 = arith.cmpi slt, %add3A, %lt3A : i32
    %convert_element_type3A = arith.extui %lt3A_35 : i1 to i32
    %cond3A = arith.constant 0 : i32
    %cond3A_36 = arith.cmpi ne, %convert_element_type3A, %cond3A : i32
    scf.if %cond3A_36 {
      %add3A_208 = arith.constant 78 : i32
      %add3A_209 = arith.addi %add3A_4, %add3A_208 : i32
      "tpu.region"() ({
        %run_scoped3A = tpu.sem_alloc : memref<!tpu.dma_semaphore, #tpu.memory_space<semaphore_mem>>
        %dma_start3A_212 = arith.constant 78 : i32
        %dma_start3A_213 = arith.constant 0 : i32
        %dma_start3A_214 = tpu.memref_slice %arg6[%dma_start3A_212, %dma_start3A_213] : memref<79x128xi32, #tpu.memory_space<vmem>> -> memref<1x128xi32, #tpu.memory_space<vmem>>
        %dma_start3A_215 = arith.constant 0 : i32
        %dma_start3A_216 = tpu.memref_slice %arg3[%add3A_209, %dma_start3A_215] : memref<2500x128xi32, #tpu.memory_space<hbm>> -> memref<1x128xi32, #tpu.memory_space<hbm>>
        %dma_start3A_217 = arith.constant 78 : i32
        %dma_start3A_218 = arith.constant 0 : i32
        %dma_start3A_219 = tpu.memref_slice %arg6[%dma_start3A_217, %dma_start3A_218] : memref<79x128xi32, #tpu.memory_space<vmem>> -> memref<1x128xi32, #tpu.memory_space<vmem>>
        %dma_start3A_220 = arith.constant 0 : i32
        %dma_start3A_221 = tpu.memref_slice %arg3[%add3A_209, %dma_start3A_220] : memref<2500x128xi32, #tpu.memory_space<hbm>> -> memref<1x128xi32, #tpu.memory_space<hbm>>
        tpu.enqueue_dma source(%dma_start3A_221 : memref<1x128xi32, #tpu.memory_space<hbm>>) target(%dma_start3A_219 : memref<1x128xi32, #tpu.memory_space<vmem>>) target_semaphore(%run_scoped3A : memref<!tpu.dma_semaphore, #tpu.memory_space<semaphore_mem>>)
        %dma_wait3A_222 = arith.constant 78 : i32
        %dma_wait3A_223 = arith.constant 0 : i32
        %dma_wait3A_224 = tpu.memref_slice %arg6[%dma_wait3A_222, %dma_wait3A_223] : memref<79x128xi32, #tpu.memory_space<vmem>> -> memref<1x128xi32, #tpu.memory_space<vmem>>
        %dma_wait3A_225 = arith.constant 0 : i32
        %dma_wait3A_226 = tpu.memref_slice %arg3[%add3A_209, %dma_wait3A_225] : memref<2500x128xi32, #tpu.memory_space<hbm>> -> memref<1x128xi32, #tpu.memory_space<hbm>>
        %dma_wait3A_227 = arith.constant 78 : i32
        %dma_wait3A_228 = arith.constant 0 : i32
        %dma_wait3A_229 = tpu.memref_slice %arg6[%dma_wait3A_227, %dma_wait3A_228] : memref<79x128xi32, #tpu.memory_space<vmem>> -> memref<1x128xi32, #tpu.memory_space<vmem>>
        %dma_wait3A_230 = arith.constant 0 : i32
        %dma_wait3A_231 = tpu.memref_slice %arg3[%add3A_209, %dma_wait3A_230] : memref<2500x128xi32, #tpu.memory_space<hbm>> -> memref<1x128xi32, #tpu.memory_space<hbm>>
        tpu.wait_dma2 semaphore(%run_scoped3A : memref<!tpu.dma_semaphore, #tpu.memory_space<semaphore_mem>>) src(%dma_wait3A_231 : memref<1x128xi32, #tpu.memory_space<hbm>>) dst(%dma_wait3A_229 : memref<1x128xi32, #tpu.memory_space<vmem>>)
        tpu.yield
      }) : () -> ()
      %add3A_210 = arith.constant 78 : i32
      %add3A_211 = arith.addi %add3A_4, %add3A_210 : i32
      "tpu.region"() ({
        %run_scoped3A = tpu.sem_alloc : memref<!tpu.dma_semaphore, #tpu.memory_space<semaphore_mem>>
        %dma_start3A_212 = arith.constant 78 : i32
        %dma_start3A_213 = arith.constant 0 : i32
        %dma_start3A_214 = tpu.memref_slice %arg7[%dma_start3A_212, %dma_start3A_213] : memref<79x128xi32, #tpu.memory_space<vmem>> -> memref<1x128xi32, #tpu.memory_space<vmem>>
        %dma_start3A_215 = arith.constant 0 : i32
        %dma_start3A_216 = tpu.memref_slice %arg4[%add3A_211, %dma_start3A_215] : memref<2500x128xi32, #tpu.memory_space<hbm>> -> memref<1x128xi32, #tpu.memory_space<hbm>>
        %dma_start3A_217 = arith.constant 78 : i32
        %dma_start3A_218 = arith.constant 0 : i32
        %dma_start3A_219 = tpu.memref_slice %arg7[%dma_start3A_217, %dma_start3A_218] : memref<79x128xi32, #tpu.memory_space<vmem>> -> memref<1x128xi32, #tpu.memory_space<vmem>>
        %dma_start3A_220 = arith.constant 0 : i32
        %dma_start3A_221 = tpu.memref_slice %arg4[%add3A_211, %dma_start3A_220] : memref<2500x128xi32, #tpu.memory_space<hbm>> -> memref<1x128xi32, #tpu.memory_space<hbm>>
        tpu.enqueue_dma source(%dma_start3A_221 : memref<1x128xi32, #tpu.memory_space<hbm>>) target(%dma_start3A_219 : memref<1x128xi32, #tpu.memory_space<vmem>>) target_semaphore(%run_scoped3A : memref<!tpu.dma_semaphore, #tpu.memory_space<semaphore_mem>>)
        %dma_wait3A_222 = arith.constant 78 : i32
        %dma_wait3A_223 = arith.constant 0 : i32
        %dma_wait3A_224 = tpu.memref_slice %arg7[%dma_wait3A_222, %dma_wait3A_223] : memref<79x128xi32, #tpu.memory_space<vmem>> -> memref<1x128xi32, #tpu.memory_space<vmem>>
        %dma_wait3A_225 = arith.constant 0 : i32
        %dma_wait3A_226 = tpu.memref_slice %arg4[%add3A_211, %dma_wait3A_225] : memref<2500x128xi32, #tpu.memory_space<hbm>> -> memref<1x128xi32, #tpu.memory_space<hbm>>
        %dma_wait3A_227 = arith.constant 78 : i32
        %dma_wait3A_228 = arith.constant 0 : i32
        %dma_wait3A_229 = tpu.memref_slice %arg7[%dma_wait3A_227, %dma_wait3A_228] : memref<79x128xi32, #tpu.memory_space<vmem>> -> memref<1x128xi32, #tpu.memory_space<vmem>>
        %dma_wait3A_230 = arith.constant 0 : i32
        %dma_wait3A_231 = tpu.memref_slice %arg4[%add3A_211, %dma_wait3A_230] : memref<2500x128xi32, #tpu.memory_space<hbm>> -> memref<1x128xi32, #tpu.memory_space<hbm>>
        tpu.wait_dma2 semaphore(%run_scoped3A : memref<!tpu.dma_semaphore, #tpu.memory_space<semaphore_mem>>) src(%dma_wait3A_231 : memref<1x128xi32, #tpu.memory_space<hbm>>) dst(%dma_wait3A_229 : memref<1x128xi32, #tpu.memory_space<vmem>>)
        tpu.yield
      }) : () -> ()
    } else {
    }
    %barrier3A = arith.constant 0 : index
    tpu.barrier barrier_id(%barrier3A)
    %dma_start3A = arith.constant 0 : i32
    %dma_start3A_37 = arith.constant 0 : i32
    %dma_start3A_38 = tpu.memref_slice %arg6[%dma_start3A, %dma_start3A_37] : memref<79x128xi32, #tpu.memory_space<vmem>> -> memref<1x128xi32, #tpu.memory_space<vmem>>
    %dma_start3A_39 = tpu.memref_squeeze %dma_start3A_38 : memref<1x128xi32, #tpu.memory_space<vmem>> -> memref<128xi32, #tpu.memory_space<vmem>>
    %dma_start3A_40 = arith.constant 0 : i32
    %dma_start3A_41 = arith.constant 0 : i32
    %dma_start3A_42 = tpu.memref_slice %arg13[%dma_start3A_40, %dma_start3A_41] : memref<10240x16xf32, #tpu.memory_space<vmem_shared>> -> memref<10240x16xf32, #tpu.memory_space<vmem_shared>>
    tpu.enqueue_indirect_dma source(%dma_start3A_42 : memref<10240x16xf32, #tpu.memory_space<vmem_shared>>) target(%arg8 : memref<128x16xf32, #tpu.memory_space<vmem>>) offsets(%dma_start3A_39 : memref<128xi32, #tpu.memory_space<vmem>>) semaphore(%arg14 : memref<!tpu.dma_semaphore, #tpu.memory_space<semaphore_mem>>)
    %dma_start3A_43 = arith.constant 1 : i32
    %dma_start3A_44 = arith.constant 0 : i32
    %dma_start3A_45 = tpu.memref_slice %arg6[%dma_start3A_43, %dma_start3A_44] : memref<79x128xi32, #tpu.memory_space<vmem>> -> memref<1x128xi32, #tpu.memory_space<vmem>>
    %dma_start3A_46 = tpu.memref_squeeze %dma_start3A_45 : memref<1x128xi32, #tpu.memory_space<vmem>> -> memref<128xi32, #tpu.memory_space<vmem>>
    %dma_start3A_47 = arith.constant 0 : i32
    %dma_start3A_48 = arith.constant 0 : i32
    %dma_start3A_49 = tpu.memref_slice %arg13[%dma_start3A_47, %dma_start3A_48] : memref<10240x16xf32, #tpu.memory_space<vmem_shared>> -> memref<10240x16xf32, #tpu.memory_space<vmem_shared>>
    tpu.enqueue_indirect_dma source(%dma_start3A_49 : memref<10240x16xf32, #tpu.memory_space<vmem_shared>>) target(%arg9 : memref<128x16xf32, #tpu.memory_space<vmem>>) offsets(%dma_start3A_46 : memref<128xi32, #tpu.memory_space<vmem>>) semaphore(%arg15 : memref<!tpu.dma_semaphore, #tpu.memory_space<semaphore_mem>>)
    %dma_wait3A = arith.constant 0 : i32
    %dma_wait3A_50 = arith.constant 0 : i32
    %dma_wait3A_51 = tpu.memref_slice %arg2[%dma_wait3A, %dma_wait3A_50] : memref<10240x16xf32, #tpu.memory_space<hbm>> -> memref<128x16xf32, #tpu.memory_space<hbm>>
    %dma_wait3A_52 = arith.constant 0 : i32
    %dma_wait3A_53 = arith.constant 0 : i32
    %dma_wait3A_54 = tpu.memref_slice %arg2[%dma_wait3A_52, %dma_wait3A_53] : memref<10240x16xf32, #tpu.memory_space<hbm>> -> memref<128x16xf32, #tpu.memory_space<hbm>>
    tpu.wait_dma2 semaphore(%arg14 : memref<!tpu.dma_semaphore, #tpu.memory_space<semaphore_mem>>) src(%dma_wait3A_54 : memref<128x16xf32, #tpu.memory_space<hbm>>) dst(%arg8 : memref<128x16xf32, #tpu.memory_space<vmem>>)
    %dma_start3A_55 = arith.constant 0 : i32
    %dma_start3A_56 = arith.constant 0 : i32
    %dma_start3A_57 = tpu.memref_slice %arg7[%dma_start3A_55, %dma_start3A_56] : memref<79x128xi32, #tpu.memory_space<vmem>> -> memref<1x128xi32, #tpu.memory_space<vmem>>
    %dma_start3A_58 = tpu.memref_squeeze %dma_start3A_57 : memref<1x128xi32, #tpu.memory_space<vmem>> -> memref<128xi32, #tpu.memory_space<vmem>>
    %dma_start3A_59 = arith.constant 0 : i32
    %dma_start3A_60 = arith.constant 0 : i32
    %dma_start3A_61 = tpu.memref_slice %arg12[%dma_start3A_59, %dma_start3A_60] : memref<10240x16xf32, #tpu.memory_space<vmem_shared>> -> memref<10240x16xf32, #tpu.memory_space<vmem_shared>>
    tpu.enqueue_indirect_dma source(%arg8 : memref<128x16xf32, #tpu.memory_space<vmem>>) target(%dma_start3A_61 : memref<10240x16xf32, #tpu.memory_space<vmem_shared>>) offsets(%dma_start3A_58 : memref<128xi32, #tpu.memory_space<vmem>>) semaphore(%arg14 : memref<!tpu.dma_semaphore, #tpu.memory_space<semaphore_mem>>) {add = true}
    %dma_start3A_62 = arith.constant 2 : i32
    %dma_start3A_63 = arith.constant 0 : i32
    %dma_start3A_64 = tpu.memref_slice %arg6[%dma_start3A_62, %dma_start3A_63] : memref<79x128xi32, #tpu.memory_space<vmem>> -> memref<1x128xi32, #tpu.memory_space<vmem>>
    %dma_start3A_65 = tpu.memref_squeeze %dma_start3A_64 : memref<1x128xi32, #tpu.memory_space<vmem>> -> memref<128xi32, #tpu.memory_space<vmem>>
    %dma_start3A_66 = arith.constant 0 : i32
    %dma_start3A_67 = arith.constant 0 : i32
    %dma_start3A_68 = tpu.memref_slice %arg13[%dma_start3A_66, %dma_start3A_67] : memref<10240x16xf32, #tpu.memory_space<vmem_shared>> -> memref<10240x16xf32, #tpu.memory_space<vmem_shared>>
    tpu.enqueue_indirect_dma source(%dma_start3A_68 : memref<10240x16xf32, #tpu.memory_space<vmem_shared>>) target(%arg10 : memref<128x16xf32, #tpu.memory_space<vmem>>) offsets(%dma_start3A_65 : memref<128xi32, #tpu.memory_space<vmem>>) semaphore(%arg16 : memref<!tpu.dma_semaphore, #tpu.memory_space<semaphore_mem>>)
    %dma_wait3A_69 = arith.constant 0 : i32
    %dma_wait3A_70 = arith.constant 0 : i32
    %dma_wait3A_71 = tpu.memref_slice %arg2[%dma_wait3A_69, %dma_wait3A_70] : memref<10240x16xf32, #tpu.memory_space<hbm>> -> memref<128x16xf32, #tpu.memory_space<hbm>>
    %dma_wait3A_72 = arith.constant 0 : i32
    %dma_wait3A_73 = arith.constant 0 : i32
    %dma_wait3A_74 = tpu.memref_slice %arg2[%dma_wait3A_72, %dma_wait3A_73] : memref<10240x16xf32, #tpu.memory_space<hbm>> -> memref<128x16xf32, #tpu.memory_space<hbm>>
    tpu.wait_dma2 semaphore(%arg15 : memref<!tpu.dma_semaphore, #tpu.memory_space<semaphore_mem>>) src(%dma_wait3A_74 : memref<128x16xf32, #tpu.memory_space<hbm>>) dst(%arg9 : memref<128x16xf32, #tpu.memory_space<vmem>>)
    %dma_start3A_75 = arith.constant 1 : i32
    %dma_start3A_76 = arith.constant 0 : i32
    %dma_start3A_77 = tpu.memref_slice %arg7[%dma_start3A_75, %dma_start3A_76] : memref<79x128xi32, #tpu.memory_space<vmem>> -> memref<1x128xi32, #tpu.memory_space<vmem>>
    %dma_start3A_78 = tpu.memref_squeeze %dma_start3A_77 : memref<1x128xi32, #tpu.memory_space<vmem>> -> memref<128xi32, #tpu.memory_space<vmem>>
    %dma_start3A_79 = arith.constant 0 : i32
    %dma_start3A_80 = arith.constant 0 : i32
    %dma_start3A_81 = tpu.memref_slice %arg12[%dma_start3A_79, %dma_start3A_80] : memref<10240x16xf32, #tpu.memory_space<vmem_shared>> -> memref<10240x16xf32, #tpu.memory_space<vmem_shared>>
    tpu.enqueue_indirect_dma source(%arg9 : memref<128x16xf32, #tpu.memory_space<vmem>>) target(%dma_start3A_81 : memref<10240x16xf32, #tpu.memory_space<vmem_shared>>) offsets(%dma_start3A_78 : memref<128xi32, #tpu.memory_space<vmem>>) semaphore(%arg15 : memref<!tpu.dma_semaphore, #tpu.memory_space<semaphore_mem>>) {add = true}
    %dma_start3A_82 = arith.constant 3 : i32
    %dma_start3A_83 = arith.constant 0 : i32
    %dma_start3A_84 = tpu.memref_slice %arg6[%dma_start3A_82, %dma_start3A_83] : memref<79x128xi32, #tpu.memory_space<vmem>> -> memref<1x128xi32, #tpu.memory_space<vmem>>
    %dma_start3A_85 = tpu.memref_squeeze %dma_start3A_84 : memref<1x128xi32, #tpu.memory_space<vmem>> -> memref<128xi32, #tpu.memory_space<vmem>>
    %dma_start3A_86 = arith.constant 0 : i32
    %dma_start3A_87 = arith.constant 0 : i32
    %dma_start3A_88 = tpu.memref_slice %arg13[%dma_start3A_86, %dma_start3A_87] : memref<10240x16xf32, #tpu.memory_space<vmem_shared>> -> memref<10240x16xf32, #tpu.memory_space<vmem_shared>>
    tpu.enqueue_indirect_dma source(%dma_start3A_88 : memref<10240x16xf32, #tpu.memory_space<vmem_shared>>) target(%arg11 : memref<128x16xf32, #tpu.memory_space<vmem>>) offsets(%dma_start3A_85 : memref<128xi32, #tpu.memory_space<vmem>>) semaphore(%arg17 : memref<!tpu.dma_semaphore, #tpu.memory_space<semaphore_mem>>)
    %dma_wait3A_89 = arith.constant 0 : i32
    %dma_wait3A_90 = arith.constant 0 : i32
    %dma_wait3A_91 = tpu.memref_slice %arg2[%dma_wait3A_89, %dma_wait3A_90] : memref<10240x16xf32, #tpu.memory_space<hbm>> -> memref<128x16xf32, #tpu.memory_space<hbm>>
    %dma_wait3A_92 = arith.constant 0 : i32
    %dma_wait3A_93 = arith.constant 0 : i32
    %dma_wait3A_94 = tpu.memref_slice %arg2[%dma_wait3A_92, %dma_wait3A_93] : memref<10240x16xf32, #tpu.memory_space<hbm>> -> memref<128x16xf32, #tpu.memory_space<hbm>>
    tpu.wait_dma2 semaphore(%arg16 : memref<!tpu.dma_semaphore, #tpu.memory_space<semaphore_mem>>) src(%dma_wait3A_94 : memref<128x16xf32, #tpu.memory_space<hbm>>) dst(%arg10 : memref<128x16xf32, #tpu.memory_space<vmem>>)
    %dma_start3A_95 = arith.constant 2 : i32
    %dma_start3A_96 = arith.constant 0 : i32
    %dma_start3A_97 = tpu.memref_slice %arg7[%dma_start3A_95, %dma_start3A_96] : memref<79x128xi32, #tpu.memory_space<vmem>> -> memref<1x128xi32, #tpu.memory_space<vmem>>
    %dma_start3A_98 = tpu.memref_squeeze %dma_start3A_97 : memref<1x128xi32, #tpu.memory_space<vmem>> -> memref<128xi32, #tpu.memory_space<vmem>>
    %dma_start3A_99 = arith.constant 0 : i32
    %dma_start3A_100 = arith.constant 0 : i32
    %dma_start3A_101 = tpu.memref_slice %arg12[%dma_start3A_99, %dma_start3A_100] : memref<10240x16xf32, #tpu.memory_space<vmem_shared>> -> memref<10240x16xf32, #tpu.memory_space<vmem_shared>>
    tpu.enqueue_indirect_dma source(%arg10 : memref<128x16xf32, #tpu.memory_space<vmem>>) target(%dma_start3A_101 : memref<10240x16xf32, #tpu.memory_space<vmem_shared>>) offsets(%dma_start3A_98 : memref<128xi32, #tpu.memory_space<vmem>>) semaphore(%arg16 : memref<!tpu.dma_semaphore, #tpu.memory_space<semaphore_mem>>) {add = true}
    %dma_wait3A_102 = arith.constant 0 : i32
    %dma_wait3A_103 = arith.constant 0 : i32
    %dma_wait3A_104 = tpu.memref_slice %arg2[%dma_wait3A_102, %dma_wait3A_103] : memref<10240x16xf32, #tpu.memory_space<hbm>> -> memref<128x16xf32, #tpu.memory_space<hbm>>
    %dma_wait3A_105 = arith.constant 0 : i32
    %dma_wait3A_106 = arith.constant 0 : i32
    %dma_wait3A_107 = tpu.memref_slice %arg2[%dma_wait3A_105, %dma_wait3A_106] : memref<10240x16xf32, #tpu.memory_space<hbm>> -> memref<128x16xf32, #tpu.memory_space<hbm>>
    tpu.wait_dma2 semaphore(%arg14 : memref<!tpu.dma_semaphore, #tpu.memory_space<semaphore_mem>>) src(%dma_wait3A_107 : memref<128x16xf32, #tpu.memory_space<hbm>>) dst(%arg8 : memref<128x16xf32, #tpu.memory_space<vmem>>)
    %dma_start3A_108 = arith.constant 4 : i32
    %dma_start3A_109 = arith.constant 0 : i32
    %dma_start3A_110 = tpu.memref_slice %arg6[%dma_start3A_108, %dma_start3A_109] : memref<79x128xi32, #tpu.memory_space<vmem>> -> memref<1x128xi32, #tpu.memory_space<vmem>>
    %dma_start3A_111 = tpu.memref_squeeze %dma_start3A_110 : memref<1x128xi32, #tpu.memory_space<vmem>> -> memref<128xi32, #tpu.memory_space<vmem>>
    %dma_start3A_112 = arith.constant 0 : i32
    %dma_start3A_113 = arith.constant 0 : i32
    %dma_start3A_114 = tpu.memref_slice %arg13[%dma_start3A_112, %dma_start3A_113] : memref<10240x16xf32, #tpu.memory_space<vmem_shared>> -> memref<10240x16xf32, #tpu.memory_space<vmem_shared>>
    tpu.enqueue_indirect_dma source(%dma_start3A_114 : memref<10240x16xf32, #tpu.memory_space<vmem_shared>>) target(%arg8 : memref<128x16xf32, #tpu.memory_space<vmem>>) offsets(%dma_start3A_111 : memref<128xi32, #tpu.memory_space<vmem>>) semaphore(%arg14 : memref<!tpu.dma_semaphore, #tpu.memory_space<semaphore_mem>>)
    %dma_wait3A_115 = arith.constant 0 : i32
    %dma_wait3A_116 = arith.constant 0 : i32
    %dma_wait3A_117 = tpu.memref_slice %arg2[%dma_wait3A_115, %dma_wait3A_116] : memref<10240x16xf32, #tpu.memory_space<hbm>> -> memref<128x16xf32, #tpu.memory_space<hbm>>
    %dma_wait3A_118 = arith.constant 0 : i32
    %dma_wait3A_119 = arith.constant 0 : i32
    %dma_wait3A_120 = tpu.memref_slice %arg2[%dma_wait3A_118, %dma_wait3A_119] : memref<10240x16xf32, #tpu.memory_space<hbm>> -> memref<128x16xf32, #tpu.memory_space<hbm>>
    tpu.wait_dma2 semaphore(%arg17 : memref<!tpu.dma_semaphore, #tpu.memory_space<semaphore_mem>>) src(%dma_wait3A_120 : memref<128x16xf32, #tpu.memory_space<hbm>>) dst(%arg11 : memref<128x16xf32, #tpu.memory_space<vmem>>)
    %dma_start3A_121 = arith.constant 3 : i32
    %dma_start3A_122 = arith.constant 0 : i32
    %dma_start3A_123 = tpu.memref_slice %arg7[%dma_start3A_121, %dma_start3A_122] : memref<79x128xi32, #tpu.memory_space<vmem>> -> memref<1x128xi32, #tpu.memory_space<vmem>>
    %dma_start3A_124 = tpu.memref_squeeze %dma_start3A_123 : memref<1x128xi32, #tpu.memory_space<vmem>> -> memref<128xi32, #tpu.memory_space<vmem>>
    %dma_start3A_125 = arith.constant 0 : i32
    %dma_start3A_126 = arith.constant 0 : i32
    %dma_start3A_127 = tpu.memref_slice %arg12[%dma_start3A_125, %dma_start3A_126] : memref<10240x16xf32, #tpu.memory_space<vmem_shared>> -> memref<10240x16xf32, #tpu.memory_space<vmem_shared>>
    tpu.enqueue_indirect_dma source(%arg11 : memref<128x16xf32, #tpu.memory_space<vmem>>) target(%dma_start3A_127 : memref<10240x16xf32, #tpu.memory_space<vmem_shared>>) offsets(%dma_start3A_124 : memref<128xi32, #tpu.memory_space<vmem>>) semaphore(%arg17 : memref<!tpu.dma_semaphore, #tpu.memory_space<semaphore_mem>>) {add = true}
    %dma_wait3A_128 = arith.constant 0 : i32
    %dma_wait3A_129 = arith.constant 0 : i32
    %dma_wait3A_130 = tpu.memref_slice %arg2[%dma_wait3A_128, %dma_wait3A_129] : memref<10240x16xf32, #tpu.memory_space<hbm>> -> memref<128x16xf32, #tpu.memory_space<hbm>>
    %dma_wait3A_131 = arith.constant 0 : i32
    %dma_wait3A_132 = arith.constant 0 : i32
    %dma_wait3A_133 = tpu.memref_slice %arg2[%dma_wait3A_131, %dma_wait3A_132] : memref<10240x16xf32, #tpu.memory_space<hbm>> -> memref<128x16xf32, #tpu.memory_space<hbm>>
    tpu.wait_dma2 semaphore(%arg15 : memref<!tpu.dma_semaphore, #tpu.memory_space<semaphore_mem>>) src(%dma_wait3A_133 : memref<128x16xf32, #tpu.memory_space<hbm>>) dst(%arg9 : memref<128x16xf32, #tpu.memory_space<vmem>>)
    %dma_start3A_134 = arith.constant 5 : i32
    %dma_start3A_135 = arith.constant 0 : i32
    %dma_start3A_136 = tpu.memref_slice %arg6[%dma_start3A_134, %dma_start3A_135] : memref<79x128xi32, #tpu.memory_space<vmem>> -> memref<1x128xi32, #tpu.memory_space<vmem>>
    %dma_start3A_137 = tpu.memref_squeeze %dma_start3A_136 : memref<1x128xi32, #tpu.memory_space<vmem>> -> memref<128xi32, #tpu.memory_space<vmem>>
    %dma_start3A_138 = arith.constant 0 : i32
    %dma_start3A_139 = arith.constant 0 : i32
    %dma_start3A_140 = tpu.memref_slice %arg13[%dma_start3A_138, %dma_start3A_139] : memref<10240x16xf32, #tpu.memory_space<vmem_shared>> -> memref<10240x16xf32, #tpu.memory_space<vmem_shared>>
    tpu.enqueue_indirect_dma source(%dma_start3A_140 : memref<10240x16xf32, #tpu.memory_space<vmem_shared>>) target(%arg9 : memref<128x16xf32, #tpu.memory_space<vmem>>) offsets(%dma_start3A_137 : memref<128xi32, #tpu.memory_space<vmem>>) semaphore(%arg15 : memref<!tpu.dma_semaphore, #tpu.memory_space<semaphore_mem>>)
    %dma_wait3A_141 = arith.constant 0 : i32
    %dma_wait3A_142 = arith.constant 0 : i32
    %dma_wait3A_143 = tpu.memref_slice %arg2[%dma_wait3A_141, %dma_wait3A_142] : memref<10240x16xf32, #tpu.memory_space<hbm>> -> memref<128x16xf32, #tpu.memory_space<hbm>>
    %dma_wait3A_144 = arith.constant 0 : i32
    %dma_wait3A_145 = arith.constant 0 : i32
    %dma_wait3A_146 = tpu.memref_slice %arg2[%dma_wait3A_144, %dma_wait3A_145] : memref<10240x16xf32, #tpu.memory_space<hbm>> -> memref<128x16xf32, #tpu.memory_space<hbm>>
    tpu.wait_dma2 semaphore(%arg14 : memref<!tpu.dma_semaphore, #tpu.memory_space<semaphore_mem>>) src(%dma_wait3A_146 : memref<128x16xf32, #tpu.memory_space<hbm>>) dst(%arg8 : memref<128x16xf32, #tpu.memory_space<vmem>>)
    %dma_start3A_147 = arith.constant 4 : i32
    %dma_start3A_148 = arith.constant 0 : i32
    %dma_start3A_149 = tpu.memref_slice %arg7[%dma_start3A_147, %dma_start3A_148] : memref<79x128xi32, #tpu.memory_space<vmem>> -> memref<1x128xi32, #tpu.memory_space<vmem>>
    %dma_start3A_150 = tpu.memref_squeeze %dma_start3A_149 : memref<1x128xi32, #tpu.memory_space<vmem>> -> memref<128xi32, #tpu.memory_space<vmem>>
    %dma_start3A_151 = arith.constant 0 : i32
    %dma_start3A_152 = arith.constant 0 : i32
    %dma_start3A_153 = tpu.memref_slice %arg12[%dma_start3A_151, %dma_start3A_152] : memref<10240x16xf32, #tpu.memory_space<vmem_shared>> -> memref<10240x16xf32, #tpu.memory_space<vmem_shared>>
    tpu.enqueue_indirect_dma source(%arg8 : memref<128x16xf32, #tpu.memory_space<vmem>>) target(%dma_start3A_153 : memref<10240x16xf32, #tpu.memory_space<vmem_shared>>) offsets(%dma_start3A_150 : memref<128xi32, #tpu.memory_space<vmem>>) semaphore(%arg14 : memref<!tpu.dma_semaphore, #tpu.memory_space<semaphore_mem>>) {add = true}
    %scan3A_154 = arith.constant 0 : i32
    %scan3A_155 = arith.constant 0 : i32
    %scan3A_156 = arith.constant 18 : i32
    %scan3A_157 = arith.addi %scan3A_155, %scan3A_156 : i32
    %scan3A_158 = arith.constant 1 : i32
    %scan3A_159 = scf.for %scan3A_208 = %scan3A_155 to %scan3A_157 step %scan3A_158 iter_args(%scan3A_209 = %scan3A_154) -> (i32)  : i32 {
      %mul3A_210 = arith.constant 4 : i32
      %mul3A_211 = arith.muli %scan3A_208, %mul3A_210 : i32
      %add3A_212 = arith.constant 6 : i32
      %add3A_213 = arith.addi %add3A_212, %mul3A_211 : i32
      %add3A_214 = arith.constant 0 : i32
      %add3A_215 = arith.addi %add3A_213, %add3A_214 : i32
      %dma_wait3A_216 = arith.constant 0 : i32
      %dma_wait3A_217 = arith.constant 0 : i32
      %dma_wait3A_218 = tpu.memref_slice %arg2[%dma_wait3A_216, %dma_wait3A_217] : memref<10240x16xf32, #tpu.memory_space<hbm>> -> memref<128x16xf32, #tpu.memory_space<hbm>>
      %dma_wait3A_219 = arith.constant 0 : i32
      %dma_wait3A_220 = arith.constant 0 : i32
      %dma_wait3A_221 = tpu.memref_slice %arg2[%dma_wait3A_219, %dma_wait3A_220] : memref<10240x16xf32, #tpu.memory_space<hbm>> -> memref<128x16xf32, #tpu.memory_space<hbm>>
      tpu.wait_dma2 semaphore(%arg16 : memref<!tpu.dma_semaphore, #tpu.memory_space<semaphore_mem>>) src(%dma_wait3A_221 : memref<128x16xf32, #tpu.memory_space<hbm>>) dst(%arg10 : memref<128x16xf32, #tpu.memory_space<vmem>>)
      %dma_start3A_222 = arith.constant 0 : i32
      %dma_start3A_223 = tpu.memref_slice %arg6[%add3A_215, %dma_start3A_222] : memref<79x128xi32, #tpu.memory_space<vmem>> -> memref<1x128xi32, #tpu.memory_space<vmem>>
      %dma_start3A_224 = tpu.memref_squeeze %dma_start3A_223 : memref<1x128xi32, #tpu.memory_space<vmem>> -> memref<128xi32, #tpu.memory_space<vmem>>
      %dma_start3A_225 = arith.constant 0 : i32
      %dma_start3A_226 = arith.constant 0 : i32
      %dma_start3A_227 = tpu.memref_slice %arg13[%dma_start3A_225, %dma_start3A_226] : memref<10240x16xf32, #tpu.memory_space<vmem_shared>> -> memref<10240x16xf32, #tpu.memory_space<vmem_shared>>
      tpu.enqueue_indirect_dma source(%dma_start3A_227 : memref<10240x16xf32, #tpu.memory_space<vmem_shared>>) target(%arg10 : memref<128x16xf32, #tpu.memory_space<vmem>>) offsets(%dma_start3A_224 : memref<128xi32, #tpu.memory_space<vmem>>) semaphore(%arg16 : memref<!tpu.dma_semaphore, #tpu.memory_space<semaphore_mem>>)
      %dma_wait3A_228 = arith.constant 0 : i32
      %dma_wait3A_229 = arith.constant 0 : i32
      %dma_wait3A_230 = tpu.memref_slice %arg2[%dma_wait3A_228, %dma_wait3A_229] : memref<10240x16xf32, #tpu.memory_space<hbm>> -> memref<128x16xf32, #tpu.memory_space<hbm>>
      %dma_wait3A_231 = arith.constant 0 : i32
      %dma_wait3A_232 = arith.constant 0 : i32
      %dma_wait3A_233 = tpu.memref_slice %arg2[%dma_wait3A_231, %dma_wait3A_232] : memref<10240x16xf32, #tpu.memory_space<hbm>> -> memref<128x16xf32, #tpu.memory_space<hbm>>
      tpu.wait_dma2 semaphore(%arg15 : memref<!tpu.dma_semaphore, #tpu.memory_space<semaphore_mem>>) src(%dma_wait3A_233 : memref<128x16xf32, #tpu.memory_space<hbm>>) dst(%arg9 : memref<128x16xf32, #tpu.memory_space<vmem>>)
      %sub3A = arith.constant 1 : i32
      %sub3A_234 = arith.subi %add3A_215, %sub3A : i32
      %dma_start3A_235 = arith.constant 0 : i32
      %dma_start3A_236 = tpu.memref_slice %arg7[%sub3A_234, %dma_start3A_235] : memref<79x128xi32, #tpu.memory_space<vmem>> -> memref<1x128xi32, #tpu.memory_space<vmem>>
      %dma_start3A_237 = tpu.memref_squeeze %dma_start3A_236 : memref<1x128xi32, #tpu.memory_space<vmem>> -> memref<128xi32, #tpu.memory_space<vmem>>
      %dma_start3A_238 = arith.constant 0 : i32
      %dma_start3A_239 = arith.constant 0 : i32
      %dma_start3A_240 = tpu.memref_slice %arg12[%dma_start3A_238, %dma_start3A_239] : memref<10240x16xf32, #tpu.memory_space<vmem_shared>> -> memref<10240x16xf32, #tpu.memory_space<vmem_shared>>
      tpu.enqueue_indirect_dma source(%arg9 : memref<128x16xf32, #tpu.memory_space<vmem>>) target(%dma_start3A_240 : memref<10240x16xf32, #tpu.memory_space<vmem_shared>>) offsets(%dma_start3A_237 : memref<128xi32, #tpu.memory_space<vmem>>) semaphore(%arg15 : memref<!tpu.dma_semaphore, #tpu.memory_space<semaphore_mem>>) {add = true}
      %add3A_241 = arith.constant 1 : i32
      %add3A_242 = arith.addi %add3A_213, %add3A_241 : i32
      %dma_wait3A_243 = arith.constant 0 : i32
      %dma_wait3A_244 = arith.constant 0 : i32
      %dma_wait3A_245 = tpu.memref_slice %arg2[%dma_wait3A_243, %dma_wait3A_244] : memref<10240x16xf32, #tpu.memory_space<hbm>> -> memref<128x16xf32, #tpu.memory_space<hbm>>
      %dma_wait3A_246 = arith.constant 0 : i32
      %dma_wait3A_247 = arith.constant 0 : i32
      %dma_wait3A_248 = tpu.memref_slice %arg2[%dma_wait3A_246, %dma_wait3A_247] : memref<10240x16xf32, #tpu.memory_space<hbm>> -> memref<128x16xf32, #tpu.memory_space<hbm>>
      tpu.wait_dma2 semaphore(%arg17 : memref<!tpu.dma_semaphore, #tpu.memory_space<semaphore_mem>>) src(%dma_wait3A_248 : memref<128x16xf32, #tpu.memory_space<hbm>>) dst(%arg11 : memref<128x16xf32, #tpu.memory_space<vmem>>)
      %dma_start3A_249 = arith.constant 0 : i32
      %dma_start3A_250 = tpu.memref_slice %arg6[%add3A_242, %dma_start3A_249] : memref<79x128xi32, #tpu.memory_space<vmem>> -> memref<1x128xi32, #tpu.memory_space<vmem>>
      %dma_start3A_251 = tpu.memref_squeeze %dma_start3A_250 : memref<1x128xi32, #tpu.memory_space<vmem>> -> memref<128xi32, #tpu.memory_space<vmem>>
      %dma_start3A_252 = arith.constant 0 : i32
      %dma_start3A_253 = arith.constant 0 : i32
      %dma_start3A_254 = tpu.memref_slice %arg13[%dma_start3A_252, %dma_start3A_253] : memref<10240x16xf32, #tpu.memory_space<vmem_shared>> -> memref<10240x16xf32, #tpu.memory_space<vmem_shared>>
      tpu.enqueue_indirect_dma source(%dma_start3A_254 : memref<10240x16xf32, #tpu.memory_space<vmem_shared>>) target(%arg11 : memref<128x16xf32, #tpu.memory_space<vmem>>) offsets(%dma_start3A_251 : memref<128xi32, #tpu.memory_space<vmem>>) semaphore(%arg17 : memref<!tpu.dma_semaphore, #tpu.memory_space<semaphore_mem>>)
      %dma_wait3A_255 = arith.constant 0 : i32
      %dma_wait3A_256 = arith.constant 0 : i32
      %dma_wait3A_257 = tpu.memref_slice %arg2[%dma_wait3A_255, %dma_wait3A_256] : memref<10240x16xf32, #tpu.memory_space<hbm>> -> memref<128x16xf32, #tpu.memory_space<hbm>>
      %dma_wait3A_258 = arith.constant 0 : i32
      %dma_wait3A_259 = arith.constant 0 : i32
      %dma_wait3A_260 = tpu.memref_slice %arg2[%dma_wait3A_258, %dma_wait3A_259] : memref<10240x16xf32, #tpu.memory_space<hbm>> -> memref<128x16xf32, #tpu.memory_space<hbm>>
      tpu.wait_dma2 semaphore(%arg16 : memref<!tpu.dma_semaphore, #tpu.memory_space<semaphore_mem>>) src(%dma_wait3A_260 : memref<128x16xf32, #tpu.memory_space<hbm>>) dst(%arg10 : memref<128x16xf32, #tpu.memory_space<vmem>>)
      %sub3A_261 = arith.constant 1 : i32
      %sub3A_262 = arith.subi %add3A_242, %sub3A_261 : i32
      %dma_start3A_263 = arith.constant 0 : i32
      %dma_start3A_264 = tpu.memref_slice %arg7[%sub3A_262, %dma_start3A_263] : memref<79x128xi32, #tpu.memory_space<vmem>> -> memref<1x128xi32, #tpu.memory_space<vmem>>
      %dma_start3A_265 = tpu.memref_squeeze %dma_start3A_264 : memref<1x128xi32, #tpu.memory_space<vmem>> -> memref<128xi32, #tpu.memory_space<vmem>>
      %dma_start3A_266 = arith.constant 0 : i32
      %dma_start3A_267 = arith.constant 0 : i32
      %dma_start3A_268 = tpu.memref_slice %arg12[%dma_start3A_266, %dma_start3A_267] : memref<10240x16xf32, #tpu.memory_space<vmem_shared>> -> memref<10240x16xf32, #tpu.memory_space<vmem_shared>>
      tpu.enqueue_indirect_dma source(%arg10 : memref<128x16xf32, #tpu.memory_space<vmem>>) target(%dma_start3A_268 : memref<10240x16xf32, #tpu.memory_space<vmem_shared>>) offsets(%dma_start3A_265 : memref<128xi32, #tpu.memory_space<vmem>>) semaphore(%arg16 : memref<!tpu.dma_semaphore, #tpu.memory_space<semaphore_mem>>) {add = true}
      %add3A_269 = arith.constant 2 : i32
      %add3A_270 = arith.addi %add3A_213, %add3A_269 : i32
      %dma_wait3A_271 = arith.constant 0 : i32
      %dma_wait3A_272 = arith.constant 0 : i32
      %dma_wait3A_273 = tpu.memref_slice %arg2[%dma_wait3A_271, %dma_wait3A_272] : memref<10240x16xf32, #tpu.memory_space<hbm>> -> memref<128x16xf32, #tpu.memory_space<hbm>>
      %dma_wait3A_274 = arith.constant 0 : i32
      %dma_wait3A_275 = arith.constant 0 : i32
      %dma_wait3A_276 = tpu.memref_slice %arg2[%dma_wait3A_274, %dma_wait3A_275] : memref<10240x16xf32, #tpu.memory_space<hbm>> -> memref<128x16xf32, #tpu.memory_space<hbm>>
      tpu.wait_dma2 semaphore(%arg14 : memref<!tpu.dma_semaphore, #tpu.memory_space<semaphore_mem>>) src(%dma_wait3A_276 : memref<128x16xf32, #tpu.memory_space<hbm>>) dst(%arg8 : memref<128x16xf32, #tpu.memory_space<vmem>>)
      %dma_start3A_277 = arith.constant 0 : i32
      %dma_start3A_278 = tpu.memref_slice %arg6[%add3A_270, %dma_start3A_277] : memref<79x128xi32, #tpu.memory_space<vmem>> -> memref<1x128xi32, #tpu.memory_space<vmem>>
      %dma_start3A_279 = tpu.memref_squeeze %dma_start3A_278 : memref<1x128xi32, #tpu.memory_space<vmem>> -> memref<128xi32, #tpu.memory_space<vmem>>
      %dma_start3A_280 = arith.constant 0 : i32
      %dma_start3A_281 = arith.constant 0 : i32
      %dma_start3A_282 = tpu.memref_slice %arg13[%dma_start3A_280, %dma_start3A_281] : memref<10240x16xf32, #tpu.memory_space<vmem_shared>> -> memref<10240x16xf32, #tpu.memory_space<vmem_shared>>
      tpu.enqueue_indirect_dma source(%dma_start3A_282 : memref<10240x16xf32, #tpu.memory_space<vmem_shared>>) target(%arg8 : memref<128x16xf32, #tpu.memory_space<vmem>>) offsets(%dma_start3A_279 : memref<128xi32, #tpu.memory_space<vmem>>) semaphore(%arg14 : memref<!tpu.dma_semaphore, #tpu.memory_space<semaphore_mem>>)
      %dma_wait3A_283 = arith.constant 0 : i32
      %dma_wait3A_284 = arith.constant 0 : i32
      %dma_wait3A_285 = tpu.memref_slice %arg2[%dma_wait3A_283, %dma_wait3A_284] : memref<10240x16xf32, #tpu.memory_space<hbm>> -> memref<128x16xf32, #tpu.memory_space<hbm>>
      %dma_wait3A_286 = arith.constant 0 : i32
      %dma_wait3A_287 = arith.constant 0 : i32
      %dma_wait3A_288 = tpu.memref_slice %arg2[%dma_wait3A_286, %dma_wait3A_287] : memref<10240x16xf32, #tpu.memory_space<hbm>> -> memref<128x16xf32, #tpu.memory_space<hbm>>
      tpu.wait_dma2 semaphore(%arg17 : memref<!tpu.dma_semaphore, #tpu.memory_space<semaphore_mem>>) src(%dma_wait3A_288 : memref<128x16xf32, #tpu.memory_space<hbm>>) dst(%arg11 : memref<128x16xf32, #tpu.memory_space<vmem>>)
      %sub3A_289 = arith.constant 1 : i32
      %sub3A_290 = arith.subi %add3A_270, %sub3A_289 : i32
      %dma_start3A_291 = arith.constant 0 : i32
      %dma_start3A_292 = tpu.memref_slice %arg7[%sub3A_290, %dma_start3A_291] : memref<79x128xi32, #tpu.memory_space<vmem>> -> memref<1x128xi32, #tpu.memory_space<vmem>>
      %dma_start3A_293 = tpu.memref_squeeze %dma_start3A_292 : memref<1x128xi32, #tpu.memory_space<vmem>> -> memref<128xi32, #tpu.memory_space<vmem>>
      %dma_start3A_294 = arith.constant 0 : i32
      %dma_start3A_295 = arith.constant 0 : i32
      %dma_start3A_296 = tpu.memref_slice %arg12[%dma_start3A_294, %dma_start3A_295] : memref<10240x16xf32, #tpu.memory_space<vmem_shared>> -> memref<10240x16xf32, #tpu.memory_space<vmem_shared>>
      tpu.enqueue_indirect_dma source(%arg11 : memref<128x16xf32, #tpu.memory_space<vmem>>) target(%dma_start3A_296 : memref<10240x16xf32, #tpu.memory_space<vmem_shared>>) offsets(%dma_start3A_293 : memref<128xi32, #tpu.memory_space<vmem>>) semaphore(%arg17 : memref<!tpu.dma_semaphore, #tpu.memory_space<semaphore_mem>>) {add = true}
      %add3A_297 = arith.constant 3 : i32
      %add3A_298 = arith.addi %add3A_213, %add3A_297 : i32
      %dma_wait3A_299 = arith.constant 0 : i32
      %dma_wait3A_300 = arith.constant 0 : i32
      %dma_wait3A_301 = tpu.memref_slice %arg2[%dma_wait3A_299, %dma_wait3A_300] : memref<10240x16xf32, #tpu.memory_space<hbm>> -> memref<128x16xf32, #tpu.memory_space<hbm>>
      %dma_wait3A_302 = arith.constant 0 : i32
      %dma_wait3A_303 = arith.constant 0 : i32
      %dma_wait3A_304 = tpu.memref_slice %arg2[%dma_wait3A_302, %dma_wait3A_303] : memref<10240x16xf32, #tpu.memory_space<hbm>> -> memref<128x16xf32, #tpu.memory_space<hbm>>
      tpu.wait_dma2 semaphore(%arg15 : memref<!tpu.dma_semaphore, #tpu.memory_space<semaphore_mem>>) src(%dma_wait3A_304 : memref<128x16xf32, #tpu.memory_space<hbm>>) dst(%arg9 : memref<128x16xf32, #tpu.memory_space<vmem>>)
      %dma_start3A_305 = arith.constant 0 : i32
      %dma_start3A_306 = tpu.memref_slice %arg6[%add3A_298, %dma_start3A_305] : memref<79x128xi32, #tpu.memory_space<vmem>> -> memref<1x128xi32, #tpu.memory_space<vmem>>
      %dma_start3A_307 = tpu.memref_squeeze %dma_start3A_306 : memref<1x128xi32, #tpu.memory_space<vmem>> -> memref<128xi32, #tpu.memory_space<vmem>>
      %dma_start3A_308 = arith.constant 0 : i32
      %dma_start3A_309 = arith.constant 0 : i32
      %dma_start3A_310 = tpu.memref_slice %arg13[%dma_start3A_308, %dma_start3A_309] : memref<10240x16xf32, #tpu.memory_space<vmem_shared>> -> memref<10240x16xf32, #tpu.memory_space<vmem_shared>>
      tpu.enqueue_indirect_dma source(%dma_start3A_310 : memref<10240x16xf32, #tpu.memory_space<vmem_shared>>) target(%arg9 : memref<128x16xf32, #tpu.memory_space<vmem>>) offsets(%dma_start3A_307 : memref<128xi32, #tpu.memory_space<vmem>>) semaphore(%arg15 : memref<!tpu.dma_semaphore, #tpu.memory_space<semaphore_mem>>)
      %dma_wait3A_311 = arith.constant 0 : i32
      %dma_wait3A_312 = arith.constant 0 : i32
      %dma_wait3A_313 = tpu.memref_slice %arg2[%dma_wait3A_311, %dma_wait3A_312] : memref<10240x16xf32, #tpu.memory_space<hbm>> -> memref<128x16xf32, #tpu.memory_space<hbm>>
      %dma_wait3A_314 = arith.constant 0 : i32
      %dma_wait3A_315 = arith.constant 0 : i32
      %dma_wait3A_316 = tpu.memref_slice %arg2[%dma_wait3A_314, %dma_wait3A_315] : memref<10240x16xf32, #tpu.memory_space<hbm>> -> memref<128x16xf32, #tpu.memory_space<hbm>>
      tpu.wait_dma2 semaphore(%arg14 : memref<!tpu.dma_semaphore, #tpu.memory_space<semaphore_mem>>) src(%dma_wait3A_316 : memref<128x16xf32, #tpu.memory_space<hbm>>) dst(%arg8 : memref<128x16xf32, #tpu.memory_space<vmem>>)
      %sub3A_317 = arith.constant 1 : i32
      %sub3A_318 = arith.subi %add3A_298, %sub3A_317 : i32
      %dma_start3A_319 = arith.constant 0 : i32
      %dma_start3A_320 = tpu.memref_slice %arg7[%sub3A_318, %dma_start3A_319] : memref<79x128xi32, #tpu.memory_space<vmem>> -> memref<1x128xi32, #tpu.memory_space<vmem>>
      %dma_start3A_321 = tpu.memref_squeeze %dma_start3A_320 : memref<1x128xi32, #tpu.memory_space<vmem>> -> memref<128xi32, #tpu.memory_space<vmem>>
      %dma_start3A_322 = arith.constant 0 : i32
      %dma_start3A_323 = arith.constant 0 : i32
      %dma_start3A_324 = tpu.memref_slice %arg12[%dma_start3A_322, %dma_start3A_323] : memref<10240x16xf32, #tpu.memory_space<vmem_shared>> -> memref<10240x16xf32, #tpu.memory_space<vmem_shared>>
      tpu.enqueue_indirect_dma source(%arg8 : memref<128x16xf32, #tpu.memory_space<vmem>>) target(%dma_start3A_324 : memref<10240x16xf32, #tpu.memory_space<vmem_shared>>) offsets(%dma_start3A_321 : memref<128xi32, #tpu.memory_space<vmem>>) semaphore(%arg14 : memref<!tpu.dma_semaphore, #tpu.memory_space<semaphore_mem>>) {add = true}
      %scan3A_325 = arith.constant 0 : i32
      scf.yield %scan3A_325 : i32
    }
    %scan3A_160 = arith.constant 18 : i32
    %dma_wait3A_161 = arith.constant 0 : i32
    %dma_wait3A_162 = arith.constant 0 : i32
    %dma_wait3A_163 = tpu.memref_slice %arg2[%dma_wait3A_161, %dma_wait3A_162] : memref<10240x16xf32, #tpu.memory_space<hbm>> -> memref<128x16xf32, #tpu.memory_space<hbm>>
    %dma_wait3A_164 = arith.constant 0 : i32
    %dma_wait3A_165 = arith.constant 0 : i32
    %dma_wait3A_166 = tpu.memref_slice %arg2[%dma_wait3A_164, %dma_wait3A_165] : memref<10240x16xf32, #tpu.memory_space<hbm>> -> memref<128x16xf32, #tpu.memory_space<hbm>>
    tpu.wait_dma2 semaphore(%arg15 : memref<!tpu.dma_semaphore, #tpu.memory_space<semaphore_mem>>) src(%dma_wait3A_166 : memref<128x16xf32, #tpu.memory_space<hbm>>) dst(%arg9 : memref<128x16xf32, #tpu.memory_space<vmem>>)
    %dma_start3A_167 = arith.constant 77 : i32
    %dma_start3A_168 = arith.constant 0 : i32
    %dma_start3A_169 = tpu.memref_slice %arg7[%dma_start3A_167, %dma_start3A_168] : memref<79x128xi32, #tpu.memory_space<vmem>> -> memref<1x128xi32, #tpu.memory_space<vmem>>
    %dma_start3A_170 = tpu.memref_squeeze %dma_start3A_169 : memref<1x128xi32, #tpu.memory_space<vmem>> -> memref<128xi32, #tpu.memory_space<vmem>>
    %dma_start3A_171 = arith.constant 0 : i32
    %dma_start3A_172 = arith.constant 0 : i32
    %dma_start3A_173 = tpu.memref_slice %arg12[%dma_start3A_171, %dma_start3A_172] : memref<10240x16xf32, #tpu.memory_space<vmem_shared>> -> memref<10240x16xf32, #tpu.memory_space<vmem_shared>>
    tpu.enqueue_indirect_dma source(%arg9 : memref<128x16xf32, #tpu.memory_space<vmem>>) target(%dma_start3A_173 : memref<10240x16xf32, #tpu.memory_space<vmem_shared>>) offsets(%dma_start3A_170 : memref<128xi32, #tpu.memory_space<vmem>>) semaphore(%arg15 : memref<!tpu.dma_semaphore, #tpu.memory_space<semaphore_mem>>) {add = true}
    %dma_wait3A_174 = arith.constant 0 : i32
    %dma_wait3A_175 = arith.constant 0 : i32
    %dma_wait3A_176 = tpu.memref_slice %arg2[%dma_wait3A_174, %dma_wait3A_175] : memref<10240x16xf32, #tpu.memory_space<hbm>> -> memref<128x16xf32, #tpu.memory_space<hbm>>
    %dma_wait3A_177 = arith.constant 0 : i32
    %dma_wait3A_178 = arith.constant 0 : i32
    %dma_wait3A_179 = tpu.memref_slice %arg2[%dma_wait3A_177, %dma_wait3A_178] : memref<10240x16xf32, #tpu.memory_space<hbm>> -> memref<128x16xf32, #tpu.memory_space<hbm>>
    tpu.wait_dma2 semaphore(%arg14 : memref<!tpu.dma_semaphore, #tpu.memory_space<semaphore_mem>>) src(%dma_wait3A_179 : memref<128x16xf32, #tpu.memory_space<hbm>>) dst(%arg8 : memref<128x16xf32, #tpu.memory_space<vmem>>)
    %dma_wait3A_180 = arith.constant 0 : i32
    %dma_wait3A_181 = arith.constant 0 : i32
    %dma_wait3A_182 = tpu.memref_slice %arg2[%dma_wait3A_180, %dma_wait3A_181] : memref<10240x16xf32, #tpu.memory_space<hbm>> -> memref<128x16xf32, #tpu.memory_space<hbm>>
    %dma_wait3A_183 = arith.constant 0 : i32
    %dma_wait3A_184 = arith.constant 0 : i32
    %dma_wait3A_185 = tpu.memref_slice %arg2[%dma_wait3A_183, %dma_wait3A_184] : memref<10240x16xf32, #tpu.memory_space<hbm>> -> memref<128x16xf32, #tpu.memory_space<hbm>>
    tpu.wait_dma2 semaphore(%arg15 : memref<!tpu.dma_semaphore, #tpu.memory_space<semaphore_mem>>) src(%dma_wait3A_185 : memref<128x16xf32, #tpu.memory_space<hbm>>) dst(%arg9 : memref<128x16xf32, #tpu.memory_space<vmem>>)
    %dma_wait3A_186 = arith.constant 0 : i32
    %dma_wait3A_187 = arith.constant 0 : i32
    %dma_wait3A_188 = tpu.memref_slice %arg2[%dma_wait3A_186, %dma_wait3A_187] : memref<10240x16xf32, #tpu.memory_space<hbm>> -> memref<128x16xf32, #tpu.memory_space<hbm>>
    %dma_wait3A_189 = arith.constant 0 : i32
    %dma_wait3A_190 = arith.constant 0 : i32
    %dma_wait3A_191 = tpu.memref_slice %arg2[%dma_wait3A_189, %dma_wait3A_190] : memref<10240x16xf32, #tpu.memory_space<hbm>> -> memref<128x16xf32, #tpu.memory_space<hbm>>
    tpu.wait_dma2 semaphore(%arg16 : memref<!tpu.dma_semaphore, #tpu.memory_space<semaphore_mem>>) src(%dma_wait3A_191 : memref<128x16xf32, #tpu.memory_space<hbm>>) dst(%arg10 : memref<128x16xf32, #tpu.memory_space<vmem>>)
    %dma_wait3A_192 = arith.constant 0 : i32
    %dma_wait3A_193 = arith.constant 0 : i32
    %dma_wait3A_194 = tpu.memref_slice %arg2[%dma_wait3A_192, %dma_wait3A_193] : memref<10240x16xf32, #tpu.memory_space<hbm>> -> memref<128x16xf32, #tpu.memory_space<hbm>>
    %dma_wait3A_195 = arith.constant 0 : i32
    %dma_wait3A_196 = arith.constant 0 : i32
    %dma_wait3A_197 = tpu.memref_slice %arg2[%dma_wait3A_195, %dma_wait3A_196] : memref<10240x16xf32, #tpu.memory_space<hbm>> -> memref<128x16xf32, #tpu.memory_space<hbm>>
    tpu.wait_dma2 semaphore(%arg17 : memref<!tpu.dma_semaphore, #tpu.memory_space<semaphore_mem>>) src(%dma_wait3A_197 : memref<128x16xf32, #tpu.memory_space<hbm>>) dst(%arg11 : memref<128x16xf32, #tpu.memory_space<vmem>>)
    %lt3A_198 = arith.constant 4 : i32
    %lt3A_199 = arith.cmpi slt, %add3A, %lt3A_198 : i32
    %convert_element_type3A_200 = arith.extui %lt3A_199 : i1 to i32
    %cond3A_201 = arith.constant 0 : i32
    %cond3A_202 = arith.cmpi ne, %convert_element_type3A_200, %cond3A_201 : i32
    scf.if %cond3A_202 {
      %dma_start3A_208 = arith.constant 78 : i32
      %dma_start3A_209 = arith.constant 0 : i32
      %dma_start3A_210 = tpu.memref_slice %arg6[%dma_start3A_208, %dma_start3A_209] : memref<79x128xi32, #tpu.memory_space<vmem>> -> memref<1x128xi32, #tpu.memory_space<vmem>>
      %dma_start3A_211 = tpu.memref_squeeze %dma_start3A_210 : memref<1x128xi32, #tpu.memory_space<vmem>> -> memref<128xi32, #tpu.memory_space<vmem>>
      %dma_start3A_212 = arith.constant 0 : i32
      %dma_start3A_213 = arith.constant 0 : i32
      %dma_start3A_214 = tpu.memref_slice %arg13[%dma_start3A_212, %dma_start3A_213] : memref<10240x16xf32, #tpu.memory_space<vmem_shared>> -> memref<10240x16xf32, #tpu.memory_space<vmem_shared>>
      tpu.enqueue_indirect_dma source(%dma_start3A_214 : memref<10240x16xf32, #tpu.memory_space<vmem_shared>>) target(%arg8 : memref<128x16xf32, #tpu.memory_space<vmem>>) offsets(%dma_start3A_211 : memref<128xi32, #tpu.memory_space<vmem>>) semaphore(%arg14 : memref<!tpu.dma_semaphore, #tpu.memory_space<semaphore_mem>>)
      %dma_wait3A_215 = arith.constant 78 : i32
      %dma_wait3A_216 = arith.constant 0 : i32
      %dma_wait3A_217 = tpu.memref_slice %arg6[%dma_wait3A_215, %dma_wait3A_216] : memref<79x128xi32, #tpu.memory_space<vmem>> -> memref<1x128xi32, #tpu.memory_space<vmem>>
      %dma_wait3A_218 = tpu.memref_squeeze %dma_wait3A_217 : memref<1x128xi32, #tpu.memory_space<vmem>> -> memref<128xi32, #tpu.memory_space<vmem>>
      %dma_wait3A_219 = arith.constant 0 : i32
      %dma_wait3A_220 = arith.constant 0 : i32
      %dma_wait3A_221 = tpu.memref_slice %arg13[%dma_wait3A_219, %dma_wait3A_220] : memref<10240x16xf32, #tpu.memory_space<vmem_shared>> -> memref<10240x16xf32, #tpu.memory_space<vmem_shared>>
      tpu.wait_indirect_dma semaphore(%arg14 : memref<!tpu.dma_semaphore, #tpu.memory_space<semaphore_mem>>) src(%dma_wait3A_221 : memref<10240x16xf32, #tpu.memory_space<vmem_shared>>) dst(%arg8 : memref<128x16xf32, #tpu.memory_space<vmem>>)
      %dma_start3A_222 = arith.constant 78 : i32
      %dma_start3A_223 = arith.constant 0 : i32
      %dma_start3A_224 = tpu.memref_slice %arg7[%dma_start3A_222, %dma_start3A_223] : memref<79x128xi32, #tpu.memory_space<vmem>> -> memref<1x128xi32, #tpu.memory_space<vmem>>
      %dma_start3A_225 = tpu.memref_squeeze %dma_start3A_224 : memref<1x128xi32, #tpu.memory_space<vmem>> -> memref<128xi32, #tpu.memory_space<vmem>>
      %dma_start3A_226 = arith.constant 0 : i32
      %dma_start3A_227 = arith.constant 0 : i32
      %dma_start3A_228 = tpu.memref_slice %arg12[%dma_start3A_226, %dma_start3A_227] : memref<10240x16xf32, #tpu.memory_space<vmem_shared>> -> memref<10240x16xf32, #tpu.memory_space<vmem_shared>>
      tpu.enqueue_indirect_dma source(%arg8 : memref<128x16xf32, #tpu.memory_space<vmem>>) target(%dma_start3A_228 : memref<10240x16xf32, #tpu.memory_space<vmem_shared>>) offsets(%dma_start3A_225 : memref<128xi32, #tpu.memory_space<vmem>>) semaphore(%arg14 : memref<!tpu.dma_semaphore, #tpu.memory_space<semaphore_mem>>) {add = true}
      %dma_wait3A_229 = arith.constant 0 : i32
      %dma_wait3A_230 = arith.constant 0 : i32
      %dma_wait3A_231 = tpu.memref_slice %arg2[%dma_wait3A_229, %dma_wait3A_230] : memref<10240x16xf32, #tpu.memory_space<hbm>> -> memref<128x16xf32, #tpu.memory_space<hbm>>
      %dma_wait3A_232 = arith.constant 0 : i32
      %dma_wait3A_233 = arith.constant 0 : i32
      %dma_wait3A_234 = tpu.memref_slice %arg2[%dma_wait3A_232, %dma_wait3A_233] : memref<10240x16xf32, #tpu.memory_space<hbm>> -> memref<128x16xf32, #tpu.memory_space<hbm>>
      tpu.wait_dma2 semaphore(%arg14 : memref<!tpu.dma_semaphore, #tpu.memory_space<semaphore_mem>>) src(%dma_wait3A_234 : memref<128x16xf32, #tpu.memory_space<hbm>>) dst(%arg8 : memref<128x16xf32, #tpu.memory_space<vmem>>)
    } else {
    }
    %barrier3A_203 = arith.constant 0 : index
    tpu.barrier barrier_id(%barrier3A_203)
    %mul3A_204 = arith.constant 640 : i32
    %mul3A_205 = arith.muli %arg1, %mul3A_204 : i32
    %mul3A_206 = arith.constant 640 : i32
    %mul3A_207 = arith.muli %arg1, %mul3A_206 : i32
    "tpu.region"() ({
      %run_scoped3A = tpu.sem_alloc : memref<!tpu.dma_semaphore, #tpu.memory_space<semaphore_mem>>
      %dma_start3A_208 = arith.constant 0 : i32
      %dma_start3A_209 = tpu.memref_slice %arg5[%arg0, %mul3A_207, %dma_start3A_208] : memref<2x10240x16xf32, #tpu.memory_space<hbm>> -> memref<1x640x16xf32, #tpu.memory_space<hbm>>
      %dma_start3A_210 = tpu.memref_squeeze %dma_start3A_209 : memref<1x640x16xf32, #tpu.memory_space<hbm>> -> memref<640x16xf32, #tpu.memory_space<hbm>>
      %dma_start3A_211 = arith.constant 0 : i32
      %dma_start3A_212 = tpu.memref_slice %arg12[%mul3A_205, %dma_start3A_211] : memref<10240x16xf32, #tpu.memory_space<vmem_shared>> -> memref<640x16xf32, #tpu.memory_space<vmem_shared>>
      tpu.enqueue_dma source(%dma_start3A_212 : memref<640x16xf32, #tpu.memory_space<vmem_shared>>) target(%dma_start3A_210 : memref<640x16xf32, #tpu.memory_space<hbm>>) target_semaphore(%run_scoped3A : memref<!tpu.dma_semaphore, #tpu.memory_space<semaphore_mem>>)
      %dma_wait3A_213 = arith.constant 0 : i32
      %dma_wait3A_214 = tpu.memref_slice %arg5[%arg0, %mul3A_207, %dma_wait3A_213] : memref<2x10240x16xf32, #tpu.memory_space<hbm>> -> memref<1x640x16xf32, #tpu.memory_space<hbm>>
      %dma_wait3A_215 = tpu.memref_squeeze %dma_wait3A_214 : memref<1x640x16xf32, #tpu.memory_space<hbm>> -> memref<640x16xf32, #tpu.memory_space<hbm>>
      %dma_wait3A_216 = arith.constant 0 : i32
      %dma_wait3A_217 = tpu.memref_slice %arg12[%mul3A_205, %dma_wait3A_216] : memref<10240x16xf32, #tpu.memory_space<vmem_shared>> -> memref<640x16xf32, #tpu.memory_space<vmem_shared>>
      tpu.wait_dma2 semaphore(%run_scoped3A : memref<!tpu.dma_semaphore, #tpu.memory_space<semaphore_mem>>) src(%dma_wait3A_217 : memref<640x16xf32, #tpu.memory_space<vmem_shared>>) dst(%dma_wait3A_215 : memref<640x16xf32, #tpu.memory_space<hbm>>)
      tpu.yield
    }) : () -> ()
    return
  }
}

module attributes {stable_mosaic.version = 14 : i64} {
  func.func @_mm_body(%arg0: memref<10000x128xf32, #tpu.memory_space<vmem>>, %arg1: memref<128x16xf32, #tpu.memory_space<vmem>>, %arg2: memref<10240x16xf32, #tpu.memory_space<vmem>>) attributes {dimension_semantics = [], scalar_prefetch = 0 : i64, scratch_operands = 0 : i64, tpu.core_type = #tpu.core_type<tc>} {
    %get3A = arith.constant 0 : index
    %get3A_0 = arith.constant 0 : index
    %get3A_1 = vector.load %arg0[%get3A, %get3A_0] : memref<10000x128xf32, #tpu.memory_space<vmem>>, vector<10000x128xf32>
    %get3A_2 = arith.constant 0 : index
    %get3A_3 = arith.constant 0 : index
    %get3A_4 = vector.load %arg1[%get3A_2, %get3A_3] : memref<128x16xf32, #tpu.memory_space<vmem>>, vector<128x16xf32>
    %dot_general3A = arith.constant dense<0.000000e+00> : vector<10000x16xf32>
    %dot_general3A_5 = tpu.matmul %get3A_1, %get3A_4, %dot_general3A {dimension_numbers = #tpu.dot_dimension_numbers<[1], [0], [0], [1], [0, 0, 1, 1], [], []>, transpose_lhs_hint = false} : vector<10000x128xf32>, vector<128x16xf32>, vector<10000x16xf32> -> vector<10000x16xf32>
    %swap3A = arith.constant 0 : index
    %swap3A_6 = arith.constant 0 : index
    %swap3A_7 = vector.load %arg2[%swap3A, %swap3A_6] : memref<10240x16xf32, #tpu.memory_space<vmem>>, vector<10000x16xf32>
    tpu.vector_store %arg2[%swap3A, %swap3A_6], %dot_general3A_5 {strides = array<i32>} : memref<10240x16xf32, #tpu.memory_space<vmem>>, vector<10000x16xf32>,
    %broadcast_in_dim3A = arith.constant 0.000000e+00 : f32
    %broadcast_in_dim3A_8 = vector.broadcast %broadcast_in_dim3A : f32 to vector<240x16xf32>
    %swap3A_9 = arith.constant 10000 : index
    %swap3A_10 = arith.constant 0 : index
    %swap3A_11 = vector.load %arg2[%swap3A_9, %swap3A_10] : memref<10240x16xf32, #tpu.memory_space<vmem>>, vector<240x16xf32>
    tpu.vector_store %arg2[%swap3A_9, %swap3A_10], %broadcast_in_dim3A_8 {strides = array<i32>} : memref<10240x16xf32, #tpu.memory_space<vmem>>, vector<240x16xf32>,
    return
  }
}

module attributes {stable_mosaic.version = 14 : i64} {
  func.func @_scale_body(%arg0: memref<2x10240x16xf32, #tpu.memory_space<vmem>>, %arg1: memref<10240x16xf32, #tpu.memory_space<vmem>>, %arg2: memref<10240x16xf32, #tpu.memory_space<vmem>>, %arg3: memref<10240x16xf32, #tpu.memory_space<vmem>>) attributes {dimension_semantics = [], scalar_prefetch = 0 : i64, scratch_operands = 0 : i64, tpu.core_type = #tpu.core_type<tc>} {
    %get3A = arith.constant 0 : index
    %get3A_0 = arith.constant 0 : index
    %get3A_1 = arith.constant 0 : index
    %get3A_2 = vector.load %arg0[%get3A, %get3A_0, %get3A_1] : memref<2x10240x16xf32, #tpu.memory_space<vmem>>, vector<1x10240x16xf32>
    %get3A_3 = vector.shape_cast %get3A_2 : vector<1x10240x16xf32> to vector<10240x16xf32>
    %get3A_4 = arith.constant 1 : index
    %get3A_5 = arith.constant 0 : index
    %get3A_6 = arith.constant 0 : index
    %get3A_7 = vector.load %arg0[%get3A_4, %get3A_5, %get3A_6] : memref<2x10240x16xf32, #tpu.memory_space<vmem>>, vector<1x10240x16xf32>
    %get3A_8 = vector.shape_cast %get3A_7 : vector<1x10240x16xf32> to vector<10240x16xf32>
    %add3A = arith.addf %get3A_3, %get3A_8 : vector<10240x16xf32>
    %add3A_9 = arith.constant 1.000000e+00 : f32
    %add3A_10 = vector.broadcast %add3A_9 : f32 to vector<10240x16xf32>
    %add3A_11 = arith.addf %add3A, %add3A_10 : vector<10240x16xf32>
    %rsqrt3A = math.rsqrt %add3A_11 : vector<10240x16xf32>
    %swap3A = arith.constant 0 : index
    %swap3A_12 = arith.constant 0 : index
    %swap3A_13 = vector.load %arg2[%swap3A, %swap3A_12] : memref<10240x16xf32, #tpu.memory_space<vmem>>, vector<10240x16xf32>
    tpu.vector_store %arg2[%swap3A, %swap3A_12], %rsqrt3A {strides = array<i32>} : memref<10240x16xf32, #tpu.memory_space<vmem>>, vector<10240x16xf32>,
    %get3A_14 = arith.constant 0 : index
    %get3A_15 = arith.constant 0 : index
    %get3A_16 = vector.load %arg1[%get3A_14, %get3A_15] : memref<10240x16xf32, #tpu.memory_space<vmem>>, vector<10240x16xf32>
    %mul3A = arith.mulf %rsqrt3A, %get3A_16 : vector<10240x16xf32>
    %swap3A_17 = arith.constant 0 : index
    %swap3A_18 = arith.constant 0 : index
    %swap3A_19 = vector.load %arg3[%swap3A_17, %swap3A_18] : memref<10240x16xf32, #tpu.memory_space<vmem>>, vector<10240x16xf32>
    tpu.vector_store %arg3[%swap3A_17, %swap3A_18], %mul3A {strides = array<i32>} : memref<10240x16xf32, #tpu.memory_space<vmem>>, vector<10240x16xf32>,
    return
  }
}

module attributes {stable_mosaic.version = 14 : i64} {
  func.func @_dense2_body(%arg0: memref<2x10240x16xf32, #tpu.memory_space<vmem>>, %arg1: memref<10240x16xf32, #tpu.memory_space<vmem>>, %arg2: memref<10240x16xf32, #tpu.memory_space<vmem>>, %arg3: memref<1x16xf32, #tpu.memory_space<vmem>>, %arg4: memref<16x16xf32, #tpu.memory_space<vmem>>, %arg5: memref<10240x16xf32, #tpu.memory_space<vmem>>) attributes {dimension_semantics = [], scalar_prefetch = 0 : i64, scratch_operands = 0 : i64, tpu.core_type = #tpu.core_type<tc>} {
    %get3A = arith.constant 0 : index
    %get3A_0 = arith.constant 0 : index
    %get3A_1 = arith.constant 0 : index
    %get3A_2 = vector.load %arg0[%get3A, %get3A_0, %get3A_1] : memref<2x10240x16xf32, #tpu.memory_space<vmem>>, vector<1x10240x16xf32>
    %get3A_3 = vector.shape_cast %get3A_2 : vector<1x10240x16xf32> to vector<10240x16xf32>
    %get3A_4 = arith.constant 1 : index
    %get3A_5 = arith.constant 0 : index
    %get3A_6 = arith.constant 0 : index
    %get3A_7 = vector.load %arg0[%get3A_4, %get3A_5, %get3A_6] : memref<2x10240x16xf32, #tpu.memory_space<vmem>>, vector<1x10240x16xf32>
    %get3A_8 = vector.shape_cast %get3A_7 : vector<1x10240x16xf32> to vector<10240x16xf32>
    %add3A = arith.addf %get3A_3, %get3A_8 : vector<10240x16xf32>
    %get3A_9 = arith.constant 0 : index
    %get3A_10 = arith.constant 0 : index
    %get3A_11 = vector.load %arg1[%get3A_9, %get3A_10] : memref<10240x16xf32, #tpu.memory_space<vmem>>, vector<10240x16xf32>
    %add3A_12 = arith.addf %add3A, %get3A_11 : vector<10240x16xf32>
    %get3A_13 = arith.constant 0 : index
    %get3A_14 = arith.constant 0 : index
    %get3A_15 = vector.load %arg2[%get3A_13, %get3A_14] : memref<10240x16xf32, #tpu.memory_space<vmem>>, vector<10240x16xf32>
    %mul3A = arith.mulf %get3A_15, %add3A_12 : vector<10240x16xf32>
    %get3A_16 = arith.constant 0 : index
    %get3A_17 = arith.constant 0 : index
    %get3A_18 = vector.load %arg3[%get3A_16, %get3A_17] : memref<1x16xf32, #tpu.memory_space<vmem>>, vector<1x16xf32>
    %add3A_19 = vector.broadcast %get3A_18 : vector<1x16xf32> to vector<10240x16xf32>
    %add3A_20 = arith.addf %mul3A, %add3A_19 : vector<10240x16xf32>
    %max3A = arith.constant 0.000000e+00 : f32
    %max3A_21 = vector.broadcast %max3A : f32 to vector<10240x16xf32>
    %max3A_22 = arith.maximumf %add3A_20, %max3A_21 : vector<10240x16xf32>
    %get3A_23 = arith.constant 0 : index
    %get3A_24 = arith.constant 0 : index
    %get3A_25 = vector.load %arg2[%get3A_23, %get3A_24] : memref<10240x16xf32, #tpu.memory_space<vmem>>, vector<10240x16xf32>
    %get3A_26 = arith.constant 0 : index
    %get3A_27 = arith.constant 0 : index
    %get3A_28 = vector.load %arg4[%get3A_26, %get3A_27] : memref<16x16xf32, #tpu.memory_space<vmem>>, vector<16x16xf32>
    %dot_general3A = arith.constant dense<0.000000e+00> : vector<10240x16xf32>
    %dot_general3A_29 = tpu.matmul %max3A_22, %get3A_28, %dot_general3A {dimension_numbers = #tpu.dot_dimension_numbers<[1], [0], [0], [1], [0, 0, 1, 1], [], []>, transpose_lhs_hint = false} : vector<10240x16xf32>, vector<16x16xf32>, vector<10240x16xf32> -> vector<10240x16xf32>
    %mul3A_30 = arith.mulf %get3A_25, %dot_general3A_29 : vector<10240x16xf32>
    %swap3A = arith.constant 0 : index
    %swap3A_31 = arith.constant 0 : index
    %swap3A_32 = vector.load %arg5[%swap3A, %swap3A_31] : memref<10240x16xf32, #tpu.memory_space<vmem>>, vector<10240x16xf32>
    tpu.vector_store %arg5[%swap3A, %swap3A_31], %mul3A_30 {strides = array<i32>} : memref<10240x16xf32, #tpu.memory_space<vmem>>, vector<10240x16xf32>,
    return
  }
}

module attributes {stable_mosaic.version = 14 : i64} {
  func.func @_final_body(%arg0: memref<2x10240x16xf32, #tpu.memory_space<vmem>>, %arg1: memref<10240x16xf32, #tpu.memory_space<vmem>>, %arg2: memref<10240x16xf32, #tpu.memory_space<vmem>>, %arg3: memref<1x16xf32, #tpu.memory_space<vmem>>, %arg4: memref<1x16xf32, #tpu.memory_space<vmem>>, %arg5: memref<1x1xf32, #tpu.memory_space<vmem>>, %arg6: memref<1x1xf32, #tpu.memory_space<vmem>>) attributes {dimension_semantics = [], scalar_prefetch = 0 : i64, scratch_operands = 0 : i64, tpu.core_type = #tpu.core_type<tc>} {
    %get3A = arith.constant 0 : index
    %get3A_0 = arith.constant 0 : index
    %get3A_1 = arith.constant 0 : index
    %get3A_2 = vector.load %arg0[%get3A, %get3A_0, %get3A_1] : memref<2x10240x16xf32, #tpu.memory_space<vmem>>, vector<1x10240x16xf32>
    %get3A_3 = vector.shape_cast %get3A_2 : vector<1x10240x16xf32> to vector<10240x16xf32>
    %get3A_4 = arith.constant 1 : index
    %get3A_5 = arith.constant 0 : index
    %get3A_6 = arith.constant 0 : index
    %get3A_7 = vector.load %arg0[%get3A_4, %get3A_5, %get3A_6] : memref<2x10240x16xf32, #tpu.memory_space<vmem>>, vector<1x10240x16xf32>
    %get3A_8 = vector.shape_cast %get3A_7 : vector<1x10240x16xf32> to vector<10240x16xf32>
    %add3A = arith.addf %get3A_3, %get3A_8 : vector<10240x16xf32>
    %get3A_9 = arith.constant 0 : index
    %get3A_10 = arith.constant 0 : index
    %get3A_11 = vector.load %arg1[%get3A_9, %get3A_10] : memref<10240x16xf32, #tpu.memory_space<vmem>>, vector<10240x16xf32>
    %add3A_12 = arith.addf %add3A, %get3A_11 : vector<10240x16xf32>
    %get3A_13 = arith.constant 0 : index
    %get3A_14 = arith.constant 0 : index
    %get3A_15 = vector.load %arg2[%get3A_13, %get3A_14] : memref<10240x16xf32, #tpu.memory_space<vmem>>, vector<10240x16xf32>
    %mul3A = arith.mulf %get3A_15, %add3A_12 : vector<10240x16xf32>
    %get3A_16 = arith.constant 0 : index
    %get3A_17 = arith.constant 0 : index
    %get3A_18 = vector.load %arg3[%get3A_16, %get3A_17] : memref<1x16xf32, #tpu.memory_space<vmem>>, vector<1x16xf32>
    %add3A_19 = vector.broadcast %get3A_18 : vector<1x16xf32> to vector<10240x16xf32>
    %add3A_20 = arith.addf %mul3A, %add3A_19 : vector<10240x16xf32>
    %max3A = arith.constant 0.000000e+00 : f32
    %max3A_21 = vector.broadcast %max3A : f32 to vector<10240x16xf32>
    %max3A_22 = arith.maximumf %add3A_20, %max3A_21 : vector<10240x16xf32>
    %iota3A = tpu.iota {dimensions = array<i32: 0>} : vector<10240x16xi32>
    %lt3A = arith.constant 10000 : i32
    %lt3A_23 = vector.broadcast %lt3A : i32 to vector<10240x16xi32>
    %lt3A_24 = arith.cmpi slt, %iota3A, %lt3A_23 : vector<10240x16xi32>
    %jit3A = arith.constant 0.000000e+00 : f32
    %broadcast_in_dim3A = vector.broadcast %jit3A : f32 to vector<10240x16xf32>
    %select_n3A = arith.select %lt3A_24, %max3A_22, %broadcast_in_dim3A : vector<10240x16xi1>, vector<10240x16xf32>
    %reduce_sum3A = arith.constant dense<0.000000e+00> : vector<16xf32>
    %reduce_sum3A_25 = vector.multi_reduction <add>, %select_n3A, %reduce_sum3A [0] : vector<10240x16xf32> to vector<16xf32>
    %broadcast_in_dim3A_26 = vector.shape_cast %reduce_sum3A_25 : vector<16xf32> to vector<1x16xf32>
    %mul3A_27 = arith.constant 9.99999974E-5 : f32
    %mul3A_28 = vector.broadcast %mul3A_27 : f32 to vector<1x16xf32>
    %mul3A_29 = arith.mulf %broadcast_in_dim3A_26, %mul3A_28 : vector<1x16xf32>
    %get3A_30 = arith.constant 0 : index
    %get3A_31 = arith.constant 0 : index
    %get3A_32 = vector.load %arg4[%get3A_30, %get3A_31] : memref<1x16xf32, #tpu.memory_space<vmem>>, vector<1x16xf32>
    %mul3A_33 = arith.mulf %mul3A_29, %get3A_32 : vector<1x16xf32>
    %reduce_sum3A_34 = arith.constant dense<0.000000e+00> : vector<1xf32>
    %reduce_sum3A_35 = vector.multi_reduction <add>, %mul3A_33, %reduce_sum3A_34 [1] : vector<1x16xf32> to vector<1xf32>
    %broadcast_in_dim3A_36 = vector.shape_cast %reduce_sum3A_35 : vector<1xf32> to vector<1x1xf32>
    %get3A_37 = arith.constant 0 : index
    %get3A_38 = arith.constant 0 : index
    %get3A_39 = vector.load %arg5[%get3A_37, %get3A_38] : memref<1x1xf32, #tpu.memory_space<vmem>>, vector<1x1xf32>
    %add3A_40 = arith.addf %broadcast_in_dim3A_36, %get3A_39 : vector<1x1xf32>
    %neg3A = arith.constant 0.000000e+00 : f32
    %neg3A_41 = vector.broadcast %neg3A : f32 to vector<1x1xf32>
    %neg3A_42 = arith.subf %neg3A_41, %add3A_40 : vector<1x1xf32>
    %exp3A = math.exp %neg3A_42 : vector<1x1xf32>
    %add3A_43 = arith.constant 1.000000e+00 : f32
    %add3A_44 = vector.broadcast %add3A_43 : f32 to vector<1x1xf32>
    %add3A_45 = arith.addf %add3A_44, %exp3A : vector<1x1xf32>
    %div3A = arith.constant 1.000000e+00 : f32
    %div3A_46 = vector.broadcast %div3A : f32 to vector<1x1xf32>
    %div3A_47 = arith.divf %div3A_46, %add3A_45 : vector<1x1xf32>
    %swap3A = arith.constant 0 : index
    %swap3A_48 = arith.constant 0 : index
    %swap3A_49 = vector.load %arg6[%swap3A, %swap3A_48] : memref<1x1xf32, #tpu.memory_space<vmem>>, vector<1x1xf32>
    tpu.vector_store %arg6[%swap3A, %swap3A_48], %div3A_47 {strides = array<i32>} : memref<1x1xf32, #tpu.memory_space<vmem>>, vector<1x1xf32>,
    return
  }
}

</mosaic_0001>

<sc_bundles>
// kernel: kernel.12.cloned.1.call-start
scs
__scs_entry_jumppad:
0x0: {  	(pc) =	sbr.rel $0x88, $3  }
0x1: {  	(tag) =	ssettag $0x0;
	lr =	simm.s32 $0x1  }
0x2: {  	[smem:$0x3F99] =	sst lr;
	_ =	strace $0xD0000000  }
0x3: {  	_ = 	snop  }
0x4: {  	_ = 	snop  }
0x5: {  	_ = 	snop  }
0x6: {  	_ = 	snop  }
0x7: {  	_ = 	snop  }
__scs_overlays_trampoline_lowered:
0x8: {  	[smem:$0x3FA8] =	sst s0  }
0x9: {  	[smem:$0x3FA9] =	sst s1  }
0xa: {  	[smem:$0x3FAA] =	sst s2  }
0xb: {  	[smem:$0x3FAB] =	sst s3  }
0xc: {  	[smem:$0x3FAC] =	sst s4  }
0xd: {  	[smem:$0x3FAD] =	sst s5  }
0xe: {  	[smem:$0x3FAE] =	sst s6  }
0xf: {  	[smem:$0x3FAF] =	sst s7  }
0x10: {  	[smem:$0x3FB0] =	sst s8  }
0x11: {  	[smem:$0x3FB1] =	sst s9;
	s0 =	simm.s32 @!p0 $0x0  }
0x12: {  	s1 =	sld [smem:$0x3F97];
	s0 =	simm.s32 @p0 $0x1  }
0x13: {  	[smem:$0x3FB2] =	sst s0;
	s0 =	simm.s32 @!p1 $0x0  }
0x14: {  	s2 =	sld [smem:$0x3F96];
	s0 =	simm.s32 @p1 $0x1  }
0x15: {  	[smem:$0x3FB3] =	sst s0;
	s0 =	simm.s32 @!p2 $0x0  }
0x16: {  	s3 =	sld [smem:$0x3FDB];
	s0 =	simm.s32 @p2 $0x1  }
0x17: {  	s4 =	simm.s32 $0x1BF5;
	[smem:$0x3FB5] =	sst s0  }
0x18: {  	s0 =	sld [smem:$0x3F98];
	_ =	swait.ge [sflag:s4], $0x0  }
0x19: {  	s7 =	sld [smem:$0x3F99]  }
0x1a: {  	s8 =	sadd.s32 $0xFFFFE003, lr  }
0x1b: {  	s9 =	sadd.s32 $0xFFFFFEF7, lr;
	s5 =	simm.s32 $0xFFFFFFFF;
	p2 =	slt.u32 s8, $0xFFFFF086  }
0x1c: {  	p1 =	slt.u32 s9, $0xF7A;
	s5 =	simm.s32 @!p2 $0x0  }
0x1d: {  	s5 =	simm.s32 @p1 $0x1;
	p0 =	seq.s32 s7, s2  }
0x1e: {  	s7 =	smul.u32 @!p0 $0xF7A, s2;
	p2 =	seq.s32 @!p0 s5, $0x0  }
0x1f: {  	s9 =	smul.u32 $0xF7A, s1;
	s8 =	simm.s32 @!p0 $0x1BF5;
	p2 =	por !p2, p0  }
0x20: {  	[sflag:s8] =	ssyncset.s32 @!p0 $0xFFFFF086;
	s6 =	sadd.s32 @!p0 s3, s7;
	s7 =	simm.s32 @!p0 $0x108  }
0x21: {  	s3 =	sadd.s32 s3, s9;
	s6 =	sadd.s32 @!p0 $0x88, s6;
	s7 =	simm.s32 @p2 $0x1082  }
0x22: {  	[simem:s7], [sflag:s8] =	dma.local @!p0 [hbm:s6], $0xF7A  }
0x23: {  	s9 =	sor.u32 $0xD0000000, s2;
	s6 =	simm.s32 $0x108;
	_ =	swait.ge @!p0 [sflag:s8], $0x0  }
0x24: {  	s3 =	sadd.s32 $0x88, s3;
	s6 =	simm.s32 @!p1 $0x1082;
	[sflag:s4] =	ssyncset.s32 $0xFFFFF086  }
0x25: {  	[simem:s6], [sflag:s4] =	dma.local [hbm:s3], $0xF7A  }
0x26: {  	[smem:$0x3F99] =	sst s1;
	(tag) =	ssettag s2;
	_ =	strace s9  }
0x27: {  	s1 =	sld [smem:$0x3FA9]  }
0x28: {  	s2 =	sld [smem:$0x3FAA]  }
0x29: {  	s4 =	sld [smem:$0x3FAC]  }
0x2a: {  	p0 =	seq.s32 s5, $0x0;
	s5 =	sld [smem:$0x3FAD]  }
0x2b: {  	s6 =	sld [smem:$0x3FAE]  }
0x2c: {  	s7 =	sld [smem:$0x3FAF]  }
0x2d: {  	s3 =	simm.s32 $0x108;
	s8 =	sld [smem:$0x3FB0]  }
0x2e: {  	s3 =	simm.s32 @!p0 $0x1082;
	s9 =	sld [smem:$0x3FB1]  }
0x2f: {  	lr =	sadd.s32 s0, s3;
	s0 =	sld [smem:$0x3FA8]  }
0x30: {  	s3 =	sld [smem:$0x3FAB]  }
0x31: {  	[smem:$0x3FB4] =	sst s10  }
0x32: {  	s10 =	sld [smem:$0x3FB2];
	_ =	sdelay $0x3  }
0x33: {  	p0 =	seq.s32 s10, $0x1;
	s10 =	sld [smem:$0x3FB4];
	_ =	sdelay $0x3  }
0x34: {  	[smem:$0x3FB4] =	sst s10  }
0x35: {  	s10 =	sld [smem:$0x3FB3];
	_ =	sdelay $0x3  }
0x36: {  	p1 =	seq.s32 s10, $0x1;
	s10 =	sld [smem:$0x3FB4];
	_ =	sdelay $0x3  }
0x37: {  	[smem:$0x3FB4] =	sst s10  }
0x38: {  	s10 =	sld [smem:$0x3FB5]  }
0x39: {  	_ = 	snop;
	(pc) =	sbr.ind lr, $3  }
0x3a: {  	_ = 	snop  }
0x3b: {  	_ = 	snop  }
0x3c: {  	p2 =	seq.s32 s10, $0x1;
	s10 =	sld [smem:$0x3FB4]  }
0x3d: {  	_ =	shalt  }
0x3e: {  	_ =	shalt  }
0x3f: {  	_ =	shalt  }
0x40: {  	_ =	shalt  }
0x41: {  	_ =	shalt  }
0x42: {  	_ =	shalt  }
0x43: {  	_ =	shalt  }
0x44: {  	_ =	shalt  }
0x45: {  	_ =	shalt  }
0x46: {  	_ =	shalt  }
0x47: {  	_ =	shalt  }
0x48: {  	_ =	shalt  }
0x49: {  	_ =	shalt  }
0x4a: {  	_ =	shalt  }
0x4b: {  	_ =	shalt  }
0x4c: {  	_ =	shalt  }
0x4d: {  	_ =	shalt  }
0x4e: {  	_ =	shalt  }
0x4f: {  	_ =	shalt  }
0x50: {  	_ =	shalt  }
0x51: {  	_ =	shalt  }
0x52: {  	_ =	shalt  }
0x53: {  	_ =	shalt  }
0x54: {  	_ =	shalt  }
0x55: {  	_ =	shalt  }
0x56: {  	_ =	shalt  }
0x57: {  	_ =	shalt  }
0x58: {  	_ =	shalt  }
0x59: {  	_ =	shalt  }
0x5a: {  	_ =	shalt  }
0x5b: {  	_ =	shalt  }
0x5c: {  	_ =	shalt  }
0x5d: {  	_ =	shalt  }
0x5e: {  	_ =	shalt  }
0x5f: {  	_ =	shalt  }
0x60: {  	_ =	shalt  }
0x61: {  	_ =	shalt  }
0x62: {  	_ =	shalt  }
0x63: {  	_ =	shalt  }
0x64: {  	_ =	shalt  }
0x65: {  	_ =	shalt  }
0x66: {  	_ =	shalt  }
0x67: {  	_ =	shalt  }
0x68: {  	_ =	shalt  }
0x69: {  	_ =	shalt  }
0x6a: {  	_ =	shalt  }
0x6b: {  	_ =	shalt  }
0x6c: {  	_ =	shalt  }
0x6d: {  	_ =	shalt  }
0x6e: {  	_ =	shalt  }
0x6f: {  	_ =	shalt  }
0x70: {  	_ =	shalt  }
0x71: {  	_ =	shalt  }
0x72: {  	_ =	shalt  }
0x73: {  	_ =	shalt  }
0x74: {  	_ =	shalt  }
0x75: {  	_ =	shalt  }
0x76: {  	_ =	shalt  }
0x77: {  	_ =	shalt  }
0x78: {  	_ =	shalt  }
0x79: {  	_ =	shalt  }
0x7a: {  	_ =	shalt  }
0x7b: {  	_ =	shalt  }
0x7c: {  	_ =	shalt  }
0x7d: {  	_ =	shalt  }
0x7e: {  	_ =	shalt  }
0x7f: {  	_ =	shalt  }
0x80: {  	_ =	shalt  }
0x81: {  	_ =	shalt  }
0x82: {  	_ =	shalt  }
0x83: {  	_ =	shalt  }
0x84: {  	_ =	shalt  }
0x85: {  	_ =	shalt  }
0x86: {  	_ =	shalt  }
0x87: {  	_ =	shalt  }
.Lfunc_end0:
.L_simem_size_0:
called_computation.1_lowered:
.L_overlay_start_0:
0x88: {  	s2 =	sld [smem:$0x3FD9]  }
0x89: {  	s3 =	sld [smem:$0x3FFE];
	_ =	sdelay $0x1  }
0x8a: {  	s1 =	srdreg.scid  }
0x8b: {  	s0 =	sand.u32 $0x1, s1  }
0x8c: {  	s16 =	sshll.u32 s0, $0xA;
	s2 =	sadd.s32 s3, s2  }
0x8d: {  	s2 =	sadd.s32 s2, s16  }
0x8e: {  	[smem:$0x3FC0] =	sst s2  }
0x8f: {  	_ = 	snop  }
0x90: {  	(tm) =	ssettm $0x1  }
0x91: {  	s17 =	sld [smem:$0x3FFB];
	_ =	sdelay $0x3  }
0x92: {  	_ =	strace s17  }
0x93: {  	s2 =	sld [smem:$0x3FFC];
	_ =	sdelay $0x3  }
0x94: {  	_ =	strace s2  }
0x95: {  	s2 =	sld [smem:$0x3FFD];
	_ =	sdelay $0x3  }
0x96: {  	_ =	strace s2  }
0x97: {  	_ =	strace $0x8FFFFFFF  }
0x98: {  	s18 =	sld [smem:$0x3FDB];
	_ =	sdelay $0x1  }
0x99: {  	s19 =	simm.s32 $_scs_section_size  }
0x9a: {  	s4 =	simm.s32 $_size__tile_overlayer_lowered;
	s5 =	simm.s32 $_tile_overlayer_lowered  }
0x9b: {  	s22 =	simm.s32 $0x1BFF;
	s21 =	sshll.u32 s5, $0x1;
	s2 =	sadd.s32 s19, s18  }
0x9c: {  	s6 =	simm.s32 $0x0;
	s20 =	sshll.u32 s4, $0x1;
	s4 =	sadd.s32 s21, s2  }
0x9d: {  	[timem:s6], [sflag:s22] =	dma.local [hbm:s4], s20  }
0x9e: {  	_ =	swait.ge [sflag:s22], s20  }
0x9f: {  	s3 =	ssub.s32 $0x0, s20;
	[sflag:s22] =	ssyncset.done $0x0  }
0xa0: {  	[sflag:s22] =	ssyncadd.s32 s3;
	_ =	sdelay $0x1  }
0xa1: {  	s23 =	simm.s32 $0x1B8B  }
0xa2: {  	_ =	swait.ge [sflag:s23], $0x1  }
0xa3: {  	[sflag:s23] =	ssyncset.done $0x0  }
0xa4: {  	s25 =	simm.s32 $0x1B8E;
	s24 =	sld [smem:$0x3FFE];
	[sflag:s23] =	ssyncadd.s32 $0xFFFFFFFF  }
0xa5: {  	s26 =	simm.s32 $execute0_lowered;
	[smem:$0x3FD2] =	sst s25  }
0xa6: {  	s4 =	sshll.u32 s26, $0x1;
	_ =	strace $0x80000049;
	[dreg:$0x1] =	wrdreg $0xFFFFFFFF  }
0xa7: {  	s28 =	simm.s32 $_size_execute0_lowered;
	s2 =	sadd.s32 s2, s4;
	[dreg:$0x0] =	wrdreg $0x0  }
0xa8: {  	s4 =	sshll.u32 s28, $0x1;
	[dreg:$0x2] =	wrdreg s2  }
0xa9: {  	[dreg:$0x3] =	wrdreg s4  }
0xaa: {  	[dreg:$0x4] =	wrdreg $0xC0  }
0xab: {  	_ =	task [dreg:s6], $0x5FFFF  }
0xac: {  	[dreg:$0x1] =	wrdreg $0xFFFFFFFF  }
0xad: {  	[dreg:$0x0] =	wrdreg $0x60  }
0xae: {  	[dreg:$0x2] =	wrdreg s24  }
0xaf: {  	[dreg:$0x3] =	wrdreg $0x6F000  }
0xb0: {  	[dreg:$0x4] =	wrdreg $0x97000  }
0xb1: {  	[dreg:$0x5] =	wrdreg $0x9  }
0xb2: {  	_ =	task.clear_ibuf [dreg:s6], $0x6FFFF;
	_ =	strace $0x90000049  }
0xb3: {  	s29 =	simm.s32 $0x9;
	_ =	strace $0x8000004B  }
0xb4: {  	_ =	swait.ge [sflag:s29], $0x1  }
0xb5: {  	[sflag:s29] =	ssyncadd.s32 $0xFFFFFFFF  }
0xb6: {  	_ =	strace $0x9000004B  }
0xb7: {  	_ =	sfence  }
0xb8: {  	s30 =	sld [smem:$0x0];
	_ =	sdelay $0x2  }
0xb9: {  	s31 =	sshll.u32 s1, $0xD;
	s1 =	sshrl.u32 s1, $0x2  }
0xba: {  	s3 =	sand.u32 $0x4000, s31;
	s1 =	sadd.s32 s1, s30  }
0xbb: {  	s0 =	sor.u32 s3, s0;
	s1 =	sshll.u32 s1, $0x11  }
0xbc: {  	s0 =	sor.u32 s1, s0  }
0xbd: {  	s0 =	sadd.s32 $0x8F2B, s0  }
0xbe: {  	[sflag:s0] =	ssyncadd.remote.s32 $0x1  }
0xbf: {  	_ =	sfence.sel $0xFFFF  }
0xc0: {  	[dreg:$0x0] =	wrdreg $0xFFFFFFFF;
	(pc) =	sbr.abs _section_cstart, $3  }
0xc1: {  	[dreg:$0x1] =	wrdreg $0xFFFFFFFF  }
0xc2: {  	_ =	task.clear_ibuf [dreg:s6], $0x2FFFF;
	_ =	strace $0x9FFFFFFF  }
0xc3: {  	(tm) =	ssettm $0x7FFFFFFF  }
tec
execute0_lowered:
.L_overlay_start_1:
0x0: {  	(tag) =	ssettag $0x1  }
0x1: {  	s0 =	rddreg [dreg:$0x0]  }
0x2: {  	s2 =	rddreg [dreg:$0x1]  }
0x3: {  	s3 =	rddreg [dreg:$0x2]  }
0x4: {  	s4 =	stileid.u32;
	s5 =	srdreg.scid  }
0x5: {  	s6 =	simm.s32 $0x0;
	s18 =	simm.s32 $0x5;
	s20 =	simm.s32 $0x2780  }
0x6: {  	s21 =	simm.s32 $0x80;
	s30 =	simm.s32 $0x6700;
	s31 =	simm.s32 $0x3  }
0x7: {  	s28 =	simm.s32 $0x0;
	s1 =	smul.u32 $0x2800, s4;
	s5 =	sand.u32 $0x1, s5  }
0x8: {  	[smem:$0x7FF] =	sst s6;
	s13 =	sadd.s32 $0x1800, s0;
	s8 =	smul.u32 $0xA000, s4  }
0x9: {  	s14 =	sadd.s32 $0xB600, s0;
	s7 =	smul.u32 $0x28000, s5;
	_ =	strace $0x8000004A  }
0xa: {  	s24 =	sshll.u32 s5, $0x4;
	s5 =	ssub.s32 $0x2, s5;
	s22 =	sshrl.u32 s1, $0x3  }
0xb: {  	s17 =	sor.u32 s4, s24;
	s25 =	sshrl.u32 s5, $0x1;
	s8 =	sshrl.u32 s8, $0x2  }
0xc: {  	s24 =	simm.s32 $0x4;
	s10 =	sadd.s32 s22, s0;
	s23 =	sadd.s32 s1, s7  }
0xd: {  	s7 =	smul.u32 $0x4E, s17;
	s16 =	ssub.s32 s5, s25;
	s26 =	smin.u32 s17, $0x4  }
0xe: {  	s9 =	sadd.s32 s8, s2;
	s5 =	sadd.s32 s1, s2;
	s1 =	sadd.s32 s1, s3  }
0xf: {  	p0 =	sgt.u32 s17, $0x3;
	s17 =	simm.s32 $0x4F00;
	s22 =	simm.s32 $0x5700  }
0x10: {  	s25 =	simm.s32 $0x5F00;
	s6 =	sshrl.u32 s23, $0x3;
	s29 =	sadd.s32 $0x800, s9  }
0x11: {  	s8 =	sadd.s32 $0x1800, s9;
	s10 =	sadd.s32 $0x15400, s10;
	s16 =	smax.u32 s16, $0x1  }
0x12: {  	s19 =	sshrl.u32 s1, $0x3;
	s23 =	simm.s32 $0x1;
	s0 =	sadd.s32 s6, s0  }
0x13: {  	s11 =	sadd.s32 s26, s7;
	[dreg:$0x4] =	wrdreg s29;
	s7 =	sadd.s32 $0x1000, s9  }
0x14: {  	s9 =	sadd.s32 $0x2000, s9;
	s26 =	simm.s32 $0x2;
	s15 =	sshll.u32 s11, $0x4  }
0x15: {  	s11 =	sadd.s32 s13, s15;
	s12 =	sadd.s32 s14, s15;
	s15 =	sadd.s32 $0x4E0, s15  }
0x16: {  	v0 =	vimm.f32 $0.0e+00;
	s13 =	sadd.s32 s13, s15;
	s14 =	sadd.s32 s14, s15;
	s15 =	sadd.s32 $0x1A400, s0  }
.LBB2_1:
0x17: {  	s0 =	simm.s32 $0x40;
	s1 =	simm.s32 $0x0  }
.LBB2_2:
0x18: {  	p1 =	sne.s32 s0, $0x1FC0;
	[tilespmem:s1+$0x4F00] =	vst v0;
	s1 =	smov.u32 s0;
	s0 =	sadd.s32 $0x40, s0  }
.Ltmp0:
0x19: {  	(pc) =	sbr.rel @p1 .LBB2_2-.Ltmp0, $2  }
0x1a: {  	_ =	sdelay $0x2  }
0x1b: {  	s1 =	sshra.s32 s1, $0x2  }
0x1c: {  	[tilespmem:s1+$0x4F00] =	vst v0  }
0x1d: {  	[spmem:s5] =	stream.linear.scatter [tilespmem:s17], [sflag:$0x5], $0x800, $0x38;
	[tilespmem:$0xBF00] =	vst v63  }
0x1e: {  	_ =	swait.ge [sflag:s18], $0x800  }
0x1f: {  	[sflag:s18] =	ssyncset.done $0x0  }
0x20: {  	s0 =	rddreg [dreg:$0x4];
	[sflag:s18] =	ssyncadd.s32 $0xFFFFF800  }
0x21: {  	[spmem:s0] =	stream.linear.scatter [tilespmem:s17], [sflag:$0x5], $0x800, $0x38;
	[tilespmem:$0xBF00] =	vst v63  }
0x22: {  	_ =	swait.ge [sflag:s18], $0x800  }
0x23: {  	[sflag:s18] =	ssyncset.done $0x0  }
0x24: {  	[sflag:s18] =	ssyncadd.s32 $0xFFFFF800  }
0x25: {  	[spmem:s7] =	stream.linear.scatter [tilespmem:s17], [sflag:$0x5], $0x800, $0x38;
	[tilespmem:$0xBF00] =	vst v63  }
0x26: {  	_ =	swait.ge [sflag:s18], $0x800  }
0x27: {  	[sflag:s18] =	ssyncset.done $0x0  }
0x28: {  	[sflag:s18] =	ssyncadd.s32 $0xFFFFF800  }
0x29: {  	[spmem:s8] =	stream.linear.scatter [tilespmem:s17], [sflag:$0x5], $0x800, $0x38;
	[tilespmem:$0xBF00] =	vst v63  }
0x2a: {  	_ =	swait.ge [sflag:s18], $0x800  }
0x2b: {  	[sflag:s18] =	ssyncset.done $0x0  }
0x2c: {  	[sflag:s18] =	ssyncadd.s32 $0xFFFFF800  }
0x2d: {  	[spmem:s9] =	stream.linear.scatter [tilespmem:s17], [sflag:$0x5], $0x800, $0x38;
	[tilespmem:$0xBF00] =	vst v63  }
0x2e: {  	s1 =	stileid.u32;
	_ =	swait.ge [sflag:s18], $0x800  }
0x2f: {  	s0 =	sshll.u32 s1, $0x6;
	[sflag:s18] =	ssyncset.done $0x0  }
0x30: {  	s29 =	sor.u32 $0x1C05, s0;
	[sflag:s18] =	ssyncadd.s32 $0xFFFFF800  }
0x31: {  	[spmem:s19], [sflag:s29] =	dma.local [hbm:s10], $0x500  }
0x32: {  	_ =	swait.ge [sflag:s18], $0x500  }
0x33: {  	[sflag:s18] =	ssyncset.done $0x0  }
0x34: {  	s4 =	simm.s32 $0x0;
	[sflag:s18] =	ssyncadd.s32 $0xFFFFFB00  }
0x35: {  	[tilespmem:s4], [sflag:$0x5] =	stream.linear.gather [hbm4b:s11+s4], $0x2700, $0x38;
	[tilespmem:$0xBF00] =	vst v63  }
0x36: {  	_ =	swait.ge [sflag:s18], $0x2700  }
0x37: {  	[sflag:s18] =	ssyncset.done $0x0  }
0x38: {  	[sflag:s18] =	ssyncadd.s32 $0xFFFFD900  }
0x39: {  	[tilespmem:s20], [sflag:$0x5] =	stream.linear.gather [hbm4b:s12+s4], $0x2700, $0x38;
	[tilespmem:$0xBF00] =	vst v63  }
0x3a: {  	_ =	swait.ge [sflag:s18], $0x2700  }
0x3b: {  	[sflag:s18] =	ssyncset.done $0x0  }
0x3c: {  	s1 =	simm.s32 @!p0 $0x2700;
	s0 =	simm.s32 @!p0 $0x0;
	[sflag:s18] =	ssyncadd.s32 $0xFFFFD900  }
0x3d: {  	[tilespmem:s1], [sflag:$0x5] =	stream.linear.gather @!p0 [hbm4b:s13+s0], $0x80, $0x38;
	[tilespmem:$0xBF00] =	vst v63  }
0x3e: {  	s1 =	simm.s32 @!p0 $0x5  }
0x3f: {  	_ =	swait.ge @!p0 [sflag:s1], $0x80  }
0x40: {  	[sflag:s1] =	ssyncset.done @!p0 $0x0  }
0x41: {  	s4 =	simm.s32 @!p0 $0x4E80;
	[sflag:s1] =	ssyncadd.s32 @!p0 $0xFFFFFF80  }
0x42: {  	[tilespmem:s4], [sflag:$0x5] =	stream.linear.gather @!p0 [hbm4b:s14+s0], $0x80, $0x38;
	[tilespmem:$0xBF00] =	vst v63  }
0x43: {  	_ =	swait.ge @!p0 [sflag:s1], $0x80  }
0x44: {  	[sflag:s1] =	ssyncset.done @!p0 $0x0  }
0x45: {  	[sflag:s1] =	ssyncadd.s32 @!p0 $0xFFFFFF80  }
0x46: {  	s6 =	simm.s32 $0x0;
	[bflag:$0x0] =	sbarrier.arrive $0xFFFF  }
0x47: {  	[tilespmem:s17], [sflag:$0x1] =	stream.indirect.gather [spmem:s3], $0x10, s6, s21, $0xb8;
	[tilespmem:$0xBF00] =	vst v63  }
0x48: {  	_ = 	snop  }
0x49: {  	[tilespmem:s22], [sflag:$0x2] =	stream.indirect.gather [spmem:s3], $0x10, s21, s21, $0xb8;
	[tilespmem:$0xBF00] =	vst v63  }
0x4a: {  	_ =	swait.ge [sflag:s23], $0x800  }
0x4b: {  	[sflag:s23] =	ssyncset.done $0x0  }
0x4c: {  	[sflag:s23] =	ssyncadd.s32 $0xFFFFF800  }
0x4d: {  	[spmem:s2] =	stream.indirect.scatter.add.f32 [tilespmem:s17], [sflag:$0x1], $0x10, s20, s21, $0xb8;
	[tilespmem:$0xBF00] =	vst v63  }
0x4e: {  	s1 =	simm.s32 $0x100  }
0x4f: {  	[tilespmem:s25], [sflag:$0x3] =	stream.indirect.gather [spmem:s3], $0x10, s1, s21, $0xb8;
	[tilespmem:$0xBF00] =	vst v63  }
0x50: {  	_ =	swait.ge [sflag:s26], $0x800  }
0x51: {  	[sflag:s26] =	ssyncset.done $0x0  }
0x52: {  	s4 =	simm.s32 $0x2800;
	[sflag:s26] =	ssyncadd.s32 $0xFFFFF800  }
0x53: {  	[spmem:s2] =	stream.indirect.scatter.add.f32 [tilespmem:s22], [sflag:$0x2], $0x10, s4, s21, $0xb8;
	[tilespmem:$0xBF00] =	vst v63  }
0x54: {  	s6 =	simm.s32 $0x180  }
0x55: {  	[tilespmem:s30], [sflag:$0x4] =	stream.indirect.gather [spmem:s3], $0x10, s6, s21, $0xb8;
	[tilespmem:$0xBF00] =	vst v63  }
0x56: {  	_ =	swait.ge [sflag:s31], $0x800  }
0x57: {  	[sflag:s31] =	ssyncset.done $0x0  }
0x58: {  	s1 =	simm.s32 $0x2880;
	[sflag:s31] =	ssyncadd.s32 $0xFFFFF800  }
0x59: {  	[spmem:s2] =	stream.indirect.scatter.add.f32 [tilespmem:s25], [sflag:$0x3], $0x10, s1, s21, $0xb8;
	[tilespmem:$0xBF00] =	vst v63  }
0x5a: {  	_ =	swait.ge [sflag:s23], $0x800  }
0x5b: {  	[sflag:s23] =	ssyncset.done $0x0  }
0x5c: {  	s4 =	simm.s32 $0x200;
	[sflag:s23] =	ssyncadd.s32 $0xFFFFF800  }
0x5d: {  	[tilespmem:s17], [sflag:$0x1] =	stream.indirect.gather [spmem:s3], $0x10, s4, s21, $0xb8;
	[tilespmem:$0xBF00] =	vst v63  }
0x5e: {  	_ =	swait.ge [sflag:s24], $0x800  }
0x5f: {  	[sflag:s24] =	ssyncset.done $0x0  }
0x60: {  	s6 =	simm.s32 $0x2900;
	[sflag:s24] =	ssyncadd.s32 $0xFFFFF800  }
0x61: {  	[spmem:s2] =	stream.indirect.scatter.add.f32 [tilespmem:s30], [sflag:$0x4], $0x10, s6, s21, $0xb8;
	[tilespmem:$0xBF00] =	vst v63  }
0x62: {  	_ =	swait.ge [sflag:s26], $0x800  }
0x63: {  	[sflag:s26] =	ssyncset.done $0x0  }
0x64: {  	s1 =	simm.s32 $0x280;
	[sflag:s26] =	ssyncadd.s32 $0xFFFFF800  }
0x65: {  	[tilespmem:s22], [sflag:$0x2] =	stream.indirect.gather [spmem:s3], $0x10, s1, s21, $0xb8;
	[tilespmem:$0xBF00] =	vst v63  }
0x66: {  	_ =	swait.ge [sflag:s23], $0x800  }
0x67: {  	[sflag:s23] =	ssyncset.done $0x0  }
0x68: {  	s4 =	simm.s32 $0x2980;
	[sflag:s23] =	ssyncadd.s32 $0xFFFFF800  }
0x69: {  	[spmem:s2] =	stream.indirect.scatter.add.f32 [tilespmem:s17], [sflag:$0x1], $0x10, s4, s21, $0xb8;
	[tilespmem:$0xBF00] =	vst v63  }
0x6a: {  	_ =	swait.ge [sflag:s31], $0x800  }
0x6b: {  	[sflag:s31] =	ssyncset.done $0x0  }
0x6c: {  	s6 =	simm.s32 $0x300;
	[sflag:s31] =	ssyncadd.s32 $0xFFFFF800  }
0x6d: {  	[tilespmem:s25], [sflag:$0x3] =	stream.indirect.gather [spmem:s3], $0x10, s6, s21, $0xb8;
	[tilespmem:$0xBF00] =	vst v63  }
0x6e: {  	_ =	swait.ge [sflag:s26], $0x800  }
0x6f: {  	[sflag:s26] =	ssyncset.done $0x0  }
0x70: {  	s1 =	simm.s32 $0x2A00;
	[sflag:s26] =	ssyncadd.s32 $0xFFFFF800  }
0x71: {  	[spmem:s2] =	stream.indirect.scatter.add.f32 [tilespmem:s22], [sflag:$0x2], $0x10, s1, s21, $0xb8;
	[tilespmem:$0xBF00] =	vst v63  }
0x72: {  	_ =	swait.ge [sflag:s24], $0x800  }
0x73: {  	[sflag:s24] =	ssyncset.done $0x0  }
0x74: {  	s4 =	simm.s32 $0x380;
	[sflag:s24] =	ssyncadd.s32 $0xFFFFF800  }
0x75: {  	[tilespmem:s30], [sflag:$0x4] =	stream.indirect.gather [spmem:s3], $0x10, s4, s21, $0xb8;
	[tilespmem:$0xBF00] =	vst v63  }
0x76: {  	_ =	swait.ge [sflag:s31], $0x800  }
0x77: {  	[sflag:s31] =	ssyncset.done $0x0  }
0x78: {  	s6 =	simm.s32 $0x2A80;
	[sflag:s31] =	ssyncadd.s32 $0xFFFFF800  }
0x79: {  	[spmem:s2] =	stream.indirect.scatter.add.f32 [tilespmem:s25], [sflag:$0x3], $0x10, s6, s21, $0xb8;
	[tilespmem:$0xBF00] =	vst v63  }
0x7a: {  	_ =	swait.ge [sflag:s23], $0x800  }
0x7b: {  	[sflag:s23] =	ssyncset.done $0x0  }
0x7c: {  	s1 =	simm.s32 $0x400;
	[sflag:s23] =	ssyncadd.s32 $0xFFFFF800  }
0x7d: {  	[tilespmem:s17], [sflag:$0x1] =	stream.indirect.gather [spmem:s3], $0x10, s1, s21, $0xb8;
	[tilespmem:$0xBF00] =	vst v63  }
0x7e: {  	_ =	swait.ge [sflag:s24], $0x800  }
0x7f: {  	[sflag:s24] =	ssyncset.done $0x0  }
0x80: {  	s4 =	simm.s32 $0x2B00;
	[sflag:s24] =	ssyncadd.s32 $0xFFFFF800  }
0x81: {  	[spmem:s2] =	stream.indirect.scatter.add.f32 [tilespmem:s30], [sflag:$0x4], $0x10, s4, s21, $0xb8;
	[tilespmem:$0xBF00] =	vst v63  }
0x82: {  	_ =	swait.ge [sflag:s26], $0x800  }
0x83: {  	[sflag:s26] =	ssyncset.done $0x0  }
0x84: {  	s6 =	simm.s32 $0x480;
	[sflag:s26] =	ssyncadd.s32 $0xFFFFF800  }
0x85: {  	[tilespmem:s22], [sflag:$0x2] =	stream.indirect.gather [spmem:s3], $0x10, s6, s21, $0xb8;
	[tilespmem:$0xBF00] =	vst v63  }
0x86: {  	_ =	swait.ge [sflag:s23], $0x800  }
0x87: {  	[sflag:s23] =	ssyncset.done $0x0  }
0x88: {  	s0 =	simm.s32 $0x2B80;
	s1 =	simm.s32 $0x800;
	[sflag:s23] =	ssyncadd.s32 $0xFFFFF800  }
.LBB2_4:
0x89: {  	[spmem:s2] =	stream.indirect.scatter.add.f32 [tilespmem:s17], [sflag:$0x1], $0x10, s0, s21, $0xb8;
	[tilespmem:$0xBF00] =	vst v63  }
0x8a: {  	s0 =	smov.u32 s1  }
0x8b: {  	p1 =	sne.s32 s1, $0x8800;
	s1 =	sadd.s32 $0x800, s1;
	_ =	swait.ge [sflag:s31], $0x800  }
0x8c: {  	s0 =	sshra.s32 s0, $0x2;
	[sflag:s31] =	ssyncset.done $0x0  }
0x8d: {  	s4 =	sadd.s32 $0x300, s0;
	[sflag:s31] =	ssyncadd.s32 $0xFFFFF800  }
0x8e: {  	[tilespmem:s25], [sflag:$0x3] =	stream.indirect.gather [spmem:s3], $0x10, s4, s21, $0xb8;
	[tilespmem:$0xBF00] =	vst v63  }
0x8f: {  	_ =	swait.ge [sflag:s26], $0x800  }
0x90: {  	[sflag:s26] =	ssyncset.done $0x0  }
0x91: {  	s4 =	sadd.s32 $0x2A00, s0;
	[sflag:s26] =	ssyncadd.s32 $0xFFFFF800  }
0x92: {  	[spmem:s2] =	stream.indirect.scatter.add.f32 [tilespmem:s22], [sflag:$0x2], $0x10, s4, s21, $0xb8;
	[tilespmem:$0xBF00] =	vst v63  }
0x93: {  	_ =	swait.ge [sflag:s24], $0x800  }
0x94: {  	[sflag:s24] =	ssyncset.done $0x0  }
0x95: {  	s4 =	sadd.s32 $0x380, s0;
	[sflag:s24] =	ssyncadd.s32 $0xFFFFF800  }
0x96: {  	[tilespmem:s30], [sflag:$0x4] =	stream.indirect.gather [spmem:s3], $0x10, s4, s21, $0xb8;
	[tilespmem:$0xBF00] =	vst v63  }
0x97: {  	_ =	swait.ge [sflag:s31], $0x800  }
0x98: {  	[sflag:s31] =	ssyncset.done $0x0  }
0x99: {  	s4 =	sadd.s32 $0x2A80, s0;
	[sflag:s31] =	ssyncadd.s32 $0xFFFFF800  }
0x9a: {  	[spmem:s2] =	stream.indirect.scatter.add.f32 [tilespmem:s25], [sflag:$0x3], $0x10, s4, s21, $0xb8;
	[tilespmem:$0xBF00] =	vst v63  }
0x9b: {  	_ =	swait.ge [sflag:s23], $0x800  }
0x9c: {  	[sflag:s23] =	ssyncset.done $0x0  }
0x9d: {  	s4 =	sadd.s32 $0x400, s0;
	[sflag:s23] =	ssyncadd.s32 $0xFFFFF800  }
0x9e: {  	[tilespmem:s17], [sflag:$0x1] =	stream.indirect.gather [spmem:s3], $0x10, s4, s21, $0xb8;
	[tilespmem:$0xBF00] =	vst v63  }
0x9f: {  	_ =	swait.ge [sflag:s24], $0x800  }
0xa0: {  	[sflag:s24] =	ssyncset.done $0x0  }
0xa1: {  	s4 =	sadd.s32 $0x2B00, s0;
	[sflag:s24] =	ssyncadd.s32 $0xFFFFF800  }
0xa2: {  	[spmem:s2] =	stream.indirect.scatter.add.f32 [tilespmem:s30], [sflag:$0x4], $0x10, s4, s21, $0xb8;
	[tilespmem:$0xBF00] =	vst v63  }
0xa3: {  	_ =	swait.ge [sflag:s26], $0x800  }
0xa4: {  	[sflag:s26] =	ssyncset.done $0x0  }
.Ltmp1:
0xa5: {  	s4 =	sadd.s32 $0x480, s0;
	[sflag:s26] =	ssyncadd.s32 $0xFFFFF800;
	(pc) =	sbr.rel @p1 .LBB2_4-.Ltmp1, $4  }
0xa6: {  	[tilespmem:s22], [sflag:$0x2] =	stream.indirect.gather [spmem:s3], $0x10, s4, s21, $0xb8;
	[tilespmem:$0xBF00] =	vst v63  }
0xa7: {  	_ =	swait.ge [sflag:s23], $0x800  }
0xa8: {  	[sflag:s23] =	ssyncset.done $0x0  }
0xa9: {  	s0 =	sadd.s32 $0x2B80, s0;
	[sflag:s23] =	ssyncadd.s32 $0xFFFFF800  }
0xaa: {  	[spmem:s2] =	stream.indirect.scatter.add.f32 [tilespmem:s17], [sflag:$0x1], $0x10, s0, s21, $0xb8;
	[tilespmem:$0xBF00] =	vst v63  }
0xab: {  	_ =	swait.ge [sflag:s26], $0x800  }
0xac: {  	[sflag:s26] =	ssyncset.done $0x0  }
0xad: {  	s4 =	simm.s32 $0x4E00;
	[sflag:s26] =	ssyncadd.s32 $0xFFFFF800  }
0xae: {  	[spmem:s2] =	stream.indirect.scatter.add.f32 [tilespmem:s22], [sflag:$0x2], $0x10, s4, s21, $0xb8;
	[tilespmem:$0xBF00] =	vst v63  }
0xaf: {  	_ =	swait.ge [sflag:s23], $0x800  }
0xb0: {  	[sflag:s23] =	ssyncset.done $0x0  }
0xb1: {  	[sflag:s23] =	ssyncadd.s32 $0xFFFFF800  }
0xb2: {  	_ =	swait.ge [sflag:s26], $0x800  }
0xb3: {  	[sflag:s26] =	ssyncset.done $0x0  }
0xb4: {  	[sflag:s26] =	ssyncadd.s32 $0xFFFFF800  }
0xb5: {  	_ =	swait.ge [sflag:s31], $0x800  }
0xb6: {  	[sflag:s31] =	ssyncset.done $0x0  }
0xb7: {  	[sflag:s31] =	ssyncadd.s32 $0xFFFFF800  }
0xb8: {  	_ =	swait.ge [sflag:s24], $0x800  }
0xb9: {  	s0 =	simm.s32 @!p0 $0x80;
	[sflag:s24] =	ssyncset.done $0x0  }
0xba: {  	s1 =	simm.s32 @!p0 $0x2700;
	s4 =	simm.s32 @!p0 $0x4F00;
	[sflag:s24] =	ssyncadd.s32 $0xFFFFF800  }
0xbb: {  	[tilespmem:s4], [sflag:$0x1] =	stream.indirect.gather @!p0 [spmem:s3], $0x10, s1, s0, $0xb8;
	[tilespmem:$0xBF00] =	vst v63  }
0xbc: {  	s1 =	simm.s32 @!p0 $0x1  }
0xbd: {  	_ =	swait.ge @!p0 [sflag:s1], $0x800  }
0xbe: {  	[sflag:s1] =	ssyncset.done @!p0 $0x0  }
0xbf: {  	s6 =	simm.s32 @!p0 $0x4E80;
	[sflag:s1] =	ssyncadd.s32 @!p0 $0xFFFFF800  }
0xc0: {  	[spmem:s2] =	stream.indirect.scatter.add.f32 @!p0 [tilespmem:s4], [sflag:$0x1], $0x10, s6, s0, $0xb8;
	[tilespmem:$0xBF00] =	vst v63  }
0xc1: {  	_ =	swait.ge @!p0 [sflag:s1], $0x800  }
0xc2: {  	s28 =	sadd.s32 $0x1, s28;
	[sflag:s1] =	ssyncset.done @!p0 $0x0  }
0xc3: {  	p1 =	sne.s32 s28, s16;
	[sflag:s1] =	ssyncadd.s32 @!p0 $0xFFFFF800  }
.Ltmp2:
0xc4: {  	s6 =	sshrl.u32 s5, $0x3;
	[bflag:$0x0] =	sbarrier.arrive $0xFFFF;
	(pc) =	sbr.rel @p1 .LBB2_1-.Ltmp2, $4  }
0xc5: {  	[hbm:s15], [sflag:s29] =	dma.local [spmem:s6], $0x500  }
0xc6: {  	_ =	swait.ge [sflag:s18], $0x500  }
0xc7: {  	[sflag:s18] =	ssyncset.done $0x0  }
0xc8: {  	[sflag:s18] =	ssyncadd.s32 $0xFFFFFB00  }
0xc9: {  	_ =	sfence.sel $0x180000  }
0xca: {  	[bflag:$0x0] =	sbarrier.arrive $0xFFFF  }
0xcb: {  	_ =	strace $0x9000004A  }
0xcc: {  	s0 =	stileid.u32;
	[bflag:$0x2] =	sbarrier.arrive $0xFFFF  }
0xcd: {  	p0 =	sne.s32 s0, $0x0;
	s0 =	rddreg [dreg:$0x3]  }
0xce: {  	s0 =	sadd.s32 @!p0 $0x100000, s0  }
0xcf: {  	[sflag:s0] =	ssyncadd.tile.s32 @!p0 $0x1;
	_ =	shalt  }
.Lfunc_end2:
_tile_overlayer_lowered:
.L_overlay_start_2:
0xd0: {  	(tag) =	ssettag $0x2  }
0xd1: {  	s0 =	rddreg [dreg:$0x0];
	s2 =	stileid.u32  }
0xd2: {  	s1 =	rddreg [dreg:$0x1];
	p0 =	sne.s32 s2, $0x0  }
0xd3: {  	s3 =	rddreg [dreg:$0x2];
	[bflag:$0x3] =	sbarrier.arrive $0xFFFF;
	s2 =	simm.s32 @!p0 $0x1C05  }
0xd4: {  	[timem:s3], [sflag:s2] =	dma.local @!p0 [hbm:s0], s1  }
0xd5: {  	s0 =	simm.s32 @!p0 $0x5  }
0xd6: {  	_ =	swait.ge @!p0 [sflag:s0], s1  }
0xd7: {  	s1 =	ssub.s32 @!p0 $0x0, s1;
	[sflag:s0] =	ssyncset.done @!p0 $0x0  }
0xd8: {  	[sflag:s0] =	ssyncadd.s32 @!p0 s1  }
0xd9: {  	[bflag:$0x3] =	sbarrier.arrive $0xFFFF  }
0xda: {  	_ =	shalt  }

// kernel: kernel.15.cloned.1.call-start
scs
__scs_entry_jumppad:
0x0: {  	(pc) =	sbr.rel $0x88, $3  }
0x1: {  	(tag) =	ssettag $0x0;
	lr =	simm.s32 $0x1  }
0x2: {  	[smem:$0x3F99] =	sst lr;
	_ =	strace $0xD0000000  }
0x3: {  	_ = 	snop  }
0x4: {  	_ = 	snop  }
0x5: {  	_ = 	snop  }
0x6: {  	_ = 	snop  }
0x7: {  	_ = 	snop  }
__scs_overlays_trampoline_lowered:
0x8: {  	[smem:$0x3FA8] =	sst s0  }
0x9: {  	[smem:$0x3FA9] =	sst s1  }
0xa: {  	[smem:$0x3FAA] =	sst s2  }
0xb: {  	[smem:$0x3FAB] =	sst s3  }
0xc: {  	[smem:$0x3FAC] =	sst s4  }
0xd: {  	[smem:$0x3FAD] =	sst s5  }
0xe: {  	[smem:$0x3FAE] =	sst s6  }
0xf: {  	[smem:$0x3FAF] =	sst s7  }
0x10: {  	[smem:$0x3FB0] =	sst s8  }
0x11: {  	[smem:$0x3FB1] =	sst s9;
	s0 =	simm.s32 @!p0 $0x0  }
0x12: {  	s1 =	sld [smem:$0x3F97];
	s0 =	simm.s32 @p0 $0x1  }
0x13: {  	[smem:$0x3FB2] =	sst s0;
	s0 =	simm.s32 @!p1 $0x0  }
0x14: {  	s2 =	sld [smem:$0x3F96];
	s0 =	simm.s32 @p1 $0x1  }
0x15: {  	[smem:$0x3FB3] =	sst s0;
	s0 =	simm.s32 @!p2 $0x0  }
0x16: {  	s3 =	sld [smem:$0x3FDB];
	s0 =	simm.s32 @p2 $0x1  }
0x17: {  	s4 =	simm.s32 $0x1BF5;
	[smem:$0x3FB5] =	sst s0  }
0x18: {  	s0 =	sld [smem:$0x3F98];
	_ =	swait.ge [sflag:s4], $0x0  }
0x19: {  	s7 =	sld [smem:$0x3F99]  }
0x1a: {  	s8 =	sadd.s32 $0xFFFFE003, lr  }
0x1b: {  	s9 =	sadd.s32 $0xFFFFFEF7, lr;
	s5 =	simm.s32 $0xFFFFFFFF;
	p2 =	slt.u32 s8, $0xFFFFF086  }
0x1c: {  	p1 =	slt.u32 s9, $0xF7A;
	s5 =	simm.s32 @!p2 $0x0  }
0x1d: {  	s5 =	simm.s32 @p1 $0x1;
	p0 =	seq.s32 s7, s2  }
0x1e: {  	s7 =	smul.u32 @!p0 $0xF7A, s2;
	p2 =	seq.s32 @!p0 s5, $0x0  }
0x1f: {  	s9 =	smul.u32 $0xF7A, s1;
	s8 =	simm.s32 @!p0 $0x1BF5;
	p2 =	por !p2, p0  }
0x20: {  	[sflag:s8] =	ssyncset.s32 @!p0 $0xFFFFF086;
	s6 =	sadd.s32 @!p0 s3, s7;
	s7 =	simm.s32 @!p0 $0x108  }
0x21: {  	s3 =	sadd.s32 s3, s9;
	s6 =	sadd.s32 @!p0 $0x88, s6;
	s7 =	simm.s32 @p2 $0x1082  }
0x22: {  	[simem:s7], [sflag:s8] =	dma.local @!p0 [hbm:s6], $0xF7A  }
0x23: {  	s9 =	sor.u32 $0xD0000000, s2;
	s6 =	simm.s32 $0x108;
	_ =	swait.ge @!p0 [sflag:s8], $0x0  }
0x24: {  	s3 =	sadd.s32 $0x88, s3;
	s6 =	simm.s32 @!p1 $0x1082;
	[sflag:s4] =	ssyncset.s32 $0xFFFFF086  }
0x25: {  	[simem:s6], [sflag:s4] =	dma.local [hbm:s3], $0xF7A  }
0x26: {  	[smem:$0x3F99] =	sst s1;
	(tag) =	ssettag s2;
	_ =	strace s9  }
0x27: {  	s1 =	sld [smem:$0x3FA9]  }
0x28: {  	s2 =	sld [smem:$0x3FAA]  }
0x29: {  	s4 =	sld [smem:$0x3FAC]  }
0x2a: {  	p0 =	seq.s32 s5, $0x0;
	s5 =	sld [smem:$0x3FAD]  }
0x2b: {  	s6 =	sld [smem:$0x3FAE]  }
0x2c: {  	s7 =	sld [smem:$0x3FAF]  }
0x2d: {  	s3 =	simm.s32 $0x108;
	s8 =	sld [smem:$0x3FB0]  }
0x2e: {  	s3 =	simm.s32 @!p0 $0x1082;
	s9 =	sld [smem:$0x3FB1]  }
0x2f: {  	lr =	sadd.s32 s0, s3;
	s0 =	sld [smem:$0x3FA8]  }
0x30: {  	s3 =	sld [smem:$0x3FAB]  }
0x31: {  	[smem:$0x3FB4] =	sst s10  }
0x32: {  	s10 =	sld [smem:$0x3FB2];
	_ =	sdelay $0x3  }
0x33: {  	p0 =	seq.s32 s10, $0x1;
	s10 =	sld [smem:$0x3FB4];
	_ =	sdelay $0x3  }
0x34: {  	[smem:$0x3FB4] =	sst s10  }
0x35: {  	s10 =	sld [smem:$0x3FB3];
	_ =	sdelay $0x3  }
0x36: {  	p1 =	seq.s32 s10, $0x1;
	s10 =	sld [smem:$0x3FB4];
	_ =	sdelay $0x3  }
0x37: {  	[smem:$0x3FB4] =	sst s10  }
0x38: {  	s10 =	sld [smem:$0x3FB5]  }
0x39: {  	_ = 	snop;
	(pc) =	sbr.ind lr, $3  }
0x3a: {  	_ = 	snop  }
0x3b: {  	_ = 	snop  }
0x3c: {  	p2 =	seq.s32 s10, $0x1;
	s10 =	sld [smem:$0x3FB4]  }
0x3d: {  	_ =	shalt  }
0x3e: {  	_ =	shalt  }
0x3f: {  	_ =	shalt  }
0x40: {  	_ =	shalt  }
0x41: {  	_ =	shalt  }
0x42: {  	_ =	shalt  }
0x43: {  	_ =	shalt  }
0x44: {  	_ =	shalt  }
0x45: {  	_ =	shalt  }
0x46: {  	_ =	shalt  }
0x47: {  	_ =	shalt  }
0x48: {  	_ =	shalt  }
0x49: {  	_ =	shalt  }
0x4a: {  	_ =	shalt  }
0x4b: {  	_ =	shalt  }
0x4c: {  	_ =	shalt  }
0x4d: {  	_ =	shalt  }
0x4e: {  	_ =	shalt  }
0x4f: {  	_ =	shalt  }
0x50: {  	_ =	shalt  }
0x51: {  	_ =	shalt  }
0x52: {  	_ =	shalt  }
0x53: {  	_ =	shalt  }
0x54: {  	_ =	shalt  }
0x55: {  	_ =	shalt  }
0x56: {  	_ =	shalt  }
0x57: {  	_ =	shalt  }
0x58: {  	_ =	shalt  }
0x59: {  	_ =	shalt  }
0x5a: {  	_ =	shalt  }
0x5b: {  	_ =	shalt  }
0x5c: {  	_ =	shalt  }
0x5d: {  	_ =	shalt  }
0x5e: {  	_ =	shalt  }
0x5f: {  	_ =	shalt  }
0x60: {  	_ =	shalt  }
0x61: {  	_ =	shalt  }
0x62: {  	_ =	shalt  }
0x63: {  	_ =	shalt  }
0x64: {  	_ =	shalt  }
0x65: {  	_ =	shalt  }
0x66: {  	_ =	shalt  }
0x67: {  	_ =	shalt  }
0x68: {  	_ =	shalt  }
0x69: {  	_ =	shalt  }
0x6a: {  	_ =	shalt  }
0x6b: {  	_ =	shalt  }
0x6c: {  	_ =	shalt  }
0x6d: {  	_ =	shalt  }
0x6e: {  	_ =	shalt  }
0x6f: {  	_ =	shalt  }
0x70: {  	_ =	shalt  }
0x71: {  	_ =	shalt  }
0x72: {  	_ =	shalt  }
0x73: {  	_ =	shalt  }
0x74: {  	_ =	shalt  }
0x75: {  	_ =	shalt  }
0x76: {  	_ =	shalt  }
0x77: {  	_ =	shalt  }
0x78: {  	_ =	shalt  }
0x79: {  	_ =	shalt  }
0x7a: {  	_ =	shalt  }
0x7b: {  	_ =	shalt  }
0x7c: {  	_ =	shalt  }
0x7d: {  	_ =	shalt  }
0x7e: {  	_ =	shalt  }
0x7f: {  	_ =	shalt  }
0x80: {  	_ =	shalt  }
0x81: {  	_ =	shalt  }
0x82: {  	_ =	shalt  }
0x83: {  	_ =	shalt  }
0x84: {  	_ =	shalt  }
0x85: {  	_ =	shalt  }
0x86: {  	_ =	shalt  }
0x87: {  	_ =	shalt  }
.Lfunc_end0:
.L_simem_size_0:
called_computation.2_lowered:
.L_overlay_start_0:
0x88: {  	s2 =	sld [smem:$0x3FD9]  }
0x89: {  	s3 =	sld [smem:$0x3FFE];
	_ =	sdelay $0x1  }
0x8a: {  	s1 =	srdreg.scid  }
0x8b: {  	s0 =	sand.u32 $0x1, s1  }
0x8c: {  	s16 =	sshll.u32 s0, $0xA;
	s2 =	sadd.s32 s3, s2  }
0x8d: {  	s2 =	sadd.s32 s2, s16  }
0x8e: {  	[smem:$0x3FC0] =	sst s2  }
0x8f: {  	_ = 	snop  }
0x90: {  	(tm) =	ssettm $0x1  }
0x91: {  	s17 =	sld [smem:$0x3FFB];
	_ =	sdelay $0x3  }
0x92: {  	_ =	strace s17  }
0x93: {  	s2 =	sld [smem:$0x3FFC];
	_ =	sdelay $0x3  }
0x94: {  	_ =	strace s2  }
0x95: {  	s2 =	sld [smem:$0x3FFD];
	_ =	sdelay $0x3  }
0x96: {  	_ =	strace s2  }
0x97: {  	_ =	strace $0x8FFFFFFF  }
0x98: {  	s18 =	sld [smem:$0x3FDB];
	_ =	sdelay $0x1  }
0x99: {  	s19 =	simm.s32 $_scs_section_size  }
0x9a: {  	s4 =	simm.s32 $_size__tile_overlayer_lowered;
	s5 =	simm.s32 $_tile_overlayer_lowered  }
0x9b: {  	s22 =	simm.s32 $0x1BFF;
	s21 =	sshll.u32 s5, $0x1;
	s2 =	sadd.s32 s19, s18  }
0x9c: {  	s6 =	simm.s32 $0x0;
	s20 =	sshll.u32 s4, $0x1;
	s4 =	sadd.s32 s21, s2  }
0x9d: {  	[timem:s6], [sflag:s22] =	dma.local [hbm:s4], s20  }
0x9e: {  	_ =	swait.ge [sflag:s22], s20  }
0x9f: {  	s3 =	ssub.s32 $0x0, s20;
	[sflag:s22] =	ssyncset.done $0x0  }
0xa0: {  	[sflag:s22] =	ssyncadd.s32 s3;
	_ =	sdelay $0x1  }
0xa1: {  	s23 =	simm.s32 $0x1B8B  }
0xa2: {  	_ =	swait.ge [sflag:s23], $0x1  }
0xa3: {  	[sflag:s23] =	ssyncset.done $0x0  }
0xa4: {  	s25 =	simm.s32 $0x1B8E;
	s24 =	sld [smem:$0x3FFE];
	[sflag:s23] =	ssyncadd.s32 $0xFFFFFFFF  }
0xa5: {  	s26 =	simm.s32 $execute0_lowered;
	[smem:$0x3FD2] =	sst s25  }
0xa6: {  	s4 =	sshll.u32 s26, $0x1;
	_ =	strace $0x8000004C;
	[dreg:$0x1] =	wrdreg $0xFFFFFFFF  }
0xa7: {  	s28 =	simm.s32 $_size_execute0_lowered;
	s2 =	sadd.s32 s2, s4;
	[dreg:$0x0] =	wrdreg $0x0  }
0xa8: {  	s4 =	sshll.u32 s28, $0x1;
	[dreg:$0x2] =	wrdreg s2  }
0xa9: {  	[dreg:$0x3] =	wrdreg s4  }
0xaa: {  	[dreg:$0x4] =	wrdreg $0xC0  }
0xab: {  	_ =	task [dreg:s6], $0x5FFFF  }
0xac: {  	[dreg:$0x1] =	wrdreg $0xFFFFFFFF  }
0xad: {  	[dreg:$0x0] =	wrdreg $0x60  }
0xae: {  	[dreg:$0x2] =	wrdreg s24  }
0xaf: {  	[dreg:$0x3] =	wrdreg $0x6F000  }
0xb0: {  	[dreg:$0x4] =	wrdreg $0x97000  }
0xb1: {  	[dreg:$0x5] =	wrdreg $0x9  }
0xb2: {  	_ =	task.clear_ibuf [dreg:s6], $0x6FFFF;
	_ =	strace $0x9000004C  }
0xb3: {  	s29 =	simm.s32 $0x9;
	_ =	strace $0x8000004E  }
0xb4: {  	_ =	swait.ge [sflag:s29], $0x1  }
0xb5: {  	[sflag:s29] =	ssyncadd.s32 $0xFFFFFFFF  }
0xb6: {  	_ =	strace $0x9000004E  }
0xb7: {  	_ =	sfence  }
0xb8: {  	s30 =	sld [smem:$0x0];
	_ =	sdelay $0x2  }
0xb9: {  	s31 =	sshll.u32 s1, $0xD;
	s1 =	sshrl.u32 s1, $0x2  }
0xba: {  	s3 =	sand.u32 $0x4000, s31;
	s1 =	sadd.s32 s1, s30  }
0xbb: {  	s0 =	sor.u32 s3, s0;
	s1 =	sshll.u32 s1, $0x11  }
0xbc: {  	s0 =	sor.u32 s1, s0  }
0xbd: {  	s0 =	sadd.s32 $0x8F2B, s0  }
0xbe: {  	[sflag:s0] =	ssyncadd.remote.s32 $0x1  }
0xbf: {  	_ =	sfence.sel $0xFFFF  }
0xc0: {  	[dreg:$0x0] =	wrdreg $0xFFFFFFFF;
	(pc) =	sbr.abs _section_cstart, $3  }
0xc1: {  	[dreg:$0x1] =	wrdreg $0xFFFFFFFF  }
0xc2: {  	_ =	task.clear_ibuf [dreg:s6], $0x2FFFF;
	_ =	strace $0x9FFFFFFF  }
0xc3: {  	(tm) =	ssettm $0x7FFFFFFF  }
tec
execute0_lowered:
.L_overlay_start_1:
0x0: {  	(tag) =	ssettag $0x1  }
0x1: {  	s0 =	rddreg [dreg:$0x0]  }
0x2: {  	s2 =	rddreg [dreg:$0x1]  }
0x3: {  	s3 =	rddreg [dreg:$0x2]  }
0x4: {  	s4 =	stileid.u32;
	s5 =	srdreg.scid  }
0x5: {  	s6 =	simm.s32 $0x0;
	s18 =	simm.s32 $0x5;
	s20 =	simm.s32 $0x2780  }
0x6: {  	s21 =	simm.s32 $0x80;
	s30 =	simm.s32 $0x6700;
	s31 =	simm.s32 $0x3  }
0x7: {  	s28 =	simm.s32 $0x0;
	s1 =	smul.u32 $0x2800, s4;
	s5 =	sand.u32 $0x1, s5  }
0x8: {  	[smem:$0x7FF] =	sst s6;
	s13 =	sadd.s32 $0x1800, s0;
	s8 =	smul.u32 $0xA000, s4  }
0x9: {  	s14 =	sadd.s32 $0xB600, s0;
	s7 =	smul.u32 $0x28000, s5;
	_ =	strace $0x8000004D  }
0xa: {  	s24 =	sshll.u32 s5, $0x4;
	s5 =	ssub.s32 $0x2, s5;
	s22 =	sshrl.u32 s1, $0x3  }
0xb: {  	s17 =	sor.u32 s4, s24;
	s25 =	sshrl.u32 s5, $0x1;
	s8 =	sshrl.u32 s8, $0x2  }
0xc: {  	s24 =	simm.s32 $0x4;
	s10 =	sadd.s32 s22, s0;
	s23 =	sadd.s32 s1, s7  }
0xd: {  	s7 =	smul.u32 $0x4E, s17;
	s16 =	ssub.s32 s5, s25;
	s26 =	smin.u32 s17, $0x4  }
0xe: {  	s9 =	sadd.s32 s8, s2;
	s5 =	sadd.s32 s1, s2;
	s1 =	sadd.s32 s1, s3  }
0xf: {  	p0 =	sgt.u32 s17, $0x3;
	s17 =	simm.s32 $0x4F00;
	s22 =	simm.s32 $0x5700  }
0x10: {  	s25 =	simm.s32 $0x5F00;
	s6 =	sshrl.u32 s23, $0x3;
	s29 =	sadd.s32 $0x800, s9  }
0x11: {  	s8 =	sadd.s32 $0x1800, s9;
	s10 =	sadd.s32 $0x15400, s10;
	s16 =	smax.u32 s16, $0x1  }
0x12: {  	s19 =	sshrl.u32 s1, $0x3;
	s23 =	simm.s32 $0x1;
	s0 =	sadd.s32 s6, s0  }
0x13: {  	s11 =	sadd.s32 s26, s7;
	[dreg:$0x4] =	wrdreg s29;
	s7 =	sadd.s32 $0x1000, s9  }
0x14: {  	s9 =	sadd.s32 $0x2000, s9;
	s26 =	simm.s32 $0x2;
	s15 =	sshll.u32 s11, $0x4  }
0x15: {  	s11 =	sadd.s32 s13, s15;
	s12 =	sadd.s32 s14, s15;
	s15 =	sadd.s32 $0x4E0, s15  }
0x16: {  	v0 =	vimm.f32 $0.0e+00;
	s13 =	sadd.s32 s13, s15;
	s14 =	sadd.s32 s14, s15;
	s15 =	sadd.s32 $0x1A400, s0  }
.LBB2_1:
0x17: {  	s0 =	simm.s32 $0x40;
	s1 =	simm.s32 $0x0  }
.LBB2_2:
0x18: {  	p1 =	sne.s32 s0, $0x1FC0;
	[tilespmem:s1+$0x4F00] =	vst v0;
	s1 =	smov.u32 s0;
	s0 =	sadd.s32 $0x40, s0  }
.Ltmp0:
0x19: {  	(pc) =	sbr.rel @p1 .LBB2_2-.Ltmp0, $2  }
0x1a: {  	_ =	sdelay $0x2  }
0x1b: {  	s1 =	sshra.s32 s1, $0x2  }
0x1c: {  	[tilespmem:s1+$0x4F00] =	vst v0  }
0x1d: {  	[spmem:s5] =	stream.linear.scatter [tilespmem:s17], [sflag:$0x5], $0x800, $0x38;
	[tilespmem:$0xBF00] =	vst v63  }
0x1e: {  	_ =	swait.ge [sflag:s18], $0x800  }
0x1f: {  	[sflag:s18] =	ssyncset.done $0x0  }
0x20: {  	s0 =	rddreg [dreg:$0x4];
	[sflag:s18] =	ssyncadd.s32 $0xFFFFF800  }
0x21: {  	[spmem:s0] =	stream.linear.scatter [tilespmem:s17], [sflag:$0x5], $0x800, $0x38;
	[tilespmem:$0xBF00] =	vst v63  }
0x22: {  	_ =	swait.ge [sflag:s18], $0x800  }
0x23: {  	[sflag:s18] =	ssyncset.done $0x0  }
0x24: {  	[sflag:s18] =	ssyncadd.s32 $0xFFFFF800  }
0x25: {  	[spmem:s7] =	stream.linear.scatter [tilespmem:s17], [sflag:$0x5], $0x800, $0x38;
	[tilespmem:$0xBF00] =	vst v63  }
0x26: {  	_ =	swait.ge [sflag:s18], $0x800  }
0x27: {  	[sflag:s18] =	ssyncset.done $0x0  }
0x28: {  	[sflag:s18] =	ssyncadd.s32 $0xFFFFF800  }
0x29: {  	[spmem:s8] =	stream.linear.scatter [tilespmem:s17], [sflag:$0x5], $0x800, $0x38;
	[tilespmem:$0xBF00] =	vst v63  }
0x2a: {  	_ =	swait.ge [sflag:s18], $0x800  }
0x2b: {  	[sflag:s18] =	ssyncset.done $0x0  }
0x2c: {  	[sflag:s18] =	ssyncadd.s32 $0xFFFFF800  }
0x2d: {  	[spmem:s9] =	stream.linear.scatter [tilespmem:s17], [sflag:$0x5], $0x800, $0x38;
	[tilespmem:$0xBF00] =	vst v63  }
0x2e: {  	s1 =	stileid.u32;
	_ =	swait.ge [sflag:s18], $0x800  }
0x2f: {  	s0 =	sshll.u32 s1, $0x6;
	[sflag:s18] =	ssyncset.done $0x0  }
0x30: {  	s29 =	sor.u32 $0x1C05, s0;
	[sflag:s18] =	ssyncadd.s32 $0xFFFFF800  }
0x31: {  	[spmem:s19], [sflag:s29] =	dma.local [hbm:s10], $0x500  }
0x32: {  	_ =	swait.ge [sflag:s18], $0x500  }
0x33: {  	[sflag:s18] =	ssyncset.done $0x0  }
0x34: {  	s4 =	simm.s32 $0x0;
	[sflag:s18] =	ssyncadd.s32 $0xFFFFFB00  }
0x35: {  	[tilespmem:s4], [sflag:$0x5] =	stream.linear.gather [hbm4b:s11+s4], $0x2700, $0x38;
	[tilespmem:$0xBF00] =	vst v63  }
0x36: {  	_ =	swait.ge [sflag:s18], $0x2700  }
0x37: {  	[sflag:s18] =	ssyncset.done $0x0  }
0x38: {  	[sflag:s18] =	ssyncadd.s32 $0xFFFFD900  }
0x39: {  	[tilespmem:s20], [sflag:$0x5] =	stream.linear.gather [hbm4b:s12+s4], $0x2700, $0x38;
	[tilespmem:$0xBF00] =	vst v63  }
0x3a: {  	_ =	swait.ge [sflag:s18], $0x2700  }
0x3b: {  	[sflag:s18] =	ssyncset.done $0x0  }
0x3c: {  	s1 =	simm.s32 @!p0 $0x2700;
	s0 =	simm.s32 @!p0 $0x0;
	[sflag:s18] =	ssyncadd.s32 $0xFFFFD900  }
0x3d: {  	[tilespmem:s1], [sflag:$0x5] =	stream.linear.gather @!p0 [hbm4b:s13+s0], $0x80, $0x38;
	[tilespmem:$0xBF00] =	vst v63  }
0x3e: {  	s1 =	simm.s32 @!p0 $0x5  }
0x3f: {  	_ =	swait.ge @!p0 [sflag:s1], $0x80  }
0x40: {  	[sflag:s1] =	ssyncset.done @!p0 $0x0  }
0x41: {  	s4 =	simm.s32 @!p0 $0x4E80;
	[sflag:s1] =	ssyncadd.s32 @!p0 $0xFFFFFF80  }
0x42: {  	[tilespmem:s4], [sflag:$0x5] =	stream.linear.gather @!p0 [hbm4b:s14+s0], $0x80, $0x38;
	[tilespmem:$0xBF00] =	vst v63  }
0x43: {  	_ =	swait.ge @!p0 [sflag:s1], $0x80  }
0x44: {  	[sflag:s1] =	ssyncset.done @!p0 $0x0  }
0x45: {  	[sflag:s1] =	ssyncadd.s32 @!p0 $0xFFFFFF80  }
0x46: {  	s6 =	simm.s32 $0x0;
	[bflag:$0x0] =	sbarrier.arrive $0xFFFF  }
0x47: {  	[tilespmem:s17], [sflag:$0x1] =	stream.indirect.gather [spmem:s3], $0x10, s6, s21, $0xb8;
	[tilespmem:$0xBF00] =	vst v63  }
0x48: {  	_ = 	snop  }
0x49: {  	[tilespmem:s22], [sflag:$0x2] =	stream.indirect.gather [spmem:s3], $0x10, s21, s21, $0xb8;
	[tilespmem:$0xBF00] =	vst v63  }
0x4a: {  	_ =	swait.ge [sflag:s23], $0x800  }
0x4b: {  	[sflag:s23] =	ssyncset.done $0x0  }
0x4c: {  	[sflag:s23] =	ssyncadd.s32 $0xFFFFF800  }
0x4d: {  	[spmem:s2] =	stream.indirect.scatter.add.f32 [tilespmem:s17], [sflag:$0x1], $0x10, s20, s21, $0xb8;
	[tilespmem:$0xBF00] =	vst v63  }
0x4e: {  	s1 =	simm.s32 $0x100  }
0x4f: {  	[tilespmem:s25], [sflag:$0x3] =	stream.indirect.gather [spmem:s3], $0x10, s1, s21, $0xb8;
	[tilespmem:$0xBF00] =	vst v63  }
0x50: {  	_ =	swait.ge [sflag:s26], $0x800  }
0x51: {  	[sflag:s26] =	ssyncset.done $0x0  }
0x52: {  	s4 =	simm.s32 $0x2800;
	[sflag:s26] =	ssyncadd.s32 $0xFFFFF800  }
0x53: {  	[spmem:s2] =	stream.indirect.scatter.add.f32 [tilespmem:s22], [sflag:$0x2], $0x10, s4, s21, $0xb8;
	[tilespmem:$0xBF00] =	vst v63  }
0x54: {  	s6 =	simm.s32 $0x180  }
0x55: {  	[tilespmem:s30], [sflag:$0x4] =	stream.indirect.gather [spmem:s3], $0x10, s6, s21, $0xb8;
	[tilespmem:$0xBF00] =	vst v63  }
0x56: {  	_ =	swait.ge [sflag:s31], $0x800  }
0x57: {  	[sflag:s31] =	ssyncset.done $0x0  }
0x58: {  	s1 =	simm.s32 $0x2880;
	[sflag:s31] =	ssyncadd.s32 $0xFFFFF800  }
0x59: {  	[spmem:s2] =	stream.indirect.scatter.add.f32 [tilespmem:s25], [sflag:$0x3], $0x10, s1, s21, $0xb8;
	[tilespmem:$0xBF00] =	vst v63  }
0x5a: {  	_ =	swait.ge [sflag:s23], $0x800  }
0x5b: {  	[sflag:s23] =	ssyncset.done $0x0  }
0x5c: {  	s4 =	simm.s32 $0x200;
	[sflag:s23] =	ssyncadd.s32 $0xFFFFF800  }
0x5d: {  	[tilespmem:s17], [sflag:$0x1] =	stream.indirect.gather [spmem:s3], $0x10, s4, s21, $0xb8;
	[tilespmem:$0xBF00] =	vst v63  }
0x5e: {  	_ =	swait.ge [sflag:s24], $0x800  }
0x5f: {  	[sflag:s24] =	ssyncset.done $0x0  }
0x60: {  	s6 =	simm.s32 $0x2900;
	[sflag:s24] =	ssyncadd.s32 $0xFFFFF800  }
0x61: {  	[spmem:s2] =	stream.indirect.scatter.add.f32 [tilespmem:s30], [sflag:$0x4], $0x10, s6, s21, $0xb8;
	[tilespmem:$0xBF00] =	vst v63  }
0x62: {  	_ =	swait.ge [sflag:s26], $0x800  }
0x63: {  	[sflag:s26] =	ssyncset.done $0x0  }
0x64: {  	s1 =	simm.s32 $0x280;
	[sflag:s26] =	ssyncadd.s32 $0xFFFFF800  }
0x65: {  	[tilespmem:s22], [sflag:$0x2] =	stream.indirect.gather [spmem:s3], $0x10, s1, s21, $0xb8;
	[tilespmem:$0xBF00] =	vst v63  }
0x66: {  	_ =	swait.ge [sflag:s23], $0x800  }
0x67: {  	[sflag:s23] =	ssyncset.done $0x0  }
0x68: {  	s4 =	simm.s32 $0x2980;
	[sflag:s23] =	ssyncadd.s32 $0xFFFFF800  }
0x69: {  	[spmem:s2] =	stream.indirect.scatter.add.f32 [tilespmem:s17], [sflag:$0x1], $0x10, s4, s21, $0xb8;
	[tilespmem:$0xBF00] =	vst v63  }
0x6a: {  	_ =	swait.ge [sflag:s31], $0x800  }
0x6b: {  	[sflag:s31] =	ssyncset.done $0x0  }
0x6c: {  	s6 =	simm.s32 $0x300;
	[sflag:s31] =	ssyncadd.s32 $0xFFFFF800  }
0x6d: {  	[tilespmem:s25], [sflag:$0x3] =	stream.indirect.gather [spmem:s3], $0x10, s6, s21, $0xb8;
	[tilespmem:$0xBF00] =	vst v63  }
0x6e: {  	_ =	swait.ge [sflag:s26], $0x800  }
0x6f: {  	[sflag:s26] =	ssyncset.done $0x0  }
0x70: {  	s1 =	simm.s32 $0x2A00;
	[sflag:s26] =	ssyncadd.s32 $0xFFFFF800  }
0x71: {  	[spmem:s2] =	stream.indirect.scatter.add.f32 [tilespmem:s22], [sflag:$0x2], $0x10, s1, s21, $0xb8;
	[tilespmem:$0xBF00] =	vst v63  }
0x72: {  	_ =	swait.ge [sflag:s24], $0x800  }
0x73: {  	[sflag:s24] =	ssyncset.done $0x0  }
0x74: {  	s4 =	simm.s32 $0x380;
	[sflag:s24] =	ssyncadd.s32 $0xFFFFF800  }
0x75: {  	[tilespmem:s30], [sflag:$0x4] =	stream.indirect.gather [spmem:s3], $0x10, s4, s21, $0xb8;
	[tilespmem:$0xBF00] =	vst v63  }
0x76: {  	_ =	swait.ge [sflag:s31], $0x800  }
0x77: {  	[sflag:s31] =	ssyncset.done $0x0  }
0x78: {  	s6 =	simm.s32 $0x2A80;
	[sflag:s31] =	ssyncadd.s32 $0xFFFFF800  }
0x79: {  	[spmem:s2] =	stream.indirect.scatter.add.f32 [tilespmem:s25], [sflag:$0x3], $0x10, s6, s21, $0xb8;
	[tilespmem:$0xBF00] =	vst v63  }
0x7a: {  	_ =	swait.ge [sflag:s23], $0x800  }
0x7b: {  	[sflag:s23] =	ssyncset.done $0x0  }
0x7c: {  	s1 =	simm.s32 $0x400;
	[sflag:s23] =	ssyncadd.s32 $0xFFFFF800  }
0x7d: {  	[tilespmem:s17], [sflag:$0x1] =	stream.indirect.gather [spmem:s3], $0x10, s1, s21, $0xb8;
	[tilespmem:$0xBF00] =	vst v63  }
0x7e: {  	_ =	swait.ge [sflag:s24], $0x800  }
0x7f: {  	[sflag:s24] =	ssyncset.done $0x0  }
0x80: {  	s4 =	simm.s32 $0x2B00;
	[sflag:s24] =	ssyncadd.s32 $0xFFFFF800  }
0x81: {  	[spmem:s2] =	stream.indirect.scatter.add.f32 [tilespmem:s30], [sflag:$0x4], $0x10, s4, s21, $0xb8;
	[tilespmem:$0xBF00] =	vst v63  }
0x82: {  	_ =	swait.ge [sflag:s26], $0x800  }
0x83: {  	[sflag:s26] =	ssyncset.done $0x0  }
0x84: {  	s6 =	simm.s32 $0x480;
	[sflag:s26] =	ssyncadd.s32 $0xFFFFF800  }
0x85: {  	[tilespmem:s22], [sflag:$0x2] =	stream.indirect.gather [spmem:s3], $0x10, s6, s21, $0xb8;
	[tilespmem:$0xBF00] =	vst v63  }
0x86: {  	_ =	swait.ge [sflag:s23], $0x800  }
0x87: {  	[sflag:s23] =	ssyncset.done $0x0  }
0x88: {  	s0 =	simm.s32 $0x2B80;
	s1 =	simm.s32 $0x800;
	[sflag:s23] =	ssyncadd.s32 $0xFFFFF800  }
.LBB2_4:
0x89: {  	[spmem:s2] =	stream.indirect.scatter.add.f32 [tilespmem:s17], [sflag:$0x1], $0x10, s0, s21, $0xb8;
	[tilespmem:$0xBF00] =	vst v63  }
0x8a: {  	s0 =	smov.u32 s1  }
0x8b: {  	p1 =	sne.s32 s1, $0x8800;
	s1 =	sadd.s32 $0x800, s1;
	_ =	swait.ge [sflag:s31], $0x800  }
0x8c: {  	s0 =	sshra.s32 s0, $0x2;
	[sflag:s31] =	ssyncset.done $0x0  }
0x8d: {  	s4 =	sadd.s32 $0x300, s0;
	[sflag:s31] =	ssyncadd.s32 $0xFFFFF800  }
0x8e: {  	[tilespmem:s25], [sflag:$0x3] =	stream.indirect.gather [spmem:s3], $0x10, s4, s21, $0xb8;
	[tilespmem:$0xBF00] =	vst v63  }
0x8f: {  	_ =	swait.ge [sflag:s26], $0x800  }
0x90: {  	[sflag:s26] =	ssyncset.done $0x0  }
0x91: {  	s4 =	sadd.s32 $0x2A00, s0;
	[sflag:s26] =	ssyncadd.s32 $0xFFFFF800  }
0x92: {  	[spmem:s2] =	stream.indirect.scatter.add.f32 [tilespmem:s22], [sflag:$0x2], $0x10, s4, s21, $0xb8;
	[tilespmem:$0xBF00] =	vst v63  }
0x93: {  	_ =	swait.ge [sflag:s24], $0x800  }
0x94: {  	[sflag:s24] =	ssyncset.done $0x0  }
0x95: {  	s4 =	sadd.s32 $0x380, s0;
	[sflag:s24] =	ssyncadd.s32 $0xFFFFF800  }
0x96: {  	[tilespmem:s30], [sflag:$0x4] =	stream.indirect.gather [spmem:s3], $0x10, s4, s21, $0xb8;
	[tilespmem:$0xBF00] =	vst v63  }
0x97: {  	_ =	swait.ge [sflag:s31], $0x800  }
0x98: {  	[sflag:s31] =	ssyncset.done $0x0  }
0x99: {  	s4 =	sadd.s32 $0x2A80, s0;
	[sflag:s31] =	ssyncadd.s32 $0xFFFFF800  }
0x9a: {  	[spmem:s2] =	stream.indirect.scatter.add.f32 [tilespmem:s25], [sflag:$0x3], $0x10, s4, s21, $0xb8;
	[tilespmem:$0xBF00] =	vst v63  }
0x9b: {  	_ =	swait.ge [sflag:s23], $0x800  }
0x9c: {  	[sflag:s23] =	ssyncset.done $0x0  }
0x9d: {  	s4 =	sadd.s32 $0x400, s0;
	[sflag:s23] =	ssyncadd.s32 $0xFFFFF800  }
0x9e: {  	[tilespmem:s17], [sflag:$0x1] =	stream.indirect.gather [spmem:s3], $0x10, s4, s21, $0xb8;
	[tilespmem:$0xBF00] =	vst v63  }
0x9f: {  	_ =	swait.ge [sflag:s24], $0x800  }
0xa0: {  	[sflag:s24] =	ssyncset.done $0x0  }
0xa1: {  	s4 =	sadd.s32 $0x2B00, s0;
	[sflag:s24] =	ssyncadd.s32 $0xFFFFF800  }
0xa2: {  	[spmem:s2] =	stream.indirect.scatter.add.f32 [tilespmem:s30], [sflag:$0x4], $0x10, s4, s21, $0xb8;
	[tilespmem:$0xBF00] =	vst v63  }
0xa3: {  	_ =	swait.ge [sflag:s26], $0x800  }
0xa4: {  	[sflag:s26] =	ssyncset.done $0x0  }
.Ltmp1:
0xa5: {  	s4 =	sadd.s32 $0x480, s0;
	[sflag:s26] =	ssyncadd.s32 $0xFFFFF800;
	(pc) =	sbr.rel @p1 .LBB2_4-.Ltmp1, $4  }
0xa6: {  	[tilespmem:s22], [sflag:$0x2] =	stream.indirect.gather [spmem:s3], $0x10, s4, s21, $0xb8;
	[tilespmem:$0xBF00] =	vst v63  }
0xa7: {  	_ =	swait.ge [sflag:s23], $0x800  }
0xa8: {  	[sflag:s23] =	ssyncset.done $0x0  }
0xa9: {  	s0 =	sadd.s32 $0x2B80, s0;
	[sflag:s23] =	ssyncadd.s32 $0xFFFFF800  }
0xaa: {  	[spmem:s2] =	stream.indirect.scatter.add.f32 [tilespmem:s17], [sflag:$0x1], $0x10, s0, s21, $0xb8;
	[tilespmem:$0xBF00] =	vst v63  }
0xab: {  	_ =	swait.ge [sflag:s26], $0x800  }
0xac: {  	[sflag:s26] =	ssyncset.done $0x0  }
0xad: {  	s4 =	simm.s32 $0x4E00;
	[sflag:s26] =	ssyncadd.s32 $0xFFFFF800  }
0xae: {  	[spmem:s2] =	stream.indirect.scatter.add.f32 [tilespmem:s22], [sflag:$0x2], $0x10, s4, s21, $0xb8;
	[tilespmem:$0xBF00] =	vst v63  }
0xaf: {  	_ =	swait.ge [sflag:s23], $0x800  }
0xb0: {  	[sflag:s23] =	ssyncset.done $0x0  }
0xb1: {  	[sflag:s23] =	ssyncadd.s32 $0xFFFFF800  }
0xb2: {  	_ =	swait.ge [sflag:s26], $0x800  }
0xb3: {  	[sflag:s26] =	ssyncset.done $0x0  }
0xb4: {  	[sflag:s26] =	ssyncadd.s32 $0xFFFFF800  }
0xb5: {  	_ =	swait.ge [sflag:s31], $0x800  }
0xb6: {  	[sflag:s31] =	ssyncset.done $0x0  }
0xb7: {  	[sflag:s31] =	ssyncadd.s32 $0xFFFFF800  }
0xb8: {  	_ =	swait.ge [sflag:s24], $0x800  }
0xb9: {  	s0 =	simm.s32 @!p0 $0x80;
	[sflag:s24] =	ssyncset.done $0x0  }
0xba: {  	s1 =	simm.s32 @!p0 $0x2700;
	s4 =	simm.s32 @!p0 $0x4F00;
	[sflag:s24] =	ssyncadd.s32 $0xFFFFF800  }
0xbb: {  	[tilespmem:s4], [sflag:$0x1] =	stream.indirect.gather @!p0 [spmem:s3], $0x10, s1, s0, $0xb8;
	[tilespmem:$0xBF00] =	vst v63  }
0xbc: {  	s1 =	simm.s32 @!p0 $0x1  }
0xbd: {  	_ =	swait.ge @!p0 [sflag:s1], $0x800  }
0xbe: {  	[sflag:s1] =	ssyncset.done @!p0 $0x0  }
0xbf: {  	s6 =	simm.s32 @!p0 $0x4E80;
	[sflag:s1] =	ssyncadd.s32 @!p0 $0xFFFFF800  }
0xc0: {  	[spmem:s2] =	stream.indirect.scatter.add.f32 @!p0 [tilespmem:s4], [sflag:$0x1], $0x10, s6, s0, $0xb8;
	[tilespmem:$0xBF00] =	vst v63  }
0xc1: {  	_ =	swait.ge @!p0 [sflag:s1], $0x800  }
0xc2: {  	s28 =	sadd.s32 $0x1, s28;
	[sflag:s1] =	ssyncset.done @!p0 $0x0  }
0xc3: {  	p1 =	sne.s32 s28, s16;
	[sflag:s1] =	ssyncadd.s32 @!p0 $0xFFFFF800  }
.Ltmp2:
0xc4: {  	s6 =	sshrl.u32 s5, $0x3;
	[bflag:$0x0] =	sbarrier.arrive $0xFFFF;
	(pc) =	sbr.rel @p1 .LBB2_1-.Ltmp2, $4  }
0xc5: {  	[hbm:s15], [sflag:s29] =	dma.local [spmem:s6], $0x500  }
0xc6: {  	_ =	swait.ge [sflag:s18], $0x500  }
0xc7: {  	[sflag:s18] =	ssyncset.done $0x0  }
0xc8: {  	[sflag:s18] =	ssyncadd.s32 $0xFFFFFB00  }
0xc9: {  	_ =	sfence.sel $0x180000  }
0xca: {  	[bflag:$0x0] =	sbarrier.arrive $0xFFFF  }
0xcb: {  	_ =	strace $0x9000004D  }
0xcc: {  	s0 =	stileid.u32;
	[bflag:$0x2] =	sbarrier.arrive $0xFFFF  }
0xcd: {  	p0 =	sne.s32 s0, $0x0;
	s0 =	rddreg [dreg:$0x3]  }
0xce: {  	s0 =	sadd.s32 @!p0 $0x100000, s0  }
0xcf: {  	[sflag:s0] =	ssyncadd.tile.s32 @!p0 $0x1;
	_ =	shalt  }
.Lfunc_end2:
_tile_overlayer_lowered:
.L_overlay_start_2:
0xd0: {  	(tag) =	ssettag $0x2  }
0xd1: {  	s0 =	rddreg [dreg:$0x0];
	s2 =	stileid.u32  }
0xd2: {  	s1 =	rddreg [dreg:$0x1];
	p0 =	sne.s32 s2, $0x0  }
0xd3: {  	s3 =	rddreg [dreg:$0x2];
	[bflag:$0x3] =	sbarrier.arrive $0xFFFF;
	s2 =	simm.s32 @!p0 $0x1C05  }
0xd4: {  	[timem:s3], [sflag:s2] =	dma.local @!p0 [hbm:s0], s1  }
0xd5: {  	s0 =	simm.s32 @!p0 $0x5  }
0xd6: {  	_ =	swait.ge @!p0 [sflag:s0], s1  }
0xd7: {  	s1 =	ssub.s32 @!p0 $0x0, s1;
	[sflag:s0] =	ssyncset.done @!p0 $0x0  }
0xd8: {  	[sflag:s0] =	ssyncadd.s32 @!p0 s1  }
0xd9: {  	[bflag:$0x3] =	sbarrier.arrive $0xFFFF  }
0xda: {  	_ =	shalt  }

// kernel: kernel.9.cloned.1.call-start
scs
__scs_entry_jumppad:
0x0: {  	(pc) =	sbr.rel $0x88, $3  }
0x1: {  	(tag) =	ssettag $0x0;
	lr =	simm.s32 $0x1  }
0x2: {  	[smem:$0x3F99] =	sst lr;
	_ =	strace $0xD0000000  }
0x3: {  	_ = 	snop  }
0x4: {  	_ = 	snop  }
0x5: {  	_ = 	snop  }
0x6: {  	_ = 	snop  }
0x7: {  	_ = 	snop  }
__scs_overlays_trampoline_lowered:
0x8: {  	[smem:$0x3FA8] =	sst s0  }
0x9: {  	[smem:$0x3FA9] =	sst s1  }
0xa: {  	[smem:$0x3FAA] =	sst s2  }
0xb: {  	[smem:$0x3FAB] =	sst s3  }
0xc: {  	[smem:$0x3FAC] =	sst s4  }
0xd: {  	[smem:$0x3FAD] =	sst s5  }
0xe: {  	[smem:$0x3FAE] =	sst s6  }
0xf: {  	[smem:$0x3FAF] =	sst s7  }
0x10: {  	[smem:$0x3FB0] =	sst s8  }
0x11: {  	[smem:$0x3FB1] =	sst s9;
	s0 =	simm.s32 @!p0 $0x0  }
0x12: {  	s1 =	sld [smem:$0x3F97];
	s0 =	simm.s32 @p0 $0x1  }
0x13: {  	[smem:$0x3FB2] =	sst s0;
	s0 =	simm.s32 @!p1 $0x0  }
0x14: {  	s2 =	sld [smem:$0x3F96];
	s0 =	simm.s32 @p1 $0x1  }
0x15: {  	[smem:$0x3FB3] =	sst s0;
	s0 =	simm.s32 @!p2 $0x0  }
0x16: {  	s3 =	sld [smem:$0x3FDB];
	s0 =	simm.s32 @p2 $0x1  }
0x17: {  	s4 =	simm.s32 $0x1BF5;
	[smem:$0x3FB5] =	sst s0  }
0x18: {  	s0 =	sld [smem:$0x3F98];
	_ =	swait.ge [sflag:s4], $0x0  }
0x19: {  	s7 =	sld [smem:$0x3F99]  }
0x1a: {  	s8 =	sadd.s32 $0xFFFFE003, lr  }
0x1b: {  	s9 =	sadd.s32 $0xFFFFFEF7, lr;
	s5 =	simm.s32 $0xFFFFFFFF;
	p2 =	slt.u32 s8, $0xFFFFF086  }
0x1c: {  	p1 =	slt.u32 s9, $0xF7A;
	s5 =	simm.s32 @!p2 $0x0  }
0x1d: {  	s5 =	simm.s32 @p1 $0x1;
	p0 =	seq.s32 s7, s2  }
0x1e: {  	s7 =	smul.u32 @!p0 $0xF7A, s2;
	p2 =	seq.s32 @!p0 s5, $0x0  }
0x1f: {  	s9 =	smul.u32 $0xF7A, s1;
	s8 =	simm.s32 @!p0 $0x1BF5;
	p2 =	por !p2, p0  }
0x20: {  	[sflag:s8] =	ssyncset.s32 @!p0 $0xFFFFF086;
	s6 =	sadd.s32 @!p0 s3, s7;
	s7 =	simm.s32 @!p0 $0x108  }
0x21: {  	s3 =	sadd.s32 s3, s9;
	s6 =	sadd.s32 @!p0 $0x88, s6;
	s7 =	simm.s32 @p2 $0x1082  }
0x22: {  	[simem:s7], [sflag:s8] =	dma.local @!p0 [hbm:s6], $0xF7A  }
0x23: {  	s9 =	sor.u32 $0xD0000000, s2;
	s6 =	simm.s32 $0x108;
	_ =	swait.ge @!p0 [sflag:s8], $0x0  }
0x24: {  	s3 =	sadd.s32 $0x88, s3;
	s6 =	simm.s32 @!p1 $0x1082;
	[sflag:s4] =	ssyncset.s32 $0xFFFFF086  }
0x25: {  	[simem:s6], [sflag:s4] =	dma.local [hbm:s3], $0xF7A  }
0x26: {  	[smem:$0x3F99] =	sst s1;
	(tag) =	ssettag s2;
	_ =	strace s9  }
0x27: {  	s1 =	sld [smem:$0x3FA9]  }
0x28: {  	s2 =	sld [smem:$0x3FAA]  }
0x29: {  	s4 =	sld [smem:$0x3FAC]  }
0x2a: {  	p0 =	seq.s32 s5, $0x0;
	s5 =	sld [smem:$0x3FAD]  }
0x2b: {  	s6 =	sld [smem:$0x3FAE]  }
0x2c: {  	s7 =	sld [smem:$0x3FAF]  }
0x2d: {  	s3 =	simm.s32 $0x108;
	s8 =	sld [smem:$0x3FB0]  }
0x2e: {  	s3 =	simm.s32 @!p0 $0x1082;
	s9 =	sld [smem:$0x3FB1]  }
0x2f: {  	lr =	sadd.s32 s0, s3;
	s0 =	sld [smem:$0x3FA8]  }
0x30: {  	s3 =	sld [smem:$0x3FAB]  }
0x31: {  	[smem:$0x3FB4] =	sst s10  }
0x32: {  	s10 =	sld [smem:$0x3FB2];
	_ =	sdelay $0x3  }
0x33: {  	p0 =	seq.s32 s10, $0x1;
	s10 =	sld [smem:$0x3FB4];
	_ =	sdelay $0x3  }
0x34: {  	[smem:$0x3FB4] =	sst s10  }
0x35: {  	s10 =	sld [smem:$0x3FB3];
	_ =	sdelay $0x3  }
0x36: {  	p1 =	seq.s32 s10, $0x1;
	s10 =	sld [smem:$0x3FB4];
	_ =	sdelay $0x3  }
0x37: {  	[smem:$0x3FB4] =	sst s10  }
0x38: {  	s10 =	sld [smem:$0x3FB5]  }
0x39: {  	_ = 	snop;
	(pc) =	sbr.ind lr, $3  }
0x3a: {  	_ = 	snop  }
0x3b: {  	_ = 	snop  }
0x3c: {  	p2 =	seq.s32 s10, $0x1;
	s10 =	sld [smem:$0x3FB4]  }
0x3d: {  	_ =	shalt  }
0x3e: {  	_ =	shalt  }
0x3f: {  	_ =	shalt  }
0x40: {  	_ =	shalt  }
0x41: {  	_ =	shalt  }
0x42: {  	_ =	shalt  }
0x43: {  	_ =	shalt  }
0x44: {  	_ =	shalt  }
0x45: {  	_ =	shalt  }
0x46: {  	_ =	shalt  }
0x47: {  	_ =	shalt  }
0x48: {  	_ =	shalt  }
0x49: {  	_ =	shalt  }
0x4a: {  	_ =	shalt  }
0x4b: {  	_ =	shalt  }
0x4c: {  	_ =	shalt  }
0x4d: {  	_ =	shalt  }
0x4e: {  	_ =	shalt  }
0x4f: {  	_ =	shalt  }
0x50: {  	_ =	shalt  }
0x51: {  	_ =	shalt  }
0x52: {  	_ =	shalt  }
0x53: {  	_ =	shalt  }
0x54: {  	_ =	shalt  }
0x55: {  	_ =	shalt  }
0x56: {  	_ =	shalt  }
0x57: {  	_ =	shalt  }
0x58: {  	_ =	shalt  }
0x59: {  	_ =	shalt  }
0x5a: {  	_ =	shalt  }
0x5b: {  	_ =	shalt  }
0x5c: {  	_ =	shalt  }
0x5d: {  	_ =	shalt  }
0x5e: {  	_ =	shalt  }
0x5f: {  	_ =	shalt  }
0x60: {  	_ =	shalt  }
0x61: {  	_ =	shalt  }
0x62: {  	_ =	shalt  }
0x63: {  	_ =	shalt  }
0x64: {  	_ =	shalt  }
0x65: {  	_ =	shalt  }
0x66: {  	_ =	shalt  }
0x67: {  	_ =	shalt  }
0x68: {  	_ =	shalt  }
0x69: {  	_ =	shalt  }
0x6a: {  	_ =	shalt  }
0x6b: {  	_ =	shalt  }
0x6c: {  	_ =	shalt  }
0x6d: {  	_ =	shalt  }
0x6e: {  	_ =	shalt  }
0x6f: {  	_ =	shalt  }
0x70: {  	_ =	shalt  }
0x71: {  	_ =	shalt  }
0x72: {  	_ =	shalt  }
0x73: {  	_ =	shalt  }
0x74: {  	_ =	shalt  }
0x75: {  	_ =	shalt  }
0x76: {  	_ =	shalt  }
0x77: {  	_ =	shalt  }
0x78: {  	_ =	shalt  }
0x79: {  	_ =	shalt  }
0x7a: {  	_ =	shalt  }
0x7b: {  	_ =	shalt  }
0x7c: {  	_ =	shalt  }
0x7d: {  	_ =	shalt  }
0x7e: {  	_ =	shalt  }
0x7f: {  	_ =	shalt  }
0x80: {  	_ =	shalt  }
0x81: {  	_ =	shalt  }
0x82: {  	_ =	shalt  }
0x83: {  	_ =	shalt  }
0x84: {  	_ =	shalt  }
0x85: {  	_ =	shalt  }
0x86: {  	_ =	shalt  }
0x87: {  	_ =	shalt  }
.Lfunc_end0:
.L_simem_size_0:
called_computation_lowered:
.L_overlay_start_0:
0x88: {  	s2 =	sld [smem:$0x3FD9]  }
0x89: {  	s3 =	sld [smem:$0x3FFE];
	_ =	sdelay $0x1  }
0x8a: {  	s1 =	srdreg.scid  }
0x8b: {  	s0 =	sand.u32 $0x1, s1  }
0x8c: {  	s16 =	sshll.u32 s0, $0xA;
	s2 =	sadd.s32 s3, s2  }
0x8d: {  	s2 =	sadd.s32 s2, s16  }
0x8e: {  	[smem:$0x3FC0] =	sst s2  }
0x8f: {  	_ = 	snop  }
0x90: {  	(tm) =	ssettm $0x1  }
0x91: {  	s17 =	sld [smem:$0x3FFB];
	_ =	sdelay $0x3  }
0x92: {  	_ =	strace s17  }
0x93: {  	s2 =	sld [smem:$0x3FFC];
	_ =	sdelay $0x3  }
0x94: {  	_ =	strace s2  }
0x95: {  	s2 =	sld [smem:$0x3FFD];
	_ =	sdelay $0x3  }
0x96: {  	_ =	strace s2  }
0x97: {  	_ =	strace $0x8FFFFFFF  }
0x98: {  	s18 =	sld [smem:$0x3FDB];
	_ =	sdelay $0x1  }
0x99: {  	s19 =	simm.s32 $_scs_section_size  }
0x9a: {  	s4 =	simm.s32 $_size__tile_overlayer_lowered;
	s5 =	simm.s32 $_tile_overlayer_lowered  }
0x9b: {  	s22 =	simm.s32 $0x1BFF;
	s21 =	sshll.u32 s5, $0x1;
	s2 =	sadd.s32 s19, s18  }
0x9c: {  	s6 =	simm.s32 $0x0;
	s20 =	sshll.u32 s4, $0x1;
	s4 =	sadd.s32 s21, s2  }
0x9d: {  	[timem:s6], [sflag:s22] =	dma.local [hbm:s4], s20  }
0x9e: {  	_ =	swait.ge [sflag:s22], s20  }
0x9f: {  	s3 =	ssub.s32 $0x0, s20;
	[sflag:s22] =	ssyncset.done $0x0  }
0xa0: {  	[sflag:s22] =	ssyncadd.s32 s3;
	_ =	sdelay $0x1  }
0xa1: {  	s23 =	simm.s32 $0x1B8B  }
0xa2: {  	_ =	swait.ge [sflag:s23], $0x1  }
0xa3: {  	[sflag:s23] =	ssyncset.done $0x0  }
0xa4: {  	s25 =	simm.s32 $0x1B8E;
	s24 =	sld [smem:$0x3FFE];
	[sflag:s23] =	ssyncadd.s32 $0xFFFFFFFF  }
0xa5: {  	s26 =	simm.s32 $execute0_lowered;
	[smem:$0x3FD2] =	sst s25  }
0xa6: {  	s4 =	sshll.u32 s26, $0x1;
	_ =	strace $0x80000046;
	[dreg:$0x1] =	wrdreg $0xFFFFFFFF  }
0xa7: {  	s28 =	simm.s32 $_size_execute0_lowered;
	s2 =	sadd.s32 s2, s4;
	[dreg:$0x0] =	wrdreg $0x0  }
0xa8: {  	s4 =	sshll.u32 s28, $0x1;
	[dreg:$0x2] =	wrdreg s2  }
0xa9: {  	[dreg:$0x3] =	wrdreg s4  }
0xaa: {  	[dreg:$0x4] =	wrdreg $0xC0  }
0xab: {  	_ =	task [dreg:s6], $0x5FFFF  }
0xac: {  	[dreg:$0x1] =	wrdreg $0xFFFFFFFF  }
0xad: {  	[dreg:$0x0] =	wrdreg $0x60  }
0xae: {  	[dreg:$0x2] =	wrdreg s24  }
0xaf: {  	[dreg:$0x3] =	wrdreg $0x2F800  }
0xb0: {  	[dreg:$0x4] =	wrdreg $0x9  }
0xb1: {  	_ =	task.clear_ibuf [dreg:s6], $0x5FFFF;
	_ =	strace $0x90000046  }
0xb2: {  	s29 =	simm.s32 $0x9;
	_ =	strace $0x80000048  }
0xb3: {  	_ =	swait.ge [sflag:s29], $0x1  }
0xb4: {  	[sflag:s29] =	ssyncadd.s32 $0xFFFFFFFF  }
0xb5: {  	_ =	strace $0x90000048  }
0xb6: {  	_ =	sfence  }
0xb7: {  	s30 =	sld [smem:$0x0];
	_ =	sdelay $0x2  }
0xb8: {  	s31 =	sshll.u32 s1, $0xD;
	s1 =	sshrl.u32 s1, $0x2  }
0xb9: {  	s3 =	sand.u32 $0x4000, s31;
	s1 =	sadd.s32 s1, s30  }
0xba: {  	s0 =	sor.u32 s3, s0;
	s1 =	sshll.u32 s1, $0x11  }
0xbb: {  	s0 =	sor.u32 s1, s0  }
0xbc: {  	s0 =	sadd.s32 $0x8F2B, s0  }
0xbd: {  	[sflag:s0] =	ssyncadd.remote.s32 $0x1  }
0xbe: {  	_ =	sfence.sel $0xFFFF  }
0xbf: {  	[dreg:$0x0] =	wrdreg $0xFFFFFFFF;
	(pc) =	sbr.abs _section_cstart, $3  }
0xc0: {  	[dreg:$0x1] =	wrdreg $0xFFFFFFFF  }
0xc1: {  	_ =	task.clear_ibuf [dreg:s6], $0x2FFFF;
	_ =	strace $0x9FFFFFFF  }
0xc2: {  	(tm) =	ssettm $0x7FFFFFFF  }
0xc3: {  	_ =	shalt  }
tec
execute0_lowered:
.L_overlay_start_1:
0x0: {  	(tag) =	ssettag $0x1  }
0x1: {  	s5 =	rddreg [dreg:$0x0]  }
0x2: {  	s0 =	srdreg.scid;
	s2 =	rddreg [dreg:$0x1];
	s3 =	simm.s32 $0x0  }
0x3: {  	s13 =	simm.s32 $0x2780;
	s14 =	simm.s32 $0x2;
	s16 =	simm.s32 $0x100  }
0x4: {  	s17 =	simm.s32 $0x180;
	s4 =	sand.u32 $0x1, s0;
	s0 =	stileid.u32  }
0x5: {  	s18 =	simm.s32 $0x200;
	s19 =	simm.s32 $0x280;
	s7 =	smul.u32 $0x2800, s0  }
0x6: {  	s20 =	simm.s32 $0x1;
	s21 =	simm.s32 $0x0;
	s9 =	smul.u32 $0x28000, s4  }
0x7: {  	[smem:$0x7FF] =	sst s3;
	s1 =	sshll.u32 s4, $0x4;
	s26 =	smul.u32 $0xA000, s0  }
0x8: {  	s4 =	ssub.s32 $0x2, s4;
	s15 =	sor.u32 s0, s1;
	s1 =	rddreg [dreg:$0x2]  }
0x9: {  	_ =	strace $0x80000047;
	s29 =	sshrl.u32 s4, $0x1;
	s6 =	smul.u32 $0x4E, s15  }
0xa: {  	s8 =	smin.u32 s15, $0x4;
	s25 =	sadd.s32 s7, s9;
	s30 =	sshrl.u32 s26, $0x2  }
0xb: {  	s12 =	ssub.s32 s4, s29;
	s4 =	sadd.s32 s7, s2;
	p0 =	sgt.u32 s15, $0x3  }
0xc: {  	s15 =	simm.s32 $0x80;
	s28 =	sshrl.u32 s25, $0x3;
	s31 =	sadd.s32 s30, s2  }
0xd: {  	s12 =	smax.u32 s12, $0x1;
	s6 =	sadd.s32 s8, s6;
	s11 =	sadd.s32 s28, s5  }
0xe: {  	s7 =	sadd.s32 $0x1800, s31;
	s8 =	sadd.s32 $0x2000, s31;
	s6 =	sshll.u32 s6, $0x4  }
0xf: {  	s11 =	sadd.s32 $0x15400, s11;
	s10 =	sadd.s32 s6, s5;
	s5 =	sadd.s32 $0x800, s31  }
0x10: {  	v0 =	vimm.f32 $0.0e+00;
	v1 =	vimm.f32 $1.000000000e+00;
	s6 =	sadd.s32 $0x1000, s31;
	s9 =	sadd.s32 $0xB600, s10;
	s10 =	sadd.s32 $0xBAE0, s10  }
.LBB2_1:
0x11: {  	s22 =	simm.s32 $0x40;
	s23 =	simm.s32 $0x0  }
.LBB2_2:
0x12: {  	p1 =	sne.s32 s22, $0x1FC0;
	[tilespmem:s23+$0x2780] =	vst v0;
	s23 =	smov.u32 s22;
	s22 =	sadd.s32 $0x40, s22  }
.Ltmp0:
0x13: {  	(pc) =	sbr.rel @p1 .LBB2_2-.Ltmp0, $2  }
0x14: {  	_ =	sdelay $0x2  }
0x15: {  	s23 =	sshra.s32 s23, $0x2  }
0x16: {  	[tilespmem:s23+$0x2780] =	vst v0  }
0x17: {  	[spmem:s4] =	stream.linear.scatter [tilespmem:s13], [sflag:$0x2], $0x800, $0x38;
	[tilespmem:$0x5780] =	vst v63  }
0x18: {  	_ =	swait.ge [sflag:s14], $0x800  }
0x19: {  	[sflag:s14] =	ssyncset.done $0x0  }
0x1a: {  	[sflag:s14] =	ssyncadd.s32 $0xFFFFF800  }
0x1b: {  	[spmem:s5] =	stream.linear.scatter [tilespmem:s13], [sflag:$0x2], $0x800, $0x38;
	[tilespmem:$0x5780] =	vst v63  }
0x1c: {  	_ =	swait.ge [sflag:s14], $0x800  }
0x1d: {  	[sflag:s14] =	ssyncset.done $0x0  }
0x1e: {  	[sflag:s14] =	ssyncadd.s32 $0xFFFFF800  }
0x1f: {  	[spmem:s6] =	stream.linear.scatter [tilespmem:s13], [sflag:$0x2], $0x800, $0x38;
	[tilespmem:$0x5780] =	vst v63  }
0x20: {  	_ =	swait.ge [sflag:s14], $0x800  }
0x21: {  	[sflag:s14] =	ssyncset.done $0x0  }
0x22: {  	[sflag:s14] =	ssyncadd.s32 $0xFFFFF800  }
0x23: {  	[spmem:s7] =	stream.linear.scatter [tilespmem:s13], [sflag:$0x2], $0x800, $0x38;
	[tilespmem:$0x5780] =	vst v63  }
0x24: {  	_ =	swait.ge [sflag:s14], $0x800  }
0x25: {  	[sflag:s14] =	ssyncset.done $0x0  }
0x26: {  	[sflag:s14] =	ssyncadd.s32 $0xFFFFF800  }
0x27: {  	[spmem:s8] =	stream.linear.scatter [tilespmem:s13], [sflag:$0x2], $0x800, $0x38;
	[tilespmem:$0x5780] =	vst v63  }
0x28: {  	_ =	swait.ge [sflag:s14], $0x800  }
0x29: {  	[sflag:s14] =	ssyncset.done $0x0  }
0x2a: {  	s22 =	simm.s32 $0x40;
	s23 =	simm.s32 $0x0;
	[sflag:s14] =	ssyncadd.s32 $0xFFFFF800  }
.LBB2_4:
0x2b: {  	p1 =	sne.s32 s22, $0x1FC0;
	[tilespmem:s23+$0x2780] =	vst v1;
	s23 =	smov.u32 s22;
	s22 =	sadd.s32 $0x40, s22  }
.Ltmp1:
0x2c: {  	(pc) =	sbr.rel @p1 .LBB2_4-.Ltmp1, $2  }
0x2d: {  	_ =	sdelay $0x2  }
0x2e: {  	s23 =	sshra.s32 s23, $0x2  }
0x2f: {  	[tilespmem:s23+$0x2780] =	vst v1  }
0x30: {  	[tilespmem:s3], [sflag:$0x2] =	stream.linear.gather [hbm4b:s9+s3], $0x2700, $0x38;
	[tilespmem:$0x5780] =	vst v63  }
0x31: {  	_ =	swait.ge [sflag:s14], $0x2700  }
0x32: {  	[sflag:s14] =	ssyncset.done $0x0  }
0x33: {  	s22 =	simm.s32 @!p0 $0x0;
	s23 =	simm.s32 @!p0 $0x2700;
	[sflag:s14] =	ssyncadd.s32 $0xFFFFD900  }
0x34: {  	[tilespmem:s23], [sflag:$0x2] =	stream.linear.gather @!p0 [hbm4b:s10+s22], $0x80, $0x38;
	[tilespmem:$0x5780] =	vst v63  }
0x35: {  	s22 =	simm.s32 @!p0 $0x2  }
0x36: {  	_ =	swait.ge @!p0 [sflag:s22], $0x80  }
0x37: {  	[sflag:s22] =	ssyncset.done @!p0 $0x0  }
0x38: {  	[sflag:s22] =	ssyncadd.s32 @!p0 $0xFFFFFF80  }
0x39: {  	[bflag:$0x0] =	sbarrier.arrive $0xFFFF  }
0x3a: {  	[spmem:s2] =	stream.indirect.scatter.add.f32 [tilespmem:s13], [sflag:$0x1], $0x10, s3, s15, $0xb8;
	[tilespmem:$0x5780] =	vst v63  }
0x3b: {  	_ = 	snop  }
0x3c: {  	[spmem:s2] =	stream.indirect.scatter.add.f32 [tilespmem:s13], [sflag:$0x1], $0x10, s15, s15, $0xb8;
	[tilespmem:$0x5780] =	vst v63  }
0x3d: {  	_ = 	snop  }
0x3e: {  	[spmem:s2] =	stream.indirect.scatter.add.f32 [tilespmem:s13], [sflag:$0x1], $0x10, s16, s15, $0xb8;
	[tilespmem:$0x5780] =	vst v63  }
0x3f: {  	_ = 	snop  }
0x40: {  	[spmem:s2] =	stream.indirect.scatter.add.f32 [tilespmem:s13], [sflag:$0x1], $0x10, s17, s15, $0xb8;
	[tilespmem:$0x5780] =	vst v63  }
0x41: {  	_ = 	snop  }
0x42: {  	[spmem:s2] =	stream.indirect.scatter.add.f32 [tilespmem:s13], [sflag:$0x1], $0x10, s18, s15, $0xb8;
	[tilespmem:$0x5780] =	vst v63  }
0x43: {  	_ = 	snop  }
0x44: {  	[spmem:s2] =	stream.indirect.scatter.add.f32 [tilespmem:s13], [sflag:$0x1], $0x10, s19, s15, $0xb8;
	[tilespmem:$0x5780] =	vst v63  }
0x45: {  	_ =	swait.ge [sflag:s20], $0x800  }
0x46: {  	[sflag:s20] =	ssyncset.done $0x0  }
0x47: {  	s23 =	simm.s32 $0x300;
	s22 =	simm.s32 $0xE00;
	[sflag:s20] =	ssyncadd.s32 $0xFFFFF800  }
.LBB2_6:
0x48: {  	[spmem:s2] =	stream.indirect.scatter.add.f32 [tilespmem:s13], [sflag:$0x1], $0x10, s23, s15, $0xb8;
	[tilespmem:$0x5780] =	vst v63  }
0x49: {  	s23 =	smov.u32 s22;
	p1 =	sne.s32 s22, $0x9A00  }
.Ltmp2:
0x4a: {  	s22 =	sadd.s32 $0x200, s22;
	(pc) =	sbr.rel @p1 .LBB2_6-.Ltmp2, $4  }
0x4b: {  	_ = 	snop  }
0x4c: {  	_ =	swait.ge [sflag:s20], $0x800  }
0x4d: {  	[sflag:s20] =	ssyncset.done $0x0  }
0x4e: {  	s23 =	sshra.s32 s23, $0x2;
	[sflag:s20] =	ssyncadd.s32 $0xFFFFF800  }
0x4f: {  	[spmem:s2] =	stream.indirect.scatter.add.f32 [tilespmem:s13], [sflag:$0x1], $0x10, s23, s15, $0xb8;
	[tilespmem:$0x5780] =	vst v63  }
0x50: {  	s22 =	simm.s32 @!p0 $0x80;
	s23 =	simm.s32 @!p0 $0x2700;
	s24 =	simm.s32 @!p0 $0x2780  }
0x51: {  	[spmem:s2] =	stream.indirect.scatter.add.f32 @!p0 [tilespmem:s24], [sflag:$0x1], $0x10, s23, s22, $0xb8;
	[tilespmem:$0x5780] =	vst v63  }
0x52: {  	_ =	swait.ge [sflag:s20], $0x800  }
0x53: {  	[sflag:s20] =	ssyncset.done $0x0  }
0x54: {  	[sflag:s20] =	ssyncadd.s32 $0xFFFFF800  }
0x55: {  	_ =	swait.ge [sflag:s20], $0x800  }
0x56: {  	[sflag:s20] =	ssyncset.done $0x0  }
0x57: {  	[sflag:s20] =	ssyncadd.s32 $0xFFFFF800  }
0x58: {  	_ =	swait.ge [sflag:s20], $0x800  }
0x59: {  	[sflag:s20] =	ssyncset.done $0x0  }
0x5a: {  	[sflag:s20] =	ssyncadd.s32 $0xFFFFF800  }
0x5b: {  	_ =	swait.ge [sflag:s20], $0x800  }
0x5c: {  	[sflag:s20] =	ssyncset.done $0x0  }
0x5d: {  	[sflag:s20] =	ssyncadd.s32 $0xFFFFF800  }
0x5e: {  	_ =	swait.ge [sflag:s20], $0x800  }
0x5f: {  	[sflag:s20] =	ssyncset.done $0x0  }
0x60: {  	[sflag:s20] =	ssyncadd.s32 $0xFFFFF800  }
0x61: {  	_ =	swait.ge [sflag:s20], $0x800  }
0x62: {  	[sflag:s20] =	ssyncset.done $0x0  }
0x63: {  	s22 =	simm.s32 @!p0 $0x1;
	[sflag:s20] =	ssyncadd.s32 $0xFFFFF800  }
0x64: {  	_ =	swait.ge @!p0 [sflag:s22], $0x800  }
0x65: {  	s30 =	sshll.u32 s0, $0x6;
	s21 =	sadd.s32 $0x1, s21;
	[sflag:s22] =	ssyncset.done @!p0 $0x0  }
0x66: {  	s31 =	sshrl.u32 s4, $0x3;
	p1 =	sne.s32 s21, s12;
	[sflag:s22] =	ssyncadd.s32 @!p0 $0xFFFFF800  }
.Ltmp3:
0x67: {  	s22 =	sor.u32 $0x1C02, s30;
	[bflag:$0x0] =	sbarrier.arrive $0xFFFF;
	(pc) =	sbr.rel @p1 .LBB2_1-.Ltmp3, $4  }
0x68: {  	[hbm:s11], [sflag:s22] =	dma.local [spmem:s31], $0x500  }
0x69: {  	_ =	swait.ge [sflag:s14], $0x500  }
0x6a: {  	[sflag:s14] =	ssyncset.done $0x0  }
0x6b: {  	[sflag:s14] =	ssyncadd.s32 $0xFFFFFB00  }
0x6c: {  	_ =	sfence.sel $0x180000  }
0x6d: {  	[bflag:$0x0] =	sbarrier.arrive $0xFFFF  }
0x6e: {  	p0 =	sne.s32 s0, $0x0;
	_ =	strace $0x90000047  }
0x6f: {  	s0 =	sadd.s32 @!p0 $0x100000, s1;
	[bflag:$0x2] =	sbarrier.arrive $0xFFFF  }
0x70: {  	[sflag:s0] =	ssyncadd.tile.s32 @!p0 $0x1;
	_ =	shalt  }
.Lfunc_end2:
_tile_overlayer_lowered:
.L_overlay_start_2:
0x71: {  	(tag) =	ssettag $0x2  }
0x72: {  	s0 =	rddreg [dreg:$0x0];
	s2 =	stileid.u32  }
0x73: {  	s1 =	rddreg [dreg:$0x1];
	p0 =	sne.s32 s2, $0x0  }
0x74: {  	s3 =	rddreg [dreg:$0x2];
	[bflag:$0x3] =	sbarrier.arrive $0xFFFF;
	s2 =	simm.s32 @!p0 $0x1C02  }
0x75: {  	[timem:s3], [sflag:s2] =	dma.local @!p0 [hbm:s0], s1  }
0x76: {  	s0 =	simm.s32 @!p0 $0x2  }
0x77: {  	_ =	swait.ge @!p0 [sflag:s0], s1  }
0x78: {  	s1 =	ssub.s32 @!p0 $0x0, s1;
	[sflag:s0] =	ssyncset.done @!p0 $0x0  }
0x79: {  	[sflag:s0] =	ssyncadd.s32 @!p0 s1  }
0x7a: {  	[bflag:$0x3] =	sbarrier.arrive $0xFFFF  }
0x7b: {  	_ =	shalt  }

</sc_bundles>
